<compile_context>
chip_gen: v7x
topology: tpu7x:2x2x1
jax: 0.10.2.dev20260603
libtpu: 0.0.44.dev20260713+nightly
codegen_flags: <defaults>
</compile_context>

<pallas_src>
import functools

import jax
import jax.numpy as jnp
from jax import lax
from jax.experimental import pallas as pl
from jax.experimental.pallas import tpu as pltpu
from jax.experimental.pallas import tpu_sc as plsc

_NC, _NS = 2, 16
_NW = _NC * _NS
_B = 16384
_D = 32
_U = 100001
_HALF = 50176
_PBLK = 1024
_NPB = _HALF // _PBLK
_BROWS = 784
_BPW = _B // _NW
_CHUNK = 128
_NCH = _BPW // _CHUNK


def _pack_body(gl, ml, gh, mh, out):
    eye = jnp.eye(_D, dtype=jnp.float32)
    t = lambda x: lax.dot_general(x[...], eye, (((0,), (0,)), ((), ())),
                                  preferred_element_type=jnp.float32)
    out[...] = jnp.concatenate([t(gl), t(ml), t(gh), t(mh)], axis=1)


_pack_lo = pl.BlockSpec((_D, _PBLK), lambda i: (0, i))
_pack_hi = pl.BlockSpec((_D, _PBLK), lambda i: (0, i + _NPB))

_pack = pl.pallas_call(
    _pack_body,
    grid=(_NPB,),
    in_specs=[_pack_lo, _pack_lo, _pack_hi, _pack_hi],
    out_specs=pl.BlockSpec((_PBLK, 128), lambda i: (i, 0)),
    out_shape=jax.ShapeDtypeStruct((_HALF, 128), jnp.float32),
)


def _sc_body(uid, iid, p_u, p_i, b_u, b_i,
             o_u, o_i, o_bs,
             idx, idx2, buf, bias_v, bias_u, sem, sem2):
    cid = lax.axis_index("c")
    sid = lax.axis_index("s")
    base = (cid * _NS + sid) * _BPW

    for ids_hbm, p, b, o_rows, bdst in ((uid, p_u, b_u, o_u, bias_u),
                                        (iid, p_i, b_i, o_i, bias_v)):
        for c in range(_NCH):
            pltpu.sync_copy(ids_hbm.at[pl.ds(base + c * _CHUNK, _CHUNK)],
                            idx.at[c])
        for c in range(_NCH):
            for k in range(_CHUNK // 16):
                sl = pl.ds(16 * k, 16)
                v = idx[c, sl]
                idx2[c, sl] = jnp.where(v < _HALF, v, v - _HALF)
        gs = [pltpu.async_copy(p.at[idx2.at[c]], buf.at[c], sem)
              for c in range(_NCH)]
        bs = [pltpu.async_copy(b.at[idx.at[c]], bdst.at[c], sem)
              for c in range(_NCH)]
        ws = []
        for c in range(_NCH):
            gs[c].wait()
            ws.append(pltpu.async_copy(
                buf.at[c], o_rows.at[pl.ds(base + c * _CHUNK, _CHUNK)], sem2))
        for b_h in bs:
            b_h.wait()
        for w in ws:
            w.wait()
    for c in range(_NCH):
        for k in range(_CHUNK // 16):
            sl = pl.ds(16 * k, 16)
            bias_v[c, sl] = bias_v[c, sl] + bias_u[c, sl]
    for c in range(_NCH):
        pltpu.sync_copy(bias_v.at[c],
                        o_bs.at[pl.ds(base + c * _CHUNK, _CHUNK)])


@functools.cache
def _make_sc_gather():
    return pl.kernel(
        _sc_body,
        out_type=[
            jax.ShapeDtypeStruct((_B, 128), jnp.float32),
            jax.ShapeDtypeStruct((_B, 128), jnp.float32),
            jax.ShapeDtypeStruct((_B,), jnp.float32),
        ],
        mesh=plsc.VectorSubcoreMesh(
            core_axis_name="c", subcore_axis_name="s",
            num_cores=_NC, num_subcores=_NS),
        scratch_types=[
            pltpu.VMEM((_NCH, _CHUNK), jnp.int32),
            pltpu.VMEM((_NCH, _CHUNK), jnp.int32),
            pltpu.VMEM((_NCH, _CHUNK, 128), jnp.float32),
            pltpu.VMEM((_NCH, _CHUNK), jnp.float32),
            pltpu.VMEM((_NCH, _CHUNK), jnp.float32),
            pltpu.SemaphoreType.DMA,
            pltpu.SemaphoreType.DMA,
        ],
        compiler_params=pltpu.CompilerParams(use_tc_tiling_on_sc=True,
                                             needs_layout_passes=False),
    )


_BLK = 4096
_NBLK = _B // _BLK


def _mm(a, b):
    return lax.dot_general(a, b, (((1,), (1,)), ((), ())),
                           preferred_element_type=jnp.float32)


def _tc_body(pu, pi, uidr, iidr, bs, w1, b1, w2, b2, wf, gb, bfs, out):
    pur = pu[...]
    pir = pi[...]
    su = uidr[...] < _HALF
    si = iidr[...] < _HALF
    gu = jnp.where(su, pur[:, 0:_D], pur[:, 64:64 + _D])
    mu = jnp.where(su, pur[:, _D:2 * _D], pur[:, 64 + _D:128])
    gi = jnp.where(si, pir[:, 0:_D], pir[:, 64:64 + _D])
    mi = jnp.where(si, pir[:, _D:2 * _D], pir[:, 64 + _D:128])
    w1v = w1[...]
    wfv = wf[...]
    h = _mm(mu, w1v[:, :_D]) + _mm(mi, w1v[:, _D:]) + b1[...]
    h = jnp.maximum(h, 0.0)
    h = _mm(h, w2[...]) + b2[...]
    r = jnp.sum(gu * gi * wfv[:, :_D], axis=1, keepdims=True)
    r = r + jnp.sum(h * wfv[:, _D:], axis=1, keepdims=True)
    out[...] = bs[...] + r + (gb[0, 0] + bfs[0, 0])


_prow_spec = pl.BlockSpec((_BLK, 128), lambda i: (i, 0))
_col_spec = pl.BlockSpec((_BLK, 1), lambda i: (i, 0))
_vec_spec = pl.BlockSpec((_BLK,), lambda i: (i,))
_full = lambda s: pl.BlockSpec(s, lambda i: (0,) * len(s))

_tc_dense = pl.pallas_call(
    _tc_body,
    grid=(_NBLK,),
    in_specs=[
        _prow_spec,
        _prow_spec,
        _col_spec,
        _col_spec,
        _col_spec,
        _full((_D, 2 * _D)),
        _full((1, _D)),
        _full((_D, _D)),
        _full((1, _D)),
        _full((1, 2 * _D)),
        _full((1, 1)),
        _full((1, 1)),
    ],
    out_specs=_col_spec,
    out_shape=jax.ShapeDtypeStruct((_B, 1), jnp.float32),
)


def kernel(d0, d1, d2, d3, d4, user_id, item_id, user_bias, item_bias,
           global_bias, gmf_user_emb, gmf_item_emb, mlp_user_emb, mlp_item_emb,
           W1, b1, W2, b2, Wf, bf):
    gut, mut = gmf_user_emb.T, mlp_user_emb.T
    git, mit = gmf_item_emb.T, mlp_item_emb.T
    p_u = _pack(gut, mut, gut, mut)
    p_i = _pack(git, mit, git, mit)
    o_u, o_i, bsum = _make_sc_gather()(user_id, item_id, p_u, p_i,
                                       user_bias, item_bias)
    out = _tc_dense(
        o_u, o_i, user_id.reshape(_B, 1), item_id.reshape(_B, 1),
        bsum.reshape(_B, 1),
        W1, b1.reshape(1, _D), W2, b2.reshape(1, _D), Wf,
        global_bias.reshape(1, 1), bf.reshape(1, 1))
    return out[:, 0]

# --- scband reference (transcript-rebuilt; emitter-appended) ---
"""Pipeline reference for scband-neu-mf-41575283425880 (READ-ONLY COPY).

The authoritative reference and input builder live on the scoring server;
editing this copy changes nothing except your own understanding.
"""

import jax, jax.numpy as jnp
import numpy as np

U = 100000
I = 100000
D = 32
B = 16384

def setup_inputs(seed: int = 0) -> dict:
    key = jax.random.key(seed)
    ks = jax.random.split(key, 16)
    inp = {}
    inp['d0'] = jnp.zeros((1,), dtype=jnp.float32)
    inp['d1'] = jnp.zeros((1,), dtype=jnp.float32)
    inp['d2'] = jnp.zeros((1,), dtype=jnp.float32)
    inp['d3'] = jnp.zeros((1,), dtype=jnp.float32)
    inp['d4'] = jnp.zeros((1,), dtype=jnp.float32)
    inp['user_id'] = jax.random.randint(ks[0], (B,), 0, U, dtype=jnp.int32)
    inp['item_id'] = jax.random.randint(ks[1], (B,), 0, I, dtype=jnp.int32)
    inp['user_bias'] = jnp.full((U + 1,), 0.1, dtype=jnp.float32)
    inp['item_bias'] = jnp.full((I + 1,), 0.1, dtype=jnp.float32)
    inp['global_bias'] = jnp.array([4.0], dtype=jnp.float32)
    inp['gmf_user_emb'] = jax.random.normal(ks[2], (U + 1, D), dtype=jnp.float32)
    inp['gmf_item_emb'] = jax.random.normal(ks[3], (I + 1, D), dtype=jnp.float32)
    inp['mlp_user_emb'] = jax.random.normal(ks[4], (U + 1, D), dtype=jnp.float32)
    inp['mlp_item_emb'] = jax.random.normal(ks[5], (I + 1, D), dtype=jnp.float32)
    lim1 = 1.0 / np.sqrt(2 * D)
    inp['W1'] = jax.random.uniform(ks[6], (D, 2 * D), minval=-lim1, maxval=lim1, dtype=jnp.float32)
    inp['b1'] = jax.random.uniform(ks[7], (D,), minval=-lim1, maxval=lim1, dtype=jnp.float32)
    lim2 = 1.0 / np.sqrt(D)
    inp['W2'] = jax.random.uniform(ks[8], (D, D), minval=-lim2, maxval=lim2, dtype=jnp.float32)
    inp['b2'] = jax.random.uniform(ks[9], (D,), minval=-lim2, maxval=lim2, dtype=jnp.float32)
    limf = 1.0 / np.sqrt(2 * D)
    inp['Wf'] = jax.random.uniform(ks[10], (1, 2 * D), minval=-limf, maxval=limf, dtype=jnp.float32)
    inp['bf'] = jax.random.uniform(ks[11], (1,), minval=-limf, maxval=limf, dtype=jnp.float32)
    return inp

def reference(d0, d1, d2, d3, d4, user_id, item_id, user_bias, item_bias, global_bias, gmf_user_emb, gmf_item_emb, mlp_user_emb, mlp_item_emb, W1, b1, W2, b2, Wf, bf):
    # dropout treated as identity (eval mode)
    ub = jnp.take(user_bias, user_id, axis=0)
    ib = jnp.take(item_bias, item_id, axis=0)
    u = jnp.take(gmf_user_emb, user_id, axis=0)
    it = jnp.take(gmf_item_emb, item_id, axis=0)
    gmf_joint = u * it
    mu = jnp.take(mlp_user_emb, user_id, axis=0)
    mi = jnp.take(mlp_item_emb, item_id, axis=0)
    mlp_joint = jnp.concatenate([mu, mi], axis=-1)
    h = jax.nn.relu(mlp_joint @ W1.T + b1)
    h = h @ W2.T + b2
    final = jnp.concatenate([gmf_joint, h], axis=-1)
    rating = (final @ Wf.T + bf)[:, 0]
    return ub + ib + global_bias[0] + rating

if __name__ == "__main__":
    import jax
    _d = setup_inputs()
    print(jax.jit(kernel)(*tuple(_d.values())))

</pallas_src>

<mosaic_0001>
#map = affine_map<(d0, d1) -> (0)>
#map1 = affine_map<(d0, d1) -> (0, 0)>
module attributes {stable_mosaic.version = 14 : i64} {
  func.func @_sc_body(%arg0: i32, %arg1: i32, %arg2: memref<16384xi32, #tpu.memory_space<hbm>>, %arg3: memref<16384xi32, #tpu.memory_space<hbm>>, %arg4: memref<50176x128xf32, #tpu.memory_space<hbm>>, %arg5: memref<50176x128xf32, #tpu.memory_space<hbm>>, %arg6: memref<100001xf32, #tpu.memory_space<hbm>>, %arg7: memref<100001xf32, #tpu.memory_space<hbm>>, %arg8: memref<16384x128xf32, #tpu.memory_space<hbm>>, %arg9: memref<16384x128xf32, #tpu.memory_space<hbm>>, %arg10: memref<16384xf32, #tpu.memory_space<hbm>>, %arg11: memref<4x128xi32, #tpu.memory_space<vmem>>, %arg12: memref<4x128xi32, #tpu.memory_space<vmem>>, %arg13: memref<4x128x128xf32, #tpu.memory_space<vmem>>, %arg14: memref<4x128xf32, #tpu.memory_space<vmem>>, %arg15: memref<4x128xf32, #tpu.memory_space<vmem>>, %arg16: memref<!tpu.dma_semaphore, #tpu.memory_space<semaphore_mem>>, %arg17: memref<!tpu.dma_semaphore, #tpu.memory_space<semaphore_mem>>) attributes {dimension_semantics = [#tpu.dimension_semantics<core_parallel>, #tpu.dimension_semantics<subcore_parallel>], iteration_bounds = array<i64: 2, 16>, scalar_prefetch = 0 : i64, scratch_operands = 7 : i64, tpu.core_type = #tpu.core_type<sc_vector_subcore>, window_params = [{transform_indices = #map}, {transform_indices = #map}, {transform_indices = #map1}, {transform_indices = #map1}, {transform_indices = #map}, {transform_indices = #map}, {transform_indices = #map1}, {transform_indices = #map1}, {transform_indices = #map}]} {
    %mul3A = arith.constant 16 : i32
    %mul3A_0 = arith.muli %arg0, %mul3A : i32
    %add3A = arith.addi %mul3A_0, %arg1 : i32
    %mul3A_1 = arith.constant 512 : i32
    %mul3A_2 = arith.muli %add3A, %mul3A_1 : i32
    %add3A_3 = arith.constant 0 : i32
    %add3A_4 = arith.addi %mul3A_2, %add3A_3 : i32
    %run_scoped3A = arith.constant 0 : i32
    "tpu.region"() ({
      %run_scoped3A_1983 = tpu.sem_alloc : memref<!tpu.dma_semaphore, #tpu.memory_space<semaphore_mem>>
      %dma_start3A_1984 = arith.constant 0 : i32
      %dma_start3A_1985 = tpu.memref_slice %arg11[%run_scoped3A, %dma_start3A_1984] : memref<4x128xi32, #tpu.memory_space<vmem>> -> memref<1x128xi32, #tpu.memory_space<vmem>>
      %dma_start3A_1986 = tpu.memref_squeeze %dma_start3A_1985 : memref<1x128xi32, #tpu.memory_space<vmem>> -> memref<128xi32, #tpu.memory_space<vmem>>
      %dma_start3A_1987 = tpu.memref_slice %arg2[%add3A_4] : memref<16384xi32, #tpu.memory_space<hbm>> -> memref<128xi32, #tpu.memory_space<hbm>>
      %dma_start3A_1988 = arith.constant 0 : i32
      %dma_start3A_1989 = tpu.memref_slice %arg11[%run_scoped3A, %dma_start3A_1988] : memref<4x128xi32, #tpu.memory_space<vmem>> -> memref<1x128xi32, #tpu.memory_space<vmem>>
      %dma_start3A_1990 = tpu.memref_squeeze %dma_start3A_1989 : memref<1x128xi32, #tpu.memory_space<vmem>> -> memref<128xi32, #tpu.memory_space<vmem>>
      %dma_start3A_1991 = tpu.memref_slice %arg2[%add3A_4] : memref<16384xi32, #tpu.memory_space<hbm>> -> memref<128xi32, #tpu.memory_space<hbm>>
      tpu.enqueue_dma source(%dma_start3A_1991 : memref<128xi32, #tpu.memory_space<hbm>>) target(%dma_start3A_1990 : memref<128xi32, #tpu.memory_space<vmem>>) target_semaphore(%run_scoped3A_1983 : memref<!tpu.dma_semaphore, #tpu.memory_space<semaphore_mem>>)
      %dma_wait3A_1992 = arith.constant 0 : i32
      %dma_wait3A_1993 = tpu.memref_slice %arg11[%run_scoped3A, %dma_wait3A_1992] : memref<4x128xi32, #tpu.memory_space<vmem>> -> memref<1x128xi32, #tpu.memory_space<vmem>>
      %dma_wait3A_1994 = tpu.memref_squeeze %dma_wait3A_1993 : memref<1x128xi32, #tpu.memory_space<vmem>> -> memref<128xi32, #tpu.memory_space<vmem>>
      %dma_wait3A_1995 = tpu.memref_slice %arg2[%add3A_4] : memref<16384xi32, #tpu.memory_space<hbm>> -> memref<128xi32, #tpu.memory_space<hbm>>
      %dma_wait3A_1996 = arith.constant 0 : i32
      %dma_wait3A_1997 = tpu.memref_slice %arg11[%run_scoped3A, %dma_wait3A_1996] : memref<4x128xi32, #tpu.memory_space<vmem>> -> memref<1x128xi32, #tpu.memory_space<vmem>>
      %dma_wait3A_1998 = tpu.memref_squeeze %dma_wait3A_1997 : memref<1x128xi32, #tpu.memory_space<vmem>> -> memref<128xi32, #tpu.memory_space<vmem>>
      %dma_wait3A_1999 = tpu.memref_slice %arg2[%add3A_4] : memref<16384xi32, #tpu.memory_space<hbm>> -> memref<128xi32, #tpu.memory_space<hbm>>
      tpu.wait_dma2 semaphore(%run_scoped3A_1983 : memref<!tpu.dma_semaphore, #tpu.memory_space<semaphore_mem>>) src(%dma_wait3A_1999 : memref<128xi32, #tpu.memory_space<hbm>>) dst(%dma_wait3A_1998 : memref<128xi32, #tpu.memory_space<vmem>>)
      tpu.yield
    }) : () -> ()
    %add3A_5 = arith.constant 128 : i32
    %add3A_6 = arith.addi %mul3A_2, %add3A_5 : i32
    %run_scoped3A_7 = arith.constant 1 : i32
    "tpu.region"() ({
      %run_scoped3A_1983 = tpu.sem_alloc : memref<!tpu.dma_semaphore, #tpu.memory_space<semaphore_mem>>
      %dma_start3A_1984 = arith.constant 0 : i32
      %dma_start3A_1985 = tpu.memref_slice %arg11[%run_scoped3A_7, %dma_start3A_1984] : memref<4x128xi32, #tpu.memory_space<vmem>> -> memref<1x128xi32, #tpu.memory_space<vmem>>
      %dma_start3A_1986 = tpu.memref_squeeze %dma_start3A_1985 : memref<1x128xi32, #tpu.memory_space<vmem>> -> memref<128xi32, #tpu.memory_space<vmem>>
      %dma_start3A_1987 = tpu.memref_slice %arg2[%add3A_6] : memref<16384xi32, #tpu.memory_space<hbm>> -> memref<128xi32, #tpu.memory_space<hbm>>
      %dma_start3A_1988 = arith.constant 0 : i32
      %dma_start3A_1989 = tpu.memref_slice %arg11[%run_scoped3A_7, %dma_start3A_1988] : memref<4x128xi32, #tpu.memory_space<vmem>> -> memref<1x128xi32, #tpu.memory_space<vmem>>
      %dma_start3A_1990 = tpu.memref_squeeze %dma_start3A_1989 : memref<1x128xi32, #tpu.memory_space<vmem>> -> memref<128xi32, #tpu.memory_space<vmem>>
      %dma_start3A_1991 = tpu.memref_slice %arg2[%add3A_6] : memref<16384xi32, #tpu.memory_space<hbm>> -> memref<128xi32, #tpu.memory_space<hbm>>
      tpu.enqueue_dma source(%dma_start3A_1991 : memref<128xi32, #tpu.memory_space<hbm>>) target(%dma_start3A_1990 : memref<128xi32, #tpu.memory_space<vmem>>) target_semaphore(%run_scoped3A_1983 : memref<!tpu.dma_semaphore, #tpu.memory_space<semaphore_mem>>)
      %dma_wait3A_1992 = arith.constant 0 : i32
      %dma_wait3A_1993 = tpu.memref_slice %arg11[%run_scoped3A_7, %dma_wait3A_1992] : memref<4x128xi32, #tpu.memory_space<vmem>> -> memref<1x128xi32, #tpu.memory_space<vmem>>
      %dma_wait3A_1994 = tpu.memref_squeeze %dma_wait3A_1993 : memref<1x128xi32, #tpu.memory_space<vmem>> -> memref<128xi32, #tpu.memory_space<vmem>>
      %dma_wait3A_1995 = tpu.memref_slice %arg2[%add3A_6] : memref<16384xi32, #tpu.memory_space<hbm>> -> memref<128xi32, #tpu.memory_space<hbm>>
      %dma_wait3A_1996 = arith.constant 0 : i32
      %dma_wait3A_1997 = tpu.memref_slice %arg11[%run_scoped3A_7, %dma_wait3A_1996] : memref<4x128xi32, #tpu.memory_space<vmem>> -> memref<1x128xi32, #tpu.memory_space<vmem>>
      %dma_wait3A_1998 = tpu.memref_squeeze %dma_wait3A_1997 : memref<1x128xi32, #tpu.memory_space<vmem>> -> memref<128xi32, #tpu.memory_space<vmem>>
      %dma_wait3A_1999 = tpu.memref_slice %arg2[%add3A_6] : memref<16384xi32, #tpu.memory_space<hbm>> -> memref<128xi32, #tpu.memory_space<hbm>>
      tpu.wait_dma2 semaphore(%run_scoped3A_1983 : memref<!tpu.dma_semaphore, #tpu.memory_space<semaphore_mem>>) src(%dma_wait3A_1999 : memref<128xi32, #tpu.memory_space<hbm>>) dst(%dma_wait3A_1998 : memref<128xi32, #tpu.memory_space<vmem>>)
      tpu.yield
    }) : () -> ()
    %add3A_8 = arith.constant 256 : i32
    %add3A_9 = arith.addi %mul3A_2, %add3A_8 : i32
    %run_scoped3A_10 = arith.constant 2 : i32
    "tpu.region"() ({
      %run_scoped3A_1983 = tpu.sem_alloc : memref<!tpu.dma_semaphore, #tpu.memory_space<semaphore_mem>>
      %dma_start3A_1984 = arith.constant 0 : i32
      %dma_start3A_1985 = tpu.memref_slice %arg11[%run_scoped3A_10, %dma_start3A_1984] : memref<4x128xi32, #tpu.memory_space<vmem>> -> memref<1x128xi32, #tpu.memory_space<vmem>>
      %dma_start3A_1986 = tpu.memref_squeeze %dma_start3A_1985 : memref<1x128xi32, #tpu.memory_space<vmem>> -> memref<128xi32, #tpu.memory_space<vmem>>
      %dma_start3A_1987 = tpu.memref_slice %arg2[%add3A_9] : memref<16384xi32, #tpu.memory_space<hbm>> -> memref<128xi32, #tpu.memory_space<hbm>>
      %dma_start3A_1988 = arith.constant 0 : i32
      %dma_start3A_1989 = tpu.memref_slice %arg11[%run_scoped3A_10, %dma_start3A_1988] : memref<4x128xi32, #tpu.memory_space<vmem>> -> memref<1x128xi32, #tpu.memory_space<vmem>>
      %dma_start3A_1990 = tpu.memref_squeeze %dma_start3A_1989 : memref<1x128xi32, #tpu.memory_space<vmem>> -> memref<128xi32, #tpu.memory_space<vmem>>
      %dma_start3A_1991 = tpu.memref_slice %arg2[%add3A_9] : memref<16384xi32, #tpu.memory_space<hbm>> -> memref<128xi32, #tpu.memory_space<hbm>>
      tpu.enqueue_dma source(%dma_start3A_1991 : memref<128xi32, #tpu.memory_space<hbm>>) target(%dma_start3A_1990 : memref<128xi32, #tpu.memory_space<vmem>>) target_semaphore(%run_scoped3A_1983 : memref<!tpu.dma_semaphore, #tpu.memory_space<semaphore_mem>>)
      %dma_wait3A_1992 = arith.constant 0 : i32
      %dma_wait3A_1993 = tpu.memref_slice %arg11[%run_scoped3A_10, %dma_wait3A_1992] : memref<4x128xi32, #tpu.memory_space<vmem>> -> memref<1x128xi32, #tpu.memory_space<vmem>>
      %dma_wait3A_1994 = tpu.memref_squeeze %dma_wait3A_1993 : memref<1x128xi32, #tpu.memory_space<vmem>> -> memref<128xi32, #tpu.memory_space<vmem>>
      %dma_wait3A_1995 = tpu.memref_slice %arg2[%add3A_9] : memref<16384xi32, #tpu.memory_space<hbm>> -> memref<128xi32, #tpu.memory_space<hbm>>
      %dma_wait3A_1996 = arith.constant 0 : i32
      %dma_wait3A_1997 = tpu.memref_slice %arg11[%run_scoped3A_10, %dma_wait3A_1996] : memref<4x128xi32, #tpu.memory_space<vmem>> -> memref<1x128xi32, #tpu.memory_space<vmem>>
      %dma_wait3A_1998 = tpu.memref_squeeze %dma_wait3A_1997 : memref<1x128xi32, #tpu.memory_space<vmem>> -> memref<128xi32, #tpu.memory_space<vmem>>
      %dma_wait3A_1999 = tpu.memref_slice %arg2[%add3A_9] : memref<16384xi32, #tpu.memory_space<hbm>> -> memref<128xi32, #tpu.memory_space<hbm>>
      tpu.wait_dma2 semaphore(%run_scoped3A_1983 : memref<!tpu.dma_semaphore, #tpu.memory_space<semaphore_mem>>) src(%dma_wait3A_1999 : memref<128xi32, #tpu.memory_space<hbm>>) dst(%dma_wait3A_1998 : memref<128xi32, #tpu.memory_space<vmem>>)
      tpu.yield
    }) : () -> ()
    %add3A_11 = arith.constant 384 : i32
    %add3A_12 = arith.addi %mul3A_2, %add3A_11 : i32
    %run_scoped3A_13 = arith.constant 3 : i32
    "tpu.region"() ({
      %run_scoped3A_1983 = tpu.sem_alloc : memref<!tpu.dma_semaphore, #tpu.memory_space<semaphore_mem>>
      %dma_start3A_1984 = arith.constant 0 : i32
      %dma_start3A_1985 = tpu.memref_slice %arg11[%run_scoped3A_13, %dma_start3A_1984] : memref<4x128xi32, #tpu.memory_space<vmem>> -> memref<1x128xi32, #tpu.memory_space<vmem>>
      %dma_start3A_1986 = tpu.memref_squeeze %dma_start3A_1985 : memref<1x128xi32, #tpu.memory_space<vmem>> -> memref<128xi32, #tpu.memory_space<vmem>>
      %dma_start3A_1987 = tpu.memref_slice %arg2[%add3A_12] : memref<16384xi32, #tpu.memory_space<hbm>> -> memref<128xi32, #tpu.memory_space<hbm>>
      %dma_start3A_1988 = arith.constant 0 : i32
      %dma_start3A_1989 = tpu.memref_slice %arg11[%run_scoped3A_13, %dma_start3A_1988] : memref<4x128xi32, #tpu.memory_space<vmem>> -> memref<1x128xi32, #tpu.memory_space<vmem>>
      %dma_start3A_1990 = tpu.memref_squeeze %dma_start3A_1989 : memref<1x128xi32, #tpu.memory_space<vmem>> -> memref<128xi32, #tpu.memory_space<vmem>>
      %dma_start3A_1991 = tpu.memref_slice %arg2[%add3A_12] : memref<16384xi32, #tpu.memory_space<hbm>> -> memref<128xi32, #tpu.memory_space<hbm>>
      tpu.enqueue_dma source(%dma_start3A_1991 : memref<128xi32, #tpu.memory_space<hbm>>) target(%dma_start3A_1990 : memref<128xi32, #tpu.memory_space<vmem>>) target_semaphore(%run_scoped3A_1983 : memref<!tpu.dma_semaphore, #tpu.memory_space<semaphore_mem>>)
      %dma_wait3A_1992 = arith.constant 0 : i32
      %dma_wait3A_1993 = tpu.memref_slice %arg11[%run_scoped3A_13, %dma_wait3A_1992] : memref<4x128xi32, #tpu.memory_space<vmem>> -> memref<1x128xi32, #tpu.memory_space<vmem>>
      %dma_wait3A_1994 = tpu.memref_squeeze %dma_wait3A_1993 : memref<1x128xi32, #tpu.memory_space<vmem>> -> memref<128xi32, #tpu.memory_space<vmem>>
      %dma_wait3A_1995 = tpu.memref_slice %arg2[%add3A_12] : memref<16384xi32, #tpu.memory_space<hbm>> -> memref<128xi32, #tpu.memory_space<hbm>>
      %dma_wait3A_1996 = arith.constant 0 : i32
      %dma_wait3A_1997 = tpu.memref_slice %arg11[%run_scoped3A_13, %dma_wait3A_1996] : memref<4x128xi32, #tpu.memory_space<vmem>> -> memref<1x128xi32, #tpu.memory_space<vmem>>
      %dma_wait3A_1998 = tpu.memref_squeeze %dma_wait3A_1997 : memref<1x128xi32, #tpu.memory_space<vmem>> -> memref<128xi32, #tpu.memory_space<vmem>>
      %dma_wait3A_1999 = tpu.memref_slice %arg2[%add3A_12] : memref<16384xi32, #tpu.memory_space<hbm>> -> memref<128xi32, #tpu.memory_space<hbm>>
      tpu.wait_dma2 semaphore(%run_scoped3A_1983 : memref<!tpu.dma_semaphore, #tpu.memory_space<semaphore_mem>>) src(%dma_wait3A_1999 : memref<128xi32, #tpu.memory_space<hbm>>) dst(%dma_wait3A_1998 : memref<128xi32, #tpu.memory_space<vmem>>)
      tpu.yield
    }) : () -> ()
    %get3A = arith.constant 0 : i32
    %get3A_14 = arith.index_cast %get3A : i32 to index
    %get3A_15 = arith.constant 0 : index
    %get3A_16 = tpu.vector_load %arg11[%get3A_14, %get3A_15] {strides = array<i32>} : memref<4x128xi32, #tpu.memory_space<vmem>>, vector<16xi32>,
    %lt3A = arith.constant 50176 : i32
    %lt3A_17 = vector.broadcast %lt3A : i32 to vector<16xi32>
    %lt3A_18 = arith.cmpi slt, %get3A_16, %lt3A_17 : vector<16xi32>
    %sub3A = arith.constant 50176 : i32
    %sub3A_19 = vector.broadcast %sub3A : i32 to vector<16xi32>
    %sub3A_20 = arith.subi %get3A_16, %sub3A_19 : vector<16xi32>
    %select_n3A = arith.select %lt3A_18, %get3A_16, %sub3A_20 : vector<16xi1>, vector<16xi32>
    %swap3A = arith.constant 0 : i32
    %swap3A_21 = arith.index_cast %swap3A : i32 to index
    %swap3A_22 = arith.constant 0 : index
    %swap3A_23 = tpu.vector_load %arg12[%swap3A_21, %swap3A_22] {strides = array<i32>} : memref<4x128xi32, #tpu.memory_space<vmem>>, vector<16xi32>,
    tpu.vector_store %arg12[%swap3A_21, %swap3A_22], %select_n3A {strides = array<i32>} : memref<4x128xi32, #tpu.memory_space<vmem>>, vector<16xi32>,
    %get3A_24 = arith.constant 0 : i32
    %get3A_25 = arith.index_cast %get3A_24 : i32 to index
    %get3A_26 = arith.constant 16 : index
    %get3A_27 = tpu.vector_load %arg11[%get3A_25, %get3A_26] {strides = array<i32>} : memref<4x128xi32, #tpu.memory_space<vmem>>, vector<16xi32>,
    %lt3A_28 = arith.constant 50176 : i32
    %lt3A_29 = vector.broadcast %lt3A_28 : i32 to vector<16xi32>
    %lt3A_30 = arith.cmpi slt, %get3A_27, %lt3A_29 : vector<16xi32>
    %sub3A_31 = arith.constant 50176 : i32
    %sub3A_32 = vector.broadcast %sub3A_31 : i32 to vector<16xi32>
    %sub3A_33 = arith.subi %get3A_27, %sub3A_32 : vector<16xi32>
    %select_n3A_34 = arith.select %lt3A_30, %get3A_27, %sub3A_33 : vector<16xi1>, vector<16xi32>
    %swap3A_35 = arith.constant 0 : i32
    %swap3A_36 = arith.index_cast %swap3A_35 : i32 to index
    %swap3A_37 = arith.constant 16 : index
    %swap3A_38 = tpu.vector_load %arg12[%swap3A_36, %swap3A_37] {strides = array<i32>} : memref<4x128xi32, #tpu.memory_space<vmem>>, vector<16xi32>,
    tpu.vector_store %arg12[%swap3A_36, %swap3A_37], %select_n3A_34 {strides = array<i32>} : memref<4x128xi32, #tpu.memory_space<vmem>>, vector<16xi32>,
    %get3A_39 = arith.constant 0 : i32
    %get3A_40 = arith.index_cast %get3A_39 : i32 to index
    %get3A_41 = arith.constant 32 : index
    %get3A_42 = tpu.vector_load %arg11[%get3A_40, %get3A_41] {strides = array<i32>} : memref<4x128xi32, #tpu.memory_space<vmem>>, vector<16xi32>,
    %lt3A_43 = arith.constant 50176 : i32
    %lt3A_44 = vector.broadcast %lt3A_43 : i32 to vector<16xi32>
    %lt3A_45 = arith.cmpi slt, %get3A_42, %lt3A_44 : vector<16xi32>
    %sub3A_46 = arith.constant 50176 : i32
    %sub3A_47 = vector.broadcast %sub3A_46 : i32 to vector<16xi32>
    %sub3A_48 = arith.subi %get3A_42, %sub3A_47 : vector<16xi32>
    %select_n3A_49 = arith.select %lt3A_45, %get3A_42, %sub3A_48 : vector<16xi1>, vector<16xi32>
    %swap3A_50 = arith.constant 0 : i32
    %swap3A_51 = arith.index_cast %swap3A_50 : i32 to index
    %swap3A_52 = arith.constant 32 : index
    %swap3A_53 = tpu.vector_load %arg12[%swap3A_51, %swap3A_52] {strides = array<i32>} : memref<4x128xi32, #tpu.memory_space<vmem>>, vector<16xi32>,
    tpu.vector_store %arg12[%swap3A_51, %swap3A_52], %select_n3A_49 {strides = array<i32>} : memref<4x128xi32, #tpu.memory_space<vmem>>, vector<16xi32>,
    %get3A_54 = arith.constant 0 : i32
    %get3A_55 = arith.index_cast %get3A_54 : i32 to index
    %get3A_56 = arith.constant 48 : index
    %get3A_57 = tpu.vector_load %arg11[%get3A_55, %get3A_56] {strides = array<i32>} : memref<4x128xi32, #tpu.memory_space<vmem>>, vector<16xi32>,
    %lt3A_58 = arith.constant 50176 : i32
    %lt3A_59 = vector.broadcast %lt3A_58 : i32 to vector<16xi32>
    %lt3A_60 = arith.cmpi slt, %get3A_57, %lt3A_59 : vector<16xi32>
    %sub3A_61 = arith.constant 50176 : i32
    %sub3A_62 = vector.broadcast %sub3A_61 : i32 to vector<16xi32>
    %sub3A_63 = arith.subi %get3A_57, %sub3A_62 : vector<16xi32>
    %select_n3A_64 = arith.select %lt3A_60, %get3A_57, %sub3A_63 : vector<16xi1>, vector<16xi32>
    %swap3A_65 = arith.constant 0 : i32
    %swap3A_66 = arith.index_cast %swap3A_65 : i32 to index
    %swap3A_67 = arith.constant 48 : index
    %swap3A_68 = tpu.vector_load %arg12[%swap3A_66, %swap3A_67] {strides = array<i32>} : memref<4x128xi32, #tpu.memory_space<vmem>>, vector<16xi32>,
    tpu.vector_store %arg12[%swap3A_66, %swap3A_67], %select_n3A_64 {strides = array<i32>} : memref<4x128xi32, #tpu.memory_space<vmem>>, vector<16xi32>,
    %get3A_69 = arith.constant 0 : i32
    %get3A_70 = arith.index_cast %get3A_69 : i32 to index
    %get3A_71 = arith.constant 64 : index
    %get3A_72 = tpu.vector_load %arg11[%get3A_70, %get3A_71] {strides = array<i32>} : memref<4x128xi32, #tpu.memory_space<vmem>>, vector<16xi32>,
    %lt3A_73 = arith.constant 50176 : i32
    %lt3A_74 = vector.broadcast %lt3A_73 : i32 to vector<16xi32>
    %lt3A_75 = arith.cmpi slt, %get3A_72, %lt3A_74 : vector<16xi32>
    %sub3A_76 = arith.constant 50176 : i32
    %sub3A_77 = vector.broadcast %sub3A_76 : i32 to vector<16xi32>
    %sub3A_78 = arith.subi %get3A_72, %sub3A_77 : vector<16xi32>
    %select_n3A_79 = arith.select %lt3A_75, %get3A_72, %sub3A_78 : vector<16xi1>, vector<16xi32>
    %swap3A_80 = arith.constant 0 : i32
    %swap3A_81 = arith.index_cast %swap3A_80 : i32 to index
    %swap3A_82 = arith.constant 64 : index
    %swap3A_83 = tpu.vector_load %arg12[%swap3A_81, %swap3A_82] {strides = array<i32>} : memref<4x128xi32, #tpu.memory_space<vmem>>, vector<16xi32>,
    tpu.vector_store %arg12[%swap3A_81, %swap3A_82], %select_n3A_79 {strides = array<i32>} : memref<4x128xi32, #tpu.memory_space<vmem>>, vector<16xi32>,
    %get3A_84 = arith.constant 0 : i32
    %get3A_85 = arith.index_cast %get3A_84 : i32 to index
    %get3A_86 = arith.constant 80 : index
    %get3A_87 = tpu.vector_load %arg11[%get3A_85, %get3A_86] {strides = array<i32>} : memref<4x128xi32, #tpu.memory_space<vmem>>, vector<16xi32>,
    %lt3A_88 = arith.constant 50176 : i32
    %lt3A_89 = vector.broadcast %lt3A_88 : i32 to vector<16xi32>
    %lt3A_90 = arith.cmpi slt, %get3A_87, %lt3A_89 : vector<16xi32>
    %sub3A_91 = arith.constant 50176 : i32
    %sub3A_92 = vector.broadcast %sub3A_91 : i32 to vector<16xi32>
    %sub3A_93 = arith.subi %get3A_87, %sub3A_92 : vector<16xi32>
    %select_n3A_94 = arith.select %lt3A_90, %get3A_87, %sub3A_93 : vector<16xi1>, vector<16xi32>
    %swap3A_95 = arith.constant 0 : i32
    %swap3A_96 = arith.index_cast %swap3A_95 : i32 to index
    %swap3A_97 = arith.constant 80 : index
    %swap3A_98 = tpu.vector_load %arg12[%swap3A_96, %swap3A_97] {strides = array<i32>} : memref<4x128xi32, #tpu.memory_space<vmem>>, vector<16xi32>,
    tpu.vector_store %arg12[%swap3A_96, %swap3A_97], %select_n3A_94 {strides = array<i32>} : memref<4x128xi32, #tpu.memory_space<vmem>>, vector<16xi32>,
    %get3A_99 = arith.constant 0 : i32
    %get3A_100 = arith.index_cast %get3A_99 : i32 to index
    %get3A_101 = arith.constant 96 : index
    %get3A_102 = tpu.vector_load %arg11[%get3A_100, %get3A_101] {strides = array<i32>} : memref<4x128xi32, #tpu.memory_space<vmem>>, vector<16xi32>,
    %lt3A_103 = arith.constant 50176 : i32
    %lt3A_104 = vector.broadcast %lt3A_103 : i32 to vector<16xi32>
    %lt3A_105 = arith.cmpi slt, %get3A_102, %lt3A_104 : vector<16xi32>
    %sub3A_106 = arith.constant 50176 : i32
    %sub3A_107 = vector.broadcast %sub3A_106 : i32 to vector<16xi32>
    %sub3A_108 = arith.subi %get3A_102, %sub3A_107 : vector<16xi32>
    %select_n3A_109 = arith.select %lt3A_105, %get3A_102, %sub3A_108 : vector<16xi1>, vector<16xi32>
    %swap3A_110 = arith.constant 0 : i32
    %swap3A_111 = arith.index_cast %swap3A_110 : i32 to index
    %swap3A_112 = arith.constant 96 : index
    %swap3A_113 = tpu.vector_load %arg12[%swap3A_111, %swap3A_112] {strides = array<i32>} : memref<4x128xi32, #tpu.memory_space<vmem>>, vector<16xi32>,
    tpu.vector_store %arg12[%swap3A_111, %swap3A_112], %select_n3A_109 {strides = array<i32>} : memref<4x128xi32, #tpu.memory_space<vmem>>, vector<16xi32>,
    %get3A_114 = arith.constant 0 : i32
    %get3A_115 = arith.index_cast %get3A_114 : i32 to index
    %get3A_116 = arith.constant 112 : index
    %get3A_117 = tpu.vector_load %arg11[%get3A_115, %get3A_116] {strides = array<i32>} : memref<4x128xi32, #tpu.memory_space<vmem>>, vector<16xi32>,
    %lt3A_118 = arith.constant 50176 : i32
    %lt3A_119 = vector.broadcast %lt3A_118 : i32 to vector<16xi32>
    %lt3A_120 = arith.cmpi slt, %get3A_117, %lt3A_119 : vector<16xi32>
    %sub3A_121 = arith.constant 50176 : i32
    %sub3A_122 = vector.broadcast %sub3A_121 : i32 to vector<16xi32>
    %sub3A_123 = arith.subi %get3A_117, %sub3A_122 : vector<16xi32>
    %select_n3A_124 = arith.select %lt3A_120, %get3A_117, %sub3A_123 : vector<16xi1>, vector<16xi32>
    %swap3A_125 = arith.constant 0 : i32
    %swap3A_126 = arith.index_cast %swap3A_125 : i32 to index
    %swap3A_127 = arith.constant 112 : index
    %swap3A_128 = tpu.vector_load %arg12[%swap3A_126, %swap3A_127] {strides = array<i32>} : memref<4x128xi32, #tpu.memory_space<vmem>>, vector<16xi32>,
    tpu.vector_store %arg12[%swap3A_126, %swap3A_127], %select_n3A_124 {strides = array<i32>} : memref<4x128xi32, #tpu.memory_space<vmem>>, vector<16xi32>,
    %get3A_129 = arith.constant 1 : i32
    %get3A_130 = arith.index_cast %get3A_129 : i32 to index
    %get3A_131 = arith.constant 0 : index
    %get3A_132 = tpu.vector_load %arg11[%get3A_130, %get3A_131] {strides = array<i32>} : memref<4x128xi32, #tpu.memory_space<vmem>>, vector<16xi32>,
    %lt3A_133 = arith.constant 50176 : i32
    %lt3A_134 = vector.broadcast %lt3A_133 : i32 to vector<16xi32>
    %lt3A_135 = arith.cmpi slt, %get3A_132, %lt3A_134 : vector<16xi32>
    %sub3A_136 = arith.constant 50176 : i32
    %sub3A_137 = vector.broadcast %sub3A_136 : i32 to vector<16xi32>
    %sub3A_138 = arith.subi %get3A_132, %sub3A_137 : vector<16xi32>
    %select_n3A_139 = arith.select %lt3A_135, %get3A_132, %sub3A_138 : vector<16xi1>, vector<16xi32>
    %swap3A_140 = arith.constant 1 : i32
    %swap3A_141 = arith.index_cast %swap3A_140 : i32 to index
    %swap3A_142 = arith.constant 0 : index
    %swap3A_143 = tpu.vector_load %arg12[%swap3A_141, %swap3A_142] {strides = array<i32>} : memref<4x128xi32, #tpu.memory_space<vmem>>, vector<16xi32>,
    tpu.vector_store %arg12[%swap3A_141, %swap3A_142], %select_n3A_139 {strides = array<i32>} : memref<4x128xi32, #tpu.memory_space<vmem>>, vector<16xi32>,
    %get3A_144 = arith.constant 1 : i32
    %get3A_145 = arith.index_cast %get3A_144 : i32 to index
    %get3A_146 = arith.constant 16 : index
    %get3A_147 = tpu.vector_load %arg11[%get3A_145, %get3A_146] {strides = array<i32>} : memref<4x128xi32, #tpu.memory_space<vmem>>, vector<16xi32>,
    %lt3A_148 = arith.constant 50176 : i32
    %lt3A_149 = vector.broadcast %lt3A_148 : i32 to vector<16xi32>
    %lt3A_150 = arith.cmpi slt, %get3A_147, %lt3A_149 : vector<16xi32>
    %sub3A_151 = arith.constant 50176 : i32
    %sub3A_152 = vector.broadcast %sub3A_151 : i32 to vector<16xi32>
    %sub3A_153 = arith.subi %get3A_147, %sub3A_152 : vector<16xi32>
    %select_n3A_154 = arith.select %lt3A_150, %get3A_147, %sub3A_153 : vector<16xi1>, vector<16xi32>
    %swap3A_155 = arith.constant 1 : i32
    %swap3A_156 = arith.index_cast %swap3A_155 : i32 to index
    %swap3A_157 = arith.constant 16 : index
    %swap3A_158 = tpu.vector_load %arg12[%swap3A_156, %swap3A_157] {strides = array<i32>} : memref<4x128xi32, #tpu.memory_space<vmem>>, vector<16xi32>,
    tpu.vector_store %arg12[%swap3A_156, %swap3A_157], %select_n3A_154 {strides = array<i32>} : memref<4x128xi32, #tpu.memory_space<vmem>>, vector<16xi32>,
    %get3A_159 = arith.constant 1 : i32
    %get3A_160 = arith.index_cast %get3A_159 : i32 to index
    %get3A_161 = arith.constant 32 : index
    %get3A_162 = tpu.vector_load %arg11[%get3A_160, %get3A_161] {strides = array<i32>} : memref<4x128xi32, #tpu.memory_space<vmem>>, vector<16xi32>,
    %lt3A_163 = arith.constant 50176 : i32
    %lt3A_164 = vector.broadcast %lt3A_163 : i32 to vector<16xi32>
    %lt3A_165 = arith.cmpi slt, %get3A_162, %lt3A_164 : vector<16xi32>
    %sub3A_166 = arith.constant 50176 : i32
    %sub3A_167 = vector.broadcast %sub3A_166 : i32 to vector<16xi32>
    %sub3A_168 = arith.subi %get3A_162, %sub3A_167 : vector<16xi32>
    %select_n3A_169 = arith.select %lt3A_165, %get3A_162, %sub3A_168 : vector<16xi1>, vector<16xi32>
    %swap3A_170 = arith.constant 1 : i32
    %swap3A_171 = arith.index_cast %swap3A_170 : i32 to index
    %swap3A_172 = arith.constant 32 : index
    %swap3A_173 = tpu.vector_load %arg12[%swap3A_171, %swap3A_172] {strides = array<i32>} : memref<4x128xi32, #tpu.memory_space<vmem>>, vector<16xi32>,
    tpu.vector_store %arg12[%swap3A_171, %swap3A_172], %select_n3A_169 {strides = array<i32>} : memref<4x128xi32, #tpu.memory_space<vmem>>, vector<16xi32>,
    %get3A_174 = arith.constant 1 : i32
    %get3A_175 = arith.index_cast %get3A_174 : i32 to index
    %get3A_176 = arith.constant 48 : index
    %get3A_177 = tpu.vector_load %arg11[%get3A_175, %get3A_176] {strides = array<i32>} : memref<4x128xi32, #tpu.memory_space<vmem>>, vector<16xi32>,
    %lt3A_178 = arith.constant 50176 : i32
    %lt3A_179 = vector.broadcast %lt3A_178 : i32 to vector<16xi32>
    %lt3A_180 = arith.cmpi slt, %get3A_177, %lt3A_179 : vector<16xi32>
    %sub3A_181 = arith.constant 50176 : i32
    %sub3A_182 = vector.broadcast %sub3A_181 : i32 to vector<16xi32>
    %sub3A_183 = arith.subi %get3A_177, %sub3A_182 : vector<16xi32>
    %select_n3A_184 = arith.select %lt3A_180, %get3A_177, %sub3A_183 : vector<16xi1>, vector<16xi32>
    %swap3A_185 = arith.constant 1 : i32
    %swap3A_186 = arith.index_cast %swap3A_185 : i32 to index
    %swap3A_187 = arith.constant 48 : index
    %swap3A_188 = tpu.vector_load %arg12[%swap3A_186, %swap3A_187] {strides = array<i32>} : memref<4x128xi32, #tpu.memory_space<vmem>>, vector<16xi32>,
    tpu.vector_store %arg12[%swap3A_186, %swap3A_187], %select_n3A_184 {strides = array<i32>} : memref<4x128xi32, #tpu.memory_space<vmem>>, vector<16xi32>,
    %get3A_189 = arith.constant 1 : i32
    %get3A_190 = arith.index_cast %get3A_189 : i32 to index
    %get3A_191 = arith.constant 64 : index
    %get3A_192 = tpu.vector_load %arg11[%get3A_190, %get3A_191] {strides = array<i32>} : memref<4x128xi32, #tpu.memory_space<vmem>>, vector<16xi32>,
    %lt3A_193 = arith.constant 50176 : i32
    %lt3A_194 = vector.broadcast %lt3A_193 : i32 to vector<16xi32>
    %lt3A_195 = arith.cmpi slt, %get3A_192, %lt3A_194 : vector<16xi32>
    %sub3A_196 = arith.constant 50176 : i32
    %sub3A_197 = vector.broadcast %sub3A_196 : i32 to vector<16xi32>
    %sub3A_198 = arith.subi %get3A_192, %sub3A_197 : vector<16xi32>
    %select_n3A_199 = arith.select %lt3A_195, %get3A_192, %sub3A_198 : vector<16xi1>, vector<16xi32>
    %swap3A_200 = arith.constant 1 : i32
    %swap3A_201 = arith.index_cast %swap3A_200 : i32 to index
    %swap3A_202 = arith.constant 64 : index
    %swap3A_203 = tpu.vector_load %arg12[%swap3A_201, %swap3A_202] {strides = array<i32>} : memref<4x128xi32, #tpu.memory_space<vmem>>, vector<16xi32>,
    tpu.vector_store %arg12[%swap3A_201, %swap3A_202], %select_n3A_199 {strides = array<i32>} : memref<4x128xi32, #tpu.memory_space<vmem>>, vector<16xi32>,
    %get3A_204 = arith.constant 1 : i32
    %get3A_205 = arith.index_cast %get3A_204 : i32 to index
    %get3A_206 = arith.constant 80 : index
    %get3A_207 = tpu.vector_load %arg11[%get3A_205, %get3A_206] {strides = array<i32>} : memref<4x128xi32, #tpu.memory_space<vmem>>, vector<16xi32>,
    %lt3A_208 = arith.constant 50176 : i32
    %lt3A_209 = vector.broadcast %lt3A_208 : i32 to vector<16xi32>
    %lt3A_210 = arith.cmpi slt, %get3A_207, %lt3A_209 : vector<16xi32>
    %sub3A_211 = arith.constant 50176 : i32
    %sub3A_212 = vector.broadcast %sub3A_211 : i32 to vector<16xi32>
    %sub3A_213 = arith.subi %get3A_207, %sub3A_212 : vector<16xi32>
    %select_n3A_214 = arith.select %lt3A_210, %get3A_207, %sub3A_213 : vector<16xi1>, vector<16xi32>
    %swap3A_215 = arith.constant 1 : i32
    %swap3A_216 = arith.index_cast %swap3A_215 : i32 to index
    %swap3A_217 = arith.constant 80 : index
    %swap3A_218 = tpu.vector_load %arg12[%swap3A_216, %swap3A_217] {strides = array<i32>} : memref<4x128xi32, #tpu.memory_space<vmem>>, vector<16xi32>,
    tpu.vector_store %arg12[%swap3A_216, %swap3A_217], %select_n3A_214 {strides = array<i32>} : memref<4x128xi32, #tpu.memory_space<vmem>>, vector<16xi32>,
    %get3A_219 = arith.constant 1 : i32
    %get3A_220 = arith.index_cast %get3A_219 : i32 to index
    %get3A_221 = arith.constant 96 : index
    %get3A_222 = tpu.vector_load %arg11[%get3A_220, %get3A_221] {strides = array<i32>} : memref<4x128xi32, #tpu.memory_space<vmem>>, vector<16xi32>,
    %lt3A_223 = arith.constant 50176 : i32
    %lt3A_224 = vector.broadcast %lt3A_223 : i32 to vector<16xi32>
    %lt3A_225 = arith.cmpi slt, %get3A_222, %lt3A_224 : vector<16xi32>
    %sub3A_226 = arith.constant 50176 : i32
    %sub3A_227 = vector.broadcast %sub3A_226 : i32 to vector<16xi32>
    %sub3A_228 = arith.subi %get3A_222, %sub3A_227 : vector<16xi32>
    %select_n3A_229 = arith.select %lt3A_225, %get3A_222, %sub3A_228 : vector<16xi1>, vector<16xi32>
    %swap3A_230 = arith.constant 1 : i32
    %swap3A_231 = arith.index_cast %swap3A_230 : i32 to index
    %swap3A_232 = arith.constant 96 : index
    %swap3A_233 = tpu.vector_load %arg12[%swap3A_231, %swap3A_232] {strides = array<i32>} : memref<4x128xi32, #tpu.memory_space<vmem>>, vector<16xi32>,
    tpu.vector_store %arg12[%swap3A_231, %swap3A_232], %select_n3A_229 {strides = array<i32>} : memref<4x128xi32, #tpu.memory_space<vmem>>, vector<16xi32>,
    %get3A_234 = arith.constant 1 : i32
    %get3A_235 = arith.index_cast %get3A_234 : i32 to index
    %get3A_236 = arith.constant 112 : index
    %get3A_237 = tpu.vector_load %arg11[%get3A_235, %get3A_236] {strides = array<i32>} : memref<4x128xi32, #tpu.memory_space<vmem>>, vector<16xi32>,
    %lt3A_238 = arith.constant 50176 : i32
    %lt3A_239 = vector.broadcast %lt3A_238 : i32 to vector<16xi32>
    %lt3A_240 = arith.cmpi slt, %get3A_237, %lt3A_239 : vector<16xi32>
    %sub3A_241 = arith.constant 50176 : i32
    %sub3A_242 = vector.broadcast %sub3A_241 : i32 to vector<16xi32>
    %sub3A_243 = arith.subi %get3A_237, %sub3A_242 : vector<16xi32>
    %select_n3A_244 = arith.select %lt3A_240, %get3A_237, %sub3A_243 : vector<16xi1>, vector<16xi32>
    %swap3A_245 = arith.constant 1 : i32
    %swap3A_246 = arith.index_cast %swap3A_245 : i32 to index
    %swap3A_247 = arith.constant 112 : index
    %swap3A_248 = tpu.vector_load %arg12[%swap3A_246, %swap3A_247] {strides = array<i32>} : memref<4x128xi32, #tpu.memory_space<vmem>>, vector<16xi32>,
    tpu.vector_store %arg12[%swap3A_246, %swap3A_247], %select_n3A_244 {strides = array<i32>} : memref<4x128xi32, #tpu.memory_space<vmem>>, vector<16xi32>,
    %get3A_249 = arith.constant 2 : i32
    %get3A_250 = arith.index_cast %get3A_249 : i32 to index
    %get3A_251 = arith.constant 0 : index
    %get3A_252 = tpu.vector_load %arg11[%get3A_250, %get3A_251] {strides = array<i32>} : memref<4x128xi32, #tpu.memory_space<vmem>>, vector<16xi32>,
    %lt3A_253 = arith.constant 50176 : i32
    %lt3A_254 = vector.broadcast %lt3A_253 : i32 to vector<16xi32>
    %lt3A_255 = arith.cmpi slt, %get3A_252, %lt3A_254 : vector<16xi32>
    %sub3A_256 = arith.constant 50176 : i32
    %sub3A_257 = vector.broadcast %sub3A_256 : i32 to vector<16xi32>
    %sub3A_258 = arith.subi %get3A_252, %sub3A_257 : vector<16xi32>
    %select_n3A_259 = arith.select %lt3A_255, %get3A_252, %sub3A_258 : vector<16xi1>, vector<16xi32>
    %swap3A_260 = arith.constant 2 : i32
    %swap3A_261 = arith.index_cast %swap3A_260 : i32 to index
    %swap3A_262 = arith.constant 0 : index
    %swap3A_263 = tpu.vector_load %arg12[%swap3A_261, %swap3A_262] {strides = array<i32>} : memref<4x128xi32, #tpu.memory_space<vmem>>, vector<16xi32>,
    tpu.vector_store %arg12[%swap3A_261, %swap3A_262], %select_n3A_259 {strides = array<i32>} : memref<4x128xi32, #tpu.memory_space<vmem>>, vector<16xi32>,
    %get3A_264 = arith.constant 2 : i32
    %get3A_265 = arith.index_cast %get3A_264 : i32 to index
    %get3A_266 = arith.constant 16 : index
    %get3A_267 = tpu.vector_load %arg11[%get3A_265, %get3A_266] {strides = array<i32>} : memref<4x128xi32, #tpu.memory_space<vmem>>, vector<16xi32>,
    %lt3A_268 = arith.constant 50176 : i32
    %lt3A_269 = vector.broadcast %lt3A_268 : i32 to vector<16xi32>
    %lt3A_270 = arith.cmpi slt, %get3A_267, %lt3A_269 : vector<16xi32>
    %sub3A_271 = arith.constant 50176 : i32
    %sub3A_272 = vector.broadcast %sub3A_271 : i32 to vector<16xi32>
    %sub3A_273 = arith.subi %get3A_267, %sub3A_272 : vector<16xi32>
    %select_n3A_274 = arith.select %lt3A_270, %get3A_267, %sub3A_273 : vector<16xi1>, vector<16xi32>
    %swap3A_275 = arith.constant 2 : i32
    %swap3A_276 = arith.index_cast %swap3A_275 : i32 to index
    %swap3A_277 = arith.constant 16 : index
    %swap3A_278 = tpu.vector_load %arg12[%swap3A_276, %swap3A_277] {strides = array<i32>} : memref<4x128xi32, #tpu.memory_space<vmem>>, vector<16xi32>,
    tpu.vector_store %arg12[%swap3A_276, %swap3A_277], %select_n3A_274 {strides = array<i32>} : memref<4x128xi32, #tpu.memory_space<vmem>>, vector<16xi32>,
    %get3A_279 = arith.constant 2 : i32
    %get3A_280 = arith.index_cast %get3A_279 : i32 to index
    %get3A_281 = arith.constant 32 : index
    %get3A_282 = tpu.vector_load %arg11[%get3A_280, %get3A_281] {strides = array<i32>} : memref<4x128xi32, #tpu.memory_space<vmem>>, vector<16xi32>,
    %lt3A_283 = arith.constant 50176 : i32
    %lt3A_284 = vector.broadcast %lt3A_283 : i32 to vector<16xi32>
    %lt3A_285 = arith.cmpi slt, %get3A_282, %lt3A_284 : vector<16xi32>
    %sub3A_286 = arith.constant 50176 : i32
    %sub3A_287 = vector.broadcast %sub3A_286 : i32 to vector<16xi32>
    %sub3A_288 = arith.subi %get3A_282, %sub3A_287 : vector<16xi32>
    %select_n3A_289 = arith.select %lt3A_285, %get3A_282, %sub3A_288 : vector<16xi1>, vector<16xi32>
    %swap3A_290 = arith.constant 2 : i32
    %swap3A_291 = arith.index_cast %swap3A_290 : i32 to index
    %swap3A_292 = arith.constant 32 : index
    %swap3A_293 = tpu.vector_load %arg12[%swap3A_291, %swap3A_292] {strides = array<i32>} : memref<4x128xi32, #tpu.memory_space<vmem>>, vector<16xi32>,
    tpu.vector_store %arg12[%swap3A_291, %swap3A_292], %select_n3A_289 {strides = array<i32>} : memref<4x128xi32, #tpu.memory_space<vmem>>, vector<16xi32>,
    %get3A_294 = arith.constant 2 : i32
    %get3A_295 = arith.index_cast %get3A_294 : i32 to index
    %get3A_296 = arith.constant 48 : index
    %get3A_297 = tpu.vector_load %arg11[%get3A_295, %get3A_296] {strides = array<i32>} : memref<4x128xi32, #tpu.memory_space<vmem>>, vector<16xi32>,
    %lt3A_298 = arith.constant 50176 : i32
    %lt3A_299 = vector.broadcast %lt3A_298 : i32 to vector<16xi32>
    %lt3A_300 = arith.cmpi slt, %get3A_297, %lt3A_299 : vector<16xi32>
    %sub3A_301 = arith.constant 50176 : i32
    %sub3A_302 = vector.broadcast %sub3A_301 : i32 to vector<16xi32>
    %sub3A_303 = arith.subi %get3A_297, %sub3A_302 : vector<16xi32>
    %select_n3A_304 = arith.select %lt3A_300, %get3A_297, %sub3A_303 : vector<16xi1>, vector<16xi32>
    %swap3A_305 = arith.constant 2 : i32
    %swap3A_306 = arith.index_cast %swap3A_305 : i32 to index
    %swap3A_307 = arith.constant 48 : index
    %swap3A_308 = tpu.vector_load %arg12[%swap3A_306, %swap3A_307] {strides = array<i32>} : memref<4x128xi32, #tpu.memory_space<vmem>>, vector<16xi32>,
    tpu.vector_store %arg12[%swap3A_306, %swap3A_307], %select_n3A_304 {strides = array<i32>} : memref<4x128xi32, #tpu.memory_space<vmem>>, vector<16xi32>,
    %get3A_309 = arith.constant 2 : i32
    %get3A_310 = arith.index_cast %get3A_309 : i32 to index
    %get3A_311 = arith.constant 64 : index
    %get3A_312 = tpu.vector_load %arg11[%get3A_310, %get3A_311] {strides = array<i32>} : memref<4x128xi32, #tpu.memory_space<vmem>>, vector<16xi32>,
    %lt3A_313 = arith.constant 50176 : i32
    %lt3A_314 = vector.broadcast %lt3A_313 : i32 to vector<16xi32>
    %lt3A_315 = arith.cmpi slt, %get3A_312, %lt3A_314 : vector<16xi32>
    %sub3A_316 = arith.constant 50176 : i32
    %sub3A_317 = vector.broadcast %sub3A_316 : i32 to vector<16xi32>
    %sub3A_318 = arith.subi %get3A_312, %sub3A_317 : vector<16xi32>
    %select_n3A_319 = arith.select %lt3A_315, %get3A_312, %sub3A_318 : vector<16xi1>, vector<16xi32>
    %swap3A_320 = arith.constant 2 : i32
    %swap3A_321 = arith.index_cast %swap3A_320 : i32 to index
    %swap3A_322 = arith.constant 64 : index
    %swap3A_323 = tpu.vector_load %arg12[%swap3A_321, %swap3A_322] {strides = array<i32>} : memref<4x128xi32, #tpu.memory_space<vmem>>, vector<16xi32>,
    tpu.vector_store %arg12[%swap3A_321, %swap3A_322], %select_n3A_319 {strides = array<i32>} : memref<4x128xi32, #tpu.memory_space<vmem>>, vector<16xi32>,
    %get3A_324 = arith.constant 2 : i32
    %get3A_325 = arith.index_cast %get3A_324 : i32 to index
    %get3A_326 = arith.constant 80 : index
    %get3A_327 = tpu.vector_load %arg11[%get3A_325, %get3A_326] {strides = array<i32>} : memref<4x128xi32, #tpu.memory_space<vmem>>, vector<16xi32>,
    %lt3A_328 = arith.constant 50176 : i32
    %lt3A_329 = vector.broadcast %lt3A_328 : i32 to vector<16xi32>
    %lt3A_330 = arith.cmpi slt, %get3A_327, %lt3A_329 : vector<16xi32>
    %sub3A_331 = arith.constant 50176 : i32
    %sub3A_332 = vector.broadcast %sub3A_331 : i32 to vector<16xi32>
    %sub3A_333 = arith.subi %get3A_327, %sub3A_332 : vector<16xi32>
    %select_n3A_334 = arith.select %lt3A_330, %get3A_327, %sub3A_333 : vector<16xi1>, vector<16xi32>
    %swap3A_335 = arith.constant 2 : i32
    %swap3A_336 = arith.index_cast %swap3A_335 : i32 to index
    %swap3A_337 = arith.constant 80 : index
    %swap3A_338 = tpu.vector_load %arg12[%swap3A_336, %swap3A_337] {strides = array<i32>} : memref<4x128xi32, #tpu.memory_space<vmem>>, vector<16xi32>,
    tpu.vector_store %arg12[%swap3A_336, %swap3A_337], %select_n3A_334 {strides = array<i32>} : memref<4x128xi32, #tpu.memory_space<vmem>>, vector<16xi32>,
    %get3A_339 = arith.constant 2 : i32
    %get3A_340 = arith.index_cast %get3A_339 : i32 to index
    %get3A_341 = arith.constant 96 : index
    %get3A_342 = tpu.vector_load %arg11[%get3A_340, %get3A_341] {strides = array<i32>} : memref<4x128xi32, #tpu.memory_space<vmem>>, vector<16xi32>,
    %lt3A_343 = arith.constant 50176 : i32
    %lt3A_344 = vector.broadcast %lt3A_343 : i32 to vector<16xi32>
    %lt3A_345 = arith.cmpi slt, %get3A_342, %lt3A_344 : vector<16xi32>
    %sub3A_346 = arith.constant 50176 : i32
    %sub3A_347 = vector.broadcast %sub3A_346 : i32 to vector<16xi32>
    %sub3A_348 = arith.subi %get3A_342, %sub3A_347 : vector<16xi32>
    %select_n3A_349 = arith.select %lt3A_345, %get3A_342, %sub3A_348 : vector<16xi1>, vector<16xi32>
    %swap3A_350 = arith.constant 2 : i32
    %swap3A_351 = arith.index_cast %swap3A_350 : i32 to index
    %swap3A_352 = arith.constant 96 : index
    %swap3A_353 = tpu.vector_load %arg12[%swap3A_351, %swap3A_352] {strides = array<i32>} : memref<4x128xi32, #tpu.memory_space<vmem>>, vector<16xi32>,
    tpu.vector_store %arg12[%swap3A_351, %swap3A_352], %select_n3A_349 {strides = array<i32>} : memref<4x128xi32, #tpu.memory_space<vmem>>, vector<16xi32>,
    %get3A_354 = arith.constant 2 : i32
    %get3A_355 = arith.index_cast %get3A_354 : i32 to index
    %get3A_356 = arith.constant 112 : index
    %get3A_357 = tpu.vector_load %arg11[%get3A_355, %get3A_356] {strides = array<i32>} : memref<4x128xi32, #tpu.memory_space<vmem>>, vector<16xi32>,
    %lt3A_358 = arith.constant 50176 : i32
    %lt3A_359 = vector.broadcast %lt3A_358 : i32 to vector<16xi32>
    %lt3A_360 = arith.cmpi slt, %get3A_357, %lt3A_359 : vector<16xi32>
    %sub3A_361 = arith.constant 50176 : i32
    %sub3A_362 = vector.broadcast %sub3A_361 : i32 to vector<16xi32>
    %sub3A_363 = arith.subi %get3A_357, %sub3A_362 : vector<16xi32>
    %select_n3A_364 = arith.select %lt3A_360, %get3A_357, %sub3A_363 : vector<16xi1>, vector<16xi32>
    %swap3A_365 = arith.constant 2 : i32
    %swap3A_366 = arith.index_cast %swap3A_365 : i32 to index
    %swap3A_367 = arith.constant 112 : index
    %swap3A_368 = tpu.vector_load %arg12[%swap3A_366, %swap3A_367] {strides = array<i32>} : memref<4x128xi32, #tpu.memory_space<vmem>>, vector<16xi32>,
    tpu.vector_store %arg12[%swap3A_366, %swap3A_367], %select_n3A_364 {strides = array<i32>} : memref<4x128xi32, #tpu.memory_space<vmem>>, vector<16xi32>,
    %get3A_369 = arith.constant 3 : i32
    %get3A_370 = arith.index_cast %get3A_369 : i32 to index
    %get3A_371 = arith.constant 0 : index
    %get3A_372 = tpu.vector_load %arg11[%get3A_370, %get3A_371] {strides = array<i32>} : memref<4x128xi32, #tpu.memory_space<vmem>>, vector<16xi32>,
    %lt3A_373 = arith.constant 50176 : i32
    %lt3A_374 = vector.broadcast %lt3A_373 : i32 to vector<16xi32>
    %lt3A_375 = arith.cmpi slt, %get3A_372, %lt3A_374 : vector<16xi32>
    %sub3A_376 = arith.constant 50176 : i32
    %sub3A_377 = vector.broadcast %sub3A_376 : i32 to vector<16xi32>
    %sub3A_378 = arith.subi %get3A_372, %sub3A_377 : vector<16xi32>
    %select_n3A_379 = arith.select %lt3A_375, %get3A_372, %sub3A_378 : vector<16xi1>, vector<16xi32>
    %swap3A_380 = arith.constant 3 : i32
    %swap3A_381 = arith.index_cast %swap3A_380 : i32 to index
    %swap3A_382 = arith.constant 0 : index
    %swap3A_383 = tpu.vector_load %arg12[%swap3A_381, %swap3A_382] {strides = array<i32>} : memref<4x128xi32, #tpu.memory_space<vmem>>, vector<16xi32>,
    tpu.vector_store %arg12[%swap3A_381, %swap3A_382], %select_n3A_379 {strides = array<i32>} : memref<4x128xi32, #tpu.memory_space<vmem>>, vector<16xi32>,
    %get3A_384 = arith.constant 3 : i32
    %get3A_385 = arith.index_cast %get3A_384 : i32 to index
    %get3A_386 = arith.constant 16 : index
    %get3A_387 = tpu.vector_load %arg11[%get3A_385, %get3A_386] {strides = array<i32>} : memref<4x128xi32, #tpu.memory_space<vmem>>, vector<16xi32>,
    %lt3A_388 = arith.constant 50176 : i32
    %lt3A_389 = vector.broadcast %lt3A_388 : i32 to vector<16xi32>
    %lt3A_390 = arith.cmpi slt, %get3A_387, %lt3A_389 : vector<16xi32>
    %sub3A_391 = arith.constant 50176 : i32
    %sub3A_392 = vector.broadcast %sub3A_391 : i32 to vector<16xi32>
    %sub3A_393 = arith.subi %get3A_387, %sub3A_392 : vector<16xi32>
    %select_n3A_394 = arith.select %lt3A_390, %get3A_387, %sub3A_393 : vector<16xi1>, vector<16xi32>
    %swap3A_395 = arith.constant 3 : i32
    %swap3A_396 = arith.index_cast %swap3A_395 : i32 to index
    %swap3A_397 = arith.constant 16 : index
    %swap3A_398 = tpu.vector_load %arg12[%swap3A_396, %swap3A_397] {strides = array<i32>} : memref<4x128xi32, #tpu.memory_space<vmem>>, vector<16xi32>,
    tpu.vector_store %arg12[%swap3A_396, %swap3A_397], %select_n3A_394 {strides = array<i32>} : memref<4x128xi32, #tpu.memory_space<vmem>>, vector<16xi32>,
    %get3A_399 = arith.constant 3 : i32
    %get3A_400 = arith.index_cast %get3A_399 : i32 to index
    %get3A_401 = arith.constant 32 : index
    %get3A_402 = tpu.vector_load %arg11[%get3A_400, %get3A_401] {strides = array<i32>} : memref<4x128xi32, #tpu.memory_space<vmem>>, vector<16xi32>,
    %lt3A_403 = arith.constant 50176 : i32
    %lt3A_404 = vector.broadcast %lt3A_403 : i32 to vector<16xi32>
    %lt3A_405 = arith.cmpi slt, %get3A_402, %lt3A_404 : vector<16xi32>
    %sub3A_406 = arith.constant 50176 : i32
    %sub3A_407 = vector.broadcast %sub3A_406 : i32 to vector<16xi32>
    %sub3A_408 = arith.subi %get3A_402, %sub3A_407 : vector<16xi32>
    %select_n3A_409 = arith.select %lt3A_405, %get3A_402, %sub3A_408 : vector<16xi1>, vector<16xi32>
    %swap3A_410 = arith.constant 3 : i32
    %swap3A_411 = arith.index_cast %swap3A_410 : i32 to index
    %swap3A_412 = arith.constant 32 : index
    %swap3A_413 = tpu.vector_load %arg12[%swap3A_411, %swap3A_412] {strides = array<i32>} : memref<4x128xi32, #tpu.memory_space<vmem>>, vector<16xi32>,
    tpu.vector_store %arg12[%swap3A_411, %swap3A_412], %select_n3A_409 {strides = array<i32>} : memref<4x128xi32, #tpu.memory_space<vmem>>, vector<16xi32>,
    %get3A_414 = arith.constant 3 : i32
    %get3A_415 = arith.index_cast %get3A_414 : i32 to index
    %get3A_416 = arith.constant 48 : index
    %get3A_417 = tpu.vector_load %arg11[%get3A_415, %get3A_416] {strides = array<i32>} : memref<4x128xi32, #tpu.memory_space<vmem>>, vector<16xi32>,
    %lt3A_418 = arith.constant 50176 : i32
    %lt3A_419 = vector.broadcast %lt3A_418 : i32 to vector<16xi32>
    %lt3A_420 = arith.cmpi slt, %get3A_417, %lt3A_419 : vector<16xi32>
    %sub3A_421 = arith.constant 50176 : i32
    %sub3A_422 = vector.broadcast %sub3A_421 : i32 to vector<16xi32>
    %sub3A_423 = arith.subi %get3A_417, %sub3A_422 : vector<16xi32>
    %select_n3A_424 = arith.select %lt3A_420, %get3A_417, %sub3A_423 : vector<16xi1>, vector<16xi32>
    %swap3A_425 = arith.constant 3 : i32
    %swap3A_426 = arith.index_cast %swap3A_425 : i32 to index
    %swap3A_427 = arith.constant 48 : index
    %swap3A_428 = tpu.vector_load %arg12[%swap3A_426, %swap3A_427] {strides = array<i32>} : memref<4x128xi32, #tpu.memory_space<vmem>>, vector<16xi32>,
    tpu.vector_store %arg12[%swap3A_426, %swap3A_427], %select_n3A_424 {strides = array<i32>} : memref<4x128xi32, #tpu.memory_space<vmem>>, vector<16xi32>,
    %get3A_429 = arith.constant 3 : i32
    %get3A_430 = arith.index_cast %get3A_429 : i32 to index
    %get3A_431 = arith.constant 64 : index
    %get3A_432 = tpu.vector_load %arg11[%get3A_430, %get3A_431] {strides = array<i32>} : memref<4x128xi32, #tpu.memory_space<vmem>>, vector<16xi32>,
    %lt3A_433 = arith.constant 50176 : i32
    %lt3A_434 = vector.broadcast %lt3A_433 : i32 to vector<16xi32>
    %lt3A_435 = arith.cmpi slt, %get3A_432, %lt3A_434 : vector<16xi32>
    %sub3A_436 = arith.constant 50176 : i32
    %sub3A_437 = vector.broadcast %sub3A_436 : i32 to vector<16xi32>
    %sub3A_438 = arith.subi %get3A_432, %sub3A_437 : vector<16xi32>
    %select_n3A_439 = arith.select %lt3A_435, %get3A_432, %sub3A_438 : vector<16xi1>, vector<16xi32>
    %swap3A_440 = arith.constant 3 : i32
    %swap3A_441 = arith.index_cast %swap3A_440 : i32 to index
    %swap3A_442 = arith.constant 64 : index
    %swap3A_443 = tpu.vector_load %arg12[%swap3A_441, %swap3A_442] {strides = array<i32>} : memref<4x128xi32, #tpu.memory_space<vmem>>, vector<16xi32>,
    tpu.vector_store %arg12[%swap3A_441, %swap3A_442], %select_n3A_439 {strides = array<i32>} : memref<4x128xi32, #tpu.memory_space<vmem>>, vector<16xi32>,
    %get3A_444 = arith.constant 3 : i32
    %get3A_445 = arith.index_cast %get3A_444 : i32 to index
    %get3A_446 = arith.constant 80 : index
    %get3A_447 = tpu.vector_load %arg11[%get3A_445, %get3A_446] {strides = array<i32>} : memref<4x128xi32, #tpu.memory_space<vmem>>, vector<16xi32>,
    %lt3A_448 = arith.constant 50176 : i32
    %lt3A_449 = vector.broadcast %lt3A_448 : i32 to vector<16xi32>
    %lt3A_450 = arith.cmpi slt, %get3A_447, %lt3A_449 : vector<16xi32>
    %sub3A_451 = arith.constant 50176 : i32
    %sub3A_452 = vector.broadcast %sub3A_451 : i32 to vector<16xi32>
    %sub3A_453 = arith.subi %get3A_447, %sub3A_452 : vector<16xi32>
    %select_n3A_454 = arith.select %lt3A_450, %get3A_447, %sub3A_453 : vector<16xi1>, vector<16xi32>
    %swap3A_455 = arith.constant 3 : i32
    %swap3A_456 = arith.index_cast %swap3A_455 : i32 to index
    %swap3A_457 = arith.constant 80 : index
    %swap3A_458 = tpu.vector_load %arg12[%swap3A_456, %swap3A_457] {strides = array<i32>} : memref<4x128xi32, #tpu.memory_space<vmem>>, vector<16xi32>,
    tpu.vector_store %arg12[%swap3A_456, %swap3A_457], %select_n3A_454 {strides = array<i32>} : memref<4x128xi32, #tpu.memory_space<vmem>>, vector<16xi32>,
    %get3A_459 = arith.constant 3 : i32
    %get3A_460 = arith.index_cast %get3A_459 : i32 to index
    %get3A_461 = arith.constant 96 : index
    %get3A_462 = tpu.vector_load %arg11[%get3A_460, %get3A_461] {strides = array<i32>} : memref<4x128xi32, #tpu.memory_space<vmem>>, vector<16xi32>,
    %lt3A_463 = arith.constant 50176 : i32
    %lt3A_464 = vector.broadcast %lt3A_463 : i32 to vector<16xi32>
    %lt3A_465 = arith.cmpi slt, %get3A_462, %lt3A_464 : vector<16xi32>
    %sub3A_466 = arith.constant 50176 : i32
    %sub3A_467 = vector.broadcast %sub3A_466 : i32 to vector<16xi32>
    %sub3A_468 = arith.subi %get3A_462, %sub3A_467 : vector<16xi32>
    %select_n3A_469 = arith.select %lt3A_465, %get3A_462, %sub3A_468 : vector<16xi1>, vector<16xi32>
    %swap3A_470 = arith.constant 3 : i32
    %swap3A_471 = arith.index_cast %swap3A_470 : i32 to index
    %swap3A_472 = arith.constant 96 : index
    %swap3A_473 = tpu.vector_load %arg12[%swap3A_471, %swap3A_472] {strides = array<i32>} : memref<4x128xi32, #tpu.memory_space<vmem>>, vector<16xi32>,
    tpu.vector_store %arg12[%swap3A_471, %swap3A_472], %select_n3A_469 {strides = array<i32>} : memref<4x128xi32, #tpu.memory_space<vmem>>, vector<16xi32>,
    %get3A_474 = arith.constant 3 : i32
    %get3A_475 = arith.index_cast %get3A_474 : i32 to index
    %get3A_476 = arith.constant 112 : index
    %get3A_477 = tpu.vector_load %arg11[%get3A_475, %get3A_476] {strides = array<i32>} : memref<4x128xi32, #tpu.memory_space<vmem>>, vector<16xi32>,
    %lt3A_478 = arith.constant 50176 : i32
    %lt3A_479 = vector.broadcast %lt3A_478 : i32 to vector<16xi32>
    %lt3A_480 = arith.cmpi slt, %get3A_477, %lt3A_479 : vector<16xi32>
    %sub3A_481 = arith.constant 50176 : i32
    %sub3A_482 = vector.broadcast %sub3A_481 : i32 to vector<16xi32>
    %sub3A_483 = arith.subi %get3A_477, %sub3A_482 : vector<16xi32>
    %select_n3A_484 = arith.select %lt3A_480, %get3A_477, %sub3A_483 : vector<16xi1>, vector<16xi32>
    %swap3A_485 = arith.constant 3 : i32
    %swap3A_486 = arith.index_cast %swap3A_485 : i32 to index
    %swap3A_487 = arith.constant 112 : index
    %swap3A_488 = tpu.vector_load %arg12[%swap3A_486, %swap3A_487] {strides = array<i32>} : memref<4x128xi32, #tpu.memory_space<vmem>>, vector<16xi32>,
    tpu.vector_store %arg12[%swap3A_486, %swap3A_487], %select_n3A_484 {strides = array<i32>} : memref<4x128xi32, #tpu.memory_space<vmem>>, vector<16xi32>,
    %dma_start3A = arith.constant 0 : i32
    %dma_start3A_489 = arith.constant 0 : i32
    %dma_start3A_490 = arith.constant 0 : i32
    %dma_start3A_491 = arith.constant 0 : i32
    %dma_start3A_492 = tpu.memref_slice %arg13[%dma_start3A_489, %dma_start3A_490, %dma_start3A_491] : memref<4x128x128xf32, #tpu.memory_space<vmem>> -> memref<1x128x128xf32, #tpu.memory_space<vmem>>
    %dma_start3A_493 = tpu.memref_squeeze %dma_start3A_492 : memref<1x128x128xf32, #tpu.memory_space<vmem>> -> memref<128x128xf32, #tpu.memory_space<vmem>>
    %dma_start3A_494 = arith.constant 0 : i32
    %dma_start3A_495 = tpu.memref_slice %arg12[%dma_start3A, %dma_start3A_494] : memref<4x128xi32, #tpu.memory_space<vmem>> -> memref<1x128xi32, #tpu.memory_space<vmem>>
    %dma_start3A_496 = tpu.memref_squeeze %dma_start3A_495 : memref<1x128xi32, #tpu.memory_space<vmem>> -> memref<128xi32, #tpu.memory_space<vmem>>
    %dma_start3A_497 = arith.constant 0 : i32
    %dma_start3A_498 = arith.constant 0 : i32
    %dma_start3A_499 = tpu.memref_slice %arg4[%dma_start3A_497, %dma_start3A_498] : memref<50176x128xf32, #tpu.memory_space<hbm>> -> memref<50176x128xf32, #tpu.memory_space<hbm>>
    tpu.enqueue_indirect_dma source(%dma_start3A_499 : memref<50176x128xf32, #tpu.memory_space<hbm>>) target(%dma_start3A_493 : memref<128x128xf32, #tpu.memory_space<vmem>>) offsets(%dma_start3A_496 : memref<128xi32, #tpu.memory_space<vmem>>) semaphore(%arg16 : memref<!tpu.dma_semaphore, #tpu.memory_space<semaphore_mem>>)
    %dma_start3A_500 = arith.constant 1 : i32
    %dma_start3A_501 = arith.constant 1 : i32
    %dma_start3A_502 = arith.constant 0 : i32
    %dma_start3A_503 = arith.constant 0 : i32
    %dma_start3A_504 = tpu.memref_slice %arg13[%dma_start3A_501, %dma_start3A_502, %dma_start3A_503] : memref<4x128x128xf32, #tpu.memory_space<vmem>> -> memref<1x128x128xf32, #tpu.memory_space<vmem>>
    %dma_start3A_505 = tpu.memref_squeeze %dma_start3A_504 : memref<1x128x128xf32, #tpu.memory_space<vmem>> -> memref<128x128xf32, #tpu.memory_space<vmem>>
    %dma_start3A_506 = arith.constant 0 : i32
    %dma_start3A_507 = tpu.memref_slice %arg12[%dma_start3A_500, %dma_start3A_506] : memref<4x128xi32, #tpu.memory_space<vmem>> -> memref<1x128xi32, #tpu.memory_space<vmem>>
    %dma_start3A_508 = tpu.memref_squeeze %dma_start3A_507 : memref<1x128xi32, #tpu.memory_space<vmem>> -> memref<128xi32, #tpu.memory_space<vmem>>
    %dma_start3A_509 = arith.constant 0 : i32
    %dma_start3A_510 = arith.constant 0 : i32
    %dma_start3A_511 = tpu.memref_slice %arg4[%dma_start3A_509, %dma_start3A_510] : memref<50176x128xf32, #tpu.memory_space<hbm>> -> memref<50176x128xf32, #tpu.memory_space<hbm>>
    tpu.enqueue_indirect_dma source(%dma_start3A_511 : memref<50176x128xf32, #tpu.memory_space<hbm>>) target(%dma_start3A_505 : memref<128x128xf32, #tpu.memory_space<vmem>>) offsets(%dma_start3A_508 : memref<128xi32, #tpu.memory_space<vmem>>) semaphore(%arg16 : memref<!tpu.dma_semaphore, #tpu.memory_space<semaphore_mem>>)
    %dma_start3A_512 = arith.constant 2 : i32
    %dma_start3A_513 = arith.constant 2 : i32
    %dma_start3A_514 = arith.constant 0 : i32
    %dma_start3A_515 = arith.constant 0 : i32
    %dma_start3A_516 = tpu.memref_slice %arg13[%dma_start3A_513, %dma_start3A_514, %dma_start3A_515] : memref<4x128x128xf32, #tpu.memory_space<vmem>> -> memref<1x128x128xf32, #tpu.memory_space<vmem>>
    %dma_start3A_517 = tpu.memref_squeeze %dma_start3A_516 : memref<1x128x128xf32, #tpu.memory_space<vmem>> -> memref<128x128xf32, #tpu.memory_space<vmem>>
    %dma_start3A_518 = arith.constant 0 : i32
    %dma_start3A_519 = tpu.memref_slice %arg12[%dma_start3A_512, %dma_start3A_518] : memref<4x128xi32, #tpu.memory_space<vmem>> -> memref<1x128xi32, #tpu.memory_space<vmem>>
    %dma_start3A_520 = tpu.memref_squeeze %dma_start3A_519 : memref<1x128xi32, #tpu.memory_space<vmem>> -> memref<128xi32, #tpu.memory_space<vmem>>
    %dma_start3A_521 = arith.constant 0 : i32
    %dma_start3A_522 = arith.constant 0 : i32
    %dma_start3A_523 = tpu.memref_slice %arg4[%dma_start3A_521, %dma_start3A_522] : memref<50176x128xf32, #tpu.memory_space<hbm>> -> memref<50176x128xf32, #tpu.memory_space<hbm>>
    tpu.enqueue_indirect_dma source(%dma_start3A_523 : memref<50176x128xf32, #tpu.memory_space<hbm>>) target(%dma_start3A_517 : memref<128x128xf32, #tpu.memory_space<vmem>>) offsets(%dma_start3A_520 : memref<128xi32, #tpu.memory_space<vmem>>) semaphore(%arg16 : memref<!tpu.dma_semaphore, #tpu.memory_space<semaphore_mem>>)
    %dma_start3A_524 = arith.constant 3 : i32
    %dma_start3A_525 = arith.constant 3 : i32
    %dma_start3A_526 = arith.constant 0 : i32
    %dma_start3A_527 = arith.constant 0 : i32
    %dma_start3A_528 = tpu.memref_slice %arg13[%dma_start3A_525, %dma_start3A_526, %dma_start3A_527] : memref<4x128x128xf32, #tpu.memory_space<vmem>> -> memref<1x128x128xf32, #tpu.memory_space<vmem>>
    %dma_start3A_529 = tpu.memref_squeeze %dma_start3A_528 : memref<1x128x128xf32, #tpu.memory_space<vmem>> -> memref<128x128xf32, #tpu.memory_space<vmem>>
    %dma_start3A_530 = arith.constant 0 : i32
    %dma_start3A_531 = tpu.memref_slice %arg12[%dma_start3A_524, %dma_start3A_530] : memref<4x128xi32, #tpu.memory_space<vmem>> -> memref<1x128xi32, #tpu.memory_space<vmem>>
    %dma_start3A_532 = tpu.memref_squeeze %dma_start3A_531 : memref<1x128xi32, #tpu.memory_space<vmem>> -> memref<128xi32, #tpu.memory_space<vmem>>
    %dma_start3A_533 = arith.constant 0 : i32
    %dma_start3A_534 = arith.constant 0 : i32
    %dma_start3A_535 = tpu.memref_slice %arg4[%dma_start3A_533, %dma_start3A_534] : memref<50176x128xf32, #tpu.memory_space<hbm>> -> memref<50176x128xf32, #tpu.memory_space<hbm>>
    tpu.enqueue_indirect_dma source(%dma_start3A_535 : memref<50176x128xf32, #tpu.memory_space<hbm>>) target(%dma_start3A_529 : memref<128x128xf32, #tpu.memory_space<vmem>>) offsets(%dma_start3A_532 : memref<128xi32, #tpu.memory_space<vmem>>) semaphore(%arg16 : memref<!tpu.dma_semaphore, #tpu.memory_space<semaphore_mem>>)
    %dma_start3A_536 = arith.constant 0 : i32
    %dma_start3A_537 = arith.constant 0 : i32
    %dma_start3A_538 = arith.constant 0 : i32
    %dma_start3A_539 = tpu.memref_slice %arg15[%dma_start3A_537, %dma_start3A_538] : memref<4x128xf32, #tpu.memory_space<vmem>> -> memref<1x128xf32, #tpu.memory_space<vmem>>
    %dma_start3A_540 = tpu.memref_squeeze %dma_start3A_539 : memref<1x128xf32, #tpu.memory_space<vmem>> -> memref<128xf32, #tpu.memory_space<vmem>>
    %dma_start3A_541 = arith.constant 0 : i32
    %dma_start3A_542 = tpu.memref_slice %arg11[%dma_start3A_536, %dma_start3A_541] : memref<4x128xi32, #tpu.memory_space<vmem>> -> memref<1x128xi32, #tpu.memory_space<vmem>>
    %dma_start3A_543 = tpu.memref_squeeze %dma_start3A_542 : memref<1x128xi32, #tpu.memory_space<vmem>> -> memref<128xi32, #tpu.memory_space<vmem>>
    %dma_start3A_544 = arith.constant 0 : i32
    %dma_start3A_545 = tpu.memref_slice %arg6[%dma_start3A_544] : memref<100001xf32, #tpu.memory_space<hbm>> -> memref<100001xf32, #tpu.memory_space<hbm>>
    tpu.enqueue_indirect_dma source(%dma_start3A_545 : memref<100001xf32, #tpu.memory_space<hbm>>) target(%dma_start3A_540 : memref<128xf32, #tpu.memory_space<vmem>>) offsets(%dma_start3A_543 : memref<128xi32, #tpu.memory_space<vmem>>) semaphore(%arg16 : memref<!tpu.dma_semaphore, #tpu.memory_space<semaphore_mem>>)
    %dma_start3A_546 = arith.constant 1 : i32
    %dma_start3A_547 = arith.constant 1 : i32
    %dma_start3A_548 = arith.constant 0 : i32
    %dma_start3A_549 = tpu.memref_slice %arg15[%dma_start3A_547, %dma_start3A_548] : memref<4x128xf32, #tpu.memory_space<vmem>> -> memref<1x128xf32, #tpu.memory_space<vmem>>
    %dma_start3A_550 = tpu.memref_squeeze %dma_start3A_549 : memref<1x128xf32, #tpu.memory_space<vmem>> -> memref<128xf32, #tpu.memory_space<vmem>>
    %dma_start3A_551 = arith.constant 0 : i32
    %dma_start3A_552 = tpu.memref_slice %arg11[%dma_start3A_546, %dma_start3A_551] : memref<4x128xi32, #tpu.memory_space<vmem>> -> memref<1x128xi32, #tpu.memory_space<vmem>>
    %dma_start3A_553 = tpu.memref_squeeze %dma_start3A_552 : memref<1x128xi32, #tpu.memory_space<vmem>> -> memref<128xi32, #tpu.memory_space<vmem>>
    %dma_start3A_554 = arith.constant 0 : i32
    %dma_start3A_555 = tpu.memref_slice %arg6[%dma_start3A_554] : memref<100001xf32, #tpu.memory_space<hbm>> -> memref<100001xf32, #tpu.memory_space<hbm>>
    tpu.enqueue_indirect_dma source(%dma_start3A_555 : memref<100001xf32, #tpu.memory_space<hbm>>) target(%dma_start3A_550 : memref<128xf32, #tpu.memory_space<vmem>>) offsets(%dma_start3A_553 : memref<128xi32, #tpu.memory_space<vmem>>) semaphore(%arg16 : memref<!tpu.dma_semaphore, #tpu.memory_space<semaphore_mem>>)
    %dma_start3A_556 = arith.constant 2 : i32
    %dma_start3A_557 = arith.constant 2 : i32
    %dma_start3A_558 = arith.constant 0 : i32
    %dma_start3A_559 = tpu.memref_slice %arg15[%dma_start3A_557, %dma_start3A_558] : memref<4x128xf32, #tpu.memory_space<vmem>> -> memref<1x128xf32, #tpu.memory_space<vmem>>
    %dma_start3A_560 = tpu.memref_squeeze %dma_start3A_559 : memref<1x128xf32, #tpu.memory_space<vmem>> -> memref<128xf32, #tpu.memory_space<vmem>>
    %dma_start3A_561 = arith.constant 0 : i32
    %dma_start3A_562 = tpu.memref_slice %arg11[%dma_start3A_556, %dma_start3A_561] : memref<4x128xi32, #tpu.memory_space<vmem>> -> memref<1x128xi32, #tpu.memory_space<vmem>>
    %dma_start3A_563 = tpu.memref_squeeze %dma_start3A_562 : memref<1x128xi32, #tpu.memory_space<vmem>> -> memref<128xi32, #tpu.memory_space<vmem>>
    %dma_start3A_564 = arith.constant 0 : i32
    %dma_start3A_565 = tpu.memref_slice %arg6[%dma_start3A_564] : memref<100001xf32, #tpu.memory_space<hbm>> -> memref<100001xf32, #tpu.memory_space<hbm>>
    tpu.enqueue_indirect_dma source(%dma_start3A_565 : memref<100001xf32, #tpu.memory_space<hbm>>) target(%dma_start3A_560 : memref<128xf32, #tpu.memory_space<vmem>>) offsets(%dma_start3A_563 : memref<128xi32, #tpu.memory_space<vmem>>) semaphore(%arg16 : memref<!tpu.dma_semaphore, #tpu.memory_space<semaphore_mem>>)
    %dma_start3A_566 = arith.constant 3 : i32
    %dma_start3A_567 = arith.constant 3 : i32
    %dma_start3A_568 = arith.constant 0 : i32
    %dma_start3A_569 = tpu.memref_slice %arg15[%dma_start3A_567, %dma_start3A_568] : memref<4x128xf32, #tpu.memory_space<vmem>> -> memref<1x128xf32, #tpu.memory_space<vmem>>
    %dma_start3A_570 = tpu.memref_squeeze %dma_start3A_569 : memref<1x128xf32, #tpu.memory_space<vmem>> -> memref<128xf32, #tpu.memory_space<vmem>>
    %dma_start3A_571 = arith.constant 0 : i32
    %dma_start3A_572 = tpu.memref_slice %arg11[%dma_start3A_566, %dma_start3A_571] : memref<4x128xi32, #tpu.memory_space<vmem>> -> memref<1x128xi32, #tpu.memory_space<vmem>>
    %dma_start3A_573 = tpu.memref_squeeze %dma_start3A_572 : memref<1x128xi32, #tpu.memory_space<vmem>> -> memref<128xi32, #tpu.memory_space<vmem>>
    %dma_start3A_574 = arith.constant 0 : i32
    %dma_start3A_575 = tpu.memref_slice %arg6[%dma_start3A_574] : memref<100001xf32, #tpu.memory_space<hbm>> -> memref<100001xf32, #tpu.memory_space<hbm>>
    tpu.enqueue_indirect_dma source(%dma_start3A_575 : memref<100001xf32, #tpu.memory_space<hbm>>) target(%dma_start3A_570 : memref<128xf32, #tpu.memory_space<vmem>>) offsets(%dma_start3A_573 : memref<128xi32, #tpu.memory_space<vmem>>) semaphore(%arg16 : memref<!tpu.dma_semaphore, #tpu.memory_space<semaphore_mem>>)
    %dma_wait3A = arith.constant 0 : i32
    %dma_wait3A_576 = arith.constant 0 : i32
    %dma_wait3A_577 = arith.constant 0 : i32
    %dma_wait3A_578 = arith.constant 0 : i32
    %dma_wait3A_579 = tpu.memref_slice %arg13[%dma_wait3A_576, %dma_wait3A_577, %dma_wait3A_578] : memref<4x128x128xf32, #tpu.memory_space<vmem>> -> memref<1x128x128xf32, #tpu.memory_space<vmem>>
    %dma_wait3A_580 = tpu.memref_squeeze %dma_wait3A_579 : memref<1x128x128xf32, #tpu.memory_space<vmem>> -> memref<128x128xf32, #tpu.memory_space<vmem>>
    %dma_wait3A_581 = arith.constant 0 : i32
    %dma_wait3A_582 = tpu.memref_slice %arg12[%dma_wait3A, %dma_wait3A_581] : memref<4x128xi32, #tpu.memory_space<vmem>> -> memref<1x128xi32, #tpu.memory_space<vmem>>
    %dma_wait3A_583 = tpu.memref_squeeze %dma_wait3A_582 : memref<1x128xi32, #tpu.memory_space<vmem>> -> memref<128xi32, #tpu.memory_space<vmem>>
    %dma_wait3A_584 = arith.constant 0 : i32
    %dma_wait3A_585 = arith.constant 0 : i32
    %dma_wait3A_586 = tpu.memref_slice %arg4[%dma_wait3A_584, %dma_wait3A_585] : memref<50176x128xf32, #tpu.memory_space<hbm>> -> memref<50176x128xf32, #tpu.memory_space<hbm>>
    tpu.wait_indirect_dma semaphore(%arg16 : memref<!tpu.dma_semaphore, #tpu.memory_space<semaphore_mem>>) src(%dma_wait3A_586 : memref<50176x128xf32, #tpu.memory_space<hbm>>) dst(%dma_wait3A_580 : memref<128x128xf32, #tpu.memory_space<vmem>>)
    %add3A_587 = arith.constant 0 : i32
    %add3A_588 = arith.addi %mul3A_2, %add3A_587 : i32
    %dma_start3A_589 = arith.constant 0 : i32
    %dma_start3A_590 = arith.constant 0 : i32
    %dma_start3A_591 = arith.constant 0 : i32
    %dma_start3A_592 = tpu.memref_slice %arg13[%dma_start3A_589, %dma_start3A_590, %dma_start3A_591] : memref<4x128x128xf32, #tpu.memory_space<vmem>> -> memref<1x128x128xf32, #tpu.memory_space<vmem>>
    %dma_start3A_593 = tpu.memref_squeeze %dma_start3A_592 : memref<1x128x128xf32, #tpu.memory_space<vmem>> -> memref<128x128xf32, #tpu.memory_space<vmem>>
    %dma_start3A_594 = arith.constant 0 : i32
    %dma_start3A_595 = tpu.memref_slice %arg8[%add3A_588, %dma_start3A_594] : memref<16384x128xf32, #tpu.memory_space<hbm>> -> memref<128x128xf32, #tpu.memory_space<hbm>>
    %dma_start3A_596 = arith.constant 0 : i32
    %dma_start3A_597 = tpu.memref_slice %arg8[%add3A_588, %dma_start3A_596] : memref<16384x128xf32, #tpu.memory_space<hbm>> -> memref<128x128xf32, #tpu.memory_space<hbm>>
    %dma_start3A_598 = arith.constant 0 : i32
    %dma_start3A_599 = arith.constant 0 : i32
    %dma_start3A_600 = tpu.memref_slice %arg13[%dma_start3A_589, %dma_start3A_598, %dma_start3A_599] : memref<4x128x128xf32, #tpu.memory_space<vmem>> -> memref<1x128x128xf32, #tpu.memory_space<vmem>>
    %dma_start3A_601 = tpu.memref_squeeze %dma_start3A_600 : memref<1x128x128xf32, #tpu.memory_space<vmem>> -> memref<128x128xf32, #tpu.memory_space<vmem>>
    tpu.enqueue_dma source(%dma_start3A_601 : memref<128x128xf32, #tpu.memory_space<vmem>>) target(%dma_start3A_597 : memref<128x128xf32, #tpu.memory_space<hbm>>) target_semaphore(%arg17 : memref<!tpu.dma_semaphore, #tpu.memory_space<semaphore_mem>>)
    %dma_wait3A_602 = arith.constant 1 : i32
    %dma_wait3A_603 = arith.constant 1 : i32
    %dma_wait3A_604 = arith.constant 0 : i32
    %dma_wait3A_605 = arith.constant 0 : i32
    %dma_wait3A_606 = tpu.memref_slice %arg13[%dma_wait3A_603, %dma_wait3A_604, %dma_wait3A_605] : memref<4x128x128xf32, #tpu.memory_space<vmem>> -> memref<1x128x128xf32, #tpu.memory_space<vmem>>
    %dma_wait3A_607 = tpu.memref_squeeze %dma_wait3A_606 : memref<1x128x128xf32, #tpu.memory_space<vmem>> -> memref<128x128xf32, #tpu.memory_space<vmem>>
    %dma_wait3A_608 = arith.constant 0 : i32
    %dma_wait3A_609 = tpu.memref_slice %arg12[%dma_wait3A_602, %dma_wait3A_608] : memref<4x128xi32, #tpu.memory_space<vmem>> -> memref<1x128xi32, #tpu.memory_space<vmem>>
    %dma_wait3A_610 = tpu.memref_squeeze %dma_wait3A_609 : memref<1x128xi32, #tpu.memory_space<vmem>> -> memref<128xi32, #tpu.memory_space<vmem>>
    %dma_wait3A_611 = arith.constant 0 : i32
    %dma_wait3A_612 = arith.constant 0 : i32
    %dma_wait3A_613 = tpu.memref_slice %arg4[%dma_wait3A_611, %dma_wait3A_612] : memref<50176x128xf32, #tpu.memory_space<hbm>> -> memref<50176x128xf32, #tpu.memory_space<hbm>>
    tpu.wait_indirect_dma semaphore(%arg16 : memref<!tpu.dma_semaphore, #tpu.memory_space<semaphore_mem>>) src(%dma_wait3A_613 : memref<50176x128xf32, #tpu.memory_space<hbm>>) dst(%dma_wait3A_607 : memref<128x128xf32, #tpu.memory_space<vmem>>)
    %add3A_614 = arith.constant 128 : i32
    %add3A_615 = arith.addi %mul3A_2, %add3A_614 : i32
    %dma_start3A_616 = arith.constant 1 : i32
    %dma_start3A_617 = arith.constant 0 : i32
    %dma_start3A_618 = arith.constant 0 : i32
    %dma_start3A_619 = tpu.memref_slice %arg13[%dma_start3A_616, %dma_start3A_617, %dma_start3A_618] : memref<4x128x128xf32, #tpu.memory_space<vmem>> -> memref<1x128x128xf32, #tpu.memory_space<vmem>>
    %dma_start3A_620 = tpu.memref_squeeze %dma_start3A_619 : memref<1x128x128xf32, #tpu.memory_space<vmem>> -> memref<128x128xf32, #tpu.memory_space<vmem>>
    %dma_start3A_621 = arith.constant 0 : i32
    %dma_start3A_622 = tpu.memref_slice %arg8[%add3A_615, %dma_start3A_621] : memref<16384x128xf32, #tpu.memory_space<hbm>> -> memref<128x128xf32, #tpu.memory_space<hbm>>
    %dma_start3A_623 = arith.constant 0 : i32
    %dma_start3A_624 = tpu.memref_slice %arg8[%add3A_615, %dma_start3A_623] : memref<16384x128xf32, #tpu.memory_space<hbm>> -> memref<128x128xf32, #tpu.memory_space<hbm>>
    %dma_start3A_625 = arith.constant 0 : i32
    %dma_start3A_626 = arith.constant 0 : i32
    %dma_start3A_627 = tpu.memref_slice %arg13[%dma_start3A_616, %dma_start3A_625, %dma_start3A_626] : memref<4x128x128xf32, #tpu.memory_space<vmem>> -> memref<1x128x128xf32, #tpu.memory_space<vmem>>
    %dma_start3A_628 = tpu.memref_squeeze %dma_start3A_627 : memref<1x128x128xf32, #tpu.memory_space<vmem>> -> memref<128x128xf32, #tpu.memory_space<vmem>>
    tpu.enqueue_dma source(%dma_start3A_628 : memref<128x128xf32, #tpu.memory_space<vmem>>) target(%dma_start3A_624 : memref<128x128xf32, #tpu.memory_space<hbm>>) target_semaphore(%arg17 : memref<!tpu.dma_semaphore, #tpu.memory_space<semaphore_mem>>)
    %dma_wait3A_629 = arith.constant 2 : i32
    %dma_wait3A_630 = arith.constant 2 : i32
    %dma_wait3A_631 = arith.constant 0 : i32
    %dma_wait3A_632 = arith.constant 0 : i32
    %dma_wait3A_633 = tpu.memref_slice %arg13[%dma_wait3A_630, %dma_wait3A_631, %dma_wait3A_632] : memref<4x128x128xf32, #tpu.memory_space<vmem>> -> memref<1x128x128xf32, #tpu.memory_space<vmem>>
    %dma_wait3A_634 = tpu.memref_squeeze %dma_wait3A_633 : memref<1x128x128xf32, #tpu.memory_space<vmem>> -> memref<128x128xf32, #tpu.memory_space<vmem>>
    %dma_wait3A_635 = arith.constant 0 : i32
    %dma_wait3A_636 = tpu.memref_slice %arg12[%dma_wait3A_629, %dma_wait3A_635] : memref<4x128xi32, #tpu.memory_space<vmem>> -> memref<1x128xi32, #tpu.memory_space<vmem>>
    %dma_wait3A_637 = tpu.memref_squeeze %dma_wait3A_636 : memref<1x128xi32, #tpu.memory_space<vmem>> -> memref<128xi32, #tpu.memory_space<vmem>>
    %dma_wait3A_638 = arith.constant 0 : i32
    %dma_wait3A_639 = arith.constant 0 : i32
    %dma_wait3A_640 = tpu.memref_slice %arg4[%dma_wait3A_638, %dma_wait3A_639] : memref<50176x128xf32, #tpu.memory_space<hbm>> -> memref<50176x128xf32, #tpu.memory_space<hbm>>
    tpu.wait_indirect_dma semaphore(%arg16 : memref<!tpu.dma_semaphore, #tpu.memory_space<semaphore_mem>>) src(%dma_wait3A_640 : memref<50176x128xf32, #tpu.memory_space<hbm>>) dst(%dma_wait3A_634 : memref<128x128xf32, #tpu.memory_space<vmem>>)
    %add3A_641 = arith.constant 256 : i32
    %add3A_642 = arith.addi %mul3A_2, %add3A_641 : i32
    %dma_start3A_643 = arith.constant 2 : i32
    %dma_start3A_644 = arith.constant 0 : i32
    %dma_start3A_645 = arith.constant 0 : i32
    %dma_start3A_646 = tpu.memref_slice %arg13[%dma_start3A_643, %dma_start3A_644, %dma_start3A_645] : memref<4x128x128xf32, #tpu.memory_space<vmem>> -> memref<1x128x128xf32, #tpu.memory_space<vmem>>
    %dma_start3A_647 = tpu.memref_squeeze %dma_start3A_646 : memref<1x128x128xf32, #tpu.memory_space<vmem>> -> memref<128x128xf32, #tpu.memory_space<vmem>>
    %dma_start3A_648 = arith.constant 0 : i32
    %dma_start3A_649 = tpu.memref_slice %arg8[%add3A_642, %dma_start3A_648] : memref<16384x128xf32, #tpu.memory_space<hbm>> -> memref<128x128xf32, #tpu.memory_space<hbm>>
    %dma_start3A_650 = arith.constant 0 : i32
    %dma_start3A_651 = tpu.memref_slice %arg8[%add3A_642, %dma_start3A_650] : memref<16384x128xf32, #tpu.memory_space<hbm>> -> memref<128x128xf32, #tpu.memory_space<hbm>>
    %dma_start3A_652 = arith.constant 0 : i32
    %dma_start3A_653 = arith.constant 0 : i32
    %dma_start3A_654 = tpu.memref_slice %arg13[%dma_start3A_643, %dma_start3A_652, %dma_start3A_653] : memref<4x128x128xf32, #tpu.memory_space<vmem>> -> memref<1x128x128xf32, #tpu.memory_space<vmem>>
    %dma_start3A_655 = tpu.memref_squeeze %dma_start3A_654 : memref<1x128x128xf32, #tpu.memory_space<vmem>> -> memref<128x128xf32, #tpu.memory_space<vmem>>
    tpu.enqueue_dma source(%dma_start3A_655 : memref<128x128xf32, #tpu.memory_space<vmem>>) target(%dma_start3A_651 : memref<128x128xf32, #tpu.memory_space<hbm>>) target_semaphore(%arg17 : memref<!tpu.dma_semaphore, #tpu.memory_space<semaphore_mem>>)
    %dma_wait3A_656 = arith.constant 3 : i32
    %dma_wait3A_657 = arith.constant 3 : i32
    %dma_wait3A_658 = arith.constant 0 : i32
    %dma_wait3A_659 = arith.constant 0 : i32
    %dma_wait3A_660 = tpu.memref_slice %arg13[%dma_wait3A_657, %dma_wait3A_658, %dma_wait3A_659] : memref<4x128x128xf32, #tpu.memory_space<vmem>> -> memref<1x128x128xf32, #tpu.memory_space<vmem>>
    %dma_wait3A_661 = tpu.memref_squeeze %dma_wait3A_660 : memref<1x128x128xf32, #tpu.memory_space<vmem>> -> memref<128x128xf32, #tpu.memory_space<vmem>>
    %dma_wait3A_662 = arith.constant 0 : i32
    %dma_wait3A_663 = tpu.memref_slice %arg12[%dma_wait3A_656, %dma_wait3A_662] : memref<4x128xi32, #tpu.memory_space<vmem>> -> memref<1x128xi32, #tpu.memory_space<vmem>>
    %dma_wait3A_664 = tpu.memref_squeeze %dma_wait3A_663 : memref<1x128xi32, #tpu.memory_space<vmem>> -> memref<128xi32, #tpu.memory_space<vmem>>
    %dma_wait3A_665 = arith.constant 0 : i32
    %dma_wait3A_666 = arith.constant 0 : i32
    %dma_wait3A_667 = tpu.memref_slice %arg4[%dma_wait3A_665, %dma_wait3A_666] : memref<50176x128xf32, #tpu.memory_space<hbm>> -> memref<50176x128xf32, #tpu.memory_space<hbm>>
    tpu.wait_indirect_dma semaphore(%arg16 : memref<!tpu.dma_semaphore, #tpu.memory_space<semaphore_mem>>) src(%dma_wait3A_667 : memref<50176x128xf32, #tpu.memory_space<hbm>>) dst(%dma_wait3A_661 : memref<128x128xf32, #tpu.memory_space<vmem>>)
    %add3A_668 = arith.constant 384 : i32
    %add3A_669 = arith.addi %mul3A_2, %add3A_668 : i32
    %dma_start3A_670 = arith.constant 3 : i32
    %dma_start3A_671 = arith.constant 0 : i32
    %dma_start3A_672 = arith.constant 0 : i32
    %dma_start3A_673 = tpu.memref_slice %arg13[%dma_start3A_670, %dma_start3A_671, %dma_start3A_672] : memref<4x128x128xf32, #tpu.memory_space<vmem>> -> memref<1x128x128xf32, #tpu.memory_space<vmem>>
    %dma_start3A_674 = tpu.memref_squeeze %dma_start3A_673 : memref<1x128x128xf32, #tpu.memory_space<vmem>> -> memref<128x128xf32, #tpu.memory_space<vmem>>
    %dma_start3A_675 = arith.constant 0 : i32
    %dma_start3A_676 = tpu.memref_slice %arg8[%add3A_669, %dma_start3A_675] : memref<16384x128xf32, #tpu.memory_space<hbm>> -> memref<128x128xf32, #tpu.memory_space<hbm>>
    %dma_start3A_677 = arith.constant 0 : i32
    %dma_start3A_678 = tpu.memref_slice %arg8[%add3A_669, %dma_start3A_677] : memref<16384x128xf32, #tpu.memory_space<hbm>> -> memref<128x128xf32, #tpu.memory_space<hbm>>
    %dma_start3A_679 = arith.constant 0 : i32
    %dma_start3A_680 = arith.constant 0 : i32
    %dma_start3A_681 = tpu.memref_slice %arg13[%dma_start3A_670, %dma_start3A_679, %dma_start3A_680] : memref<4x128x128xf32, #tpu.memory_space<vmem>> -> memref<1x128x128xf32, #tpu.memory_space<vmem>>
    %dma_start3A_682 = tpu.memref_squeeze %dma_start3A_681 : memref<1x128x128xf32, #tpu.memory_space<vmem>> -> memref<128x128xf32, #tpu.memory_space<vmem>>
    tpu.enqueue_dma source(%dma_start3A_682 : memref<128x128xf32, #tpu.memory_space<vmem>>) target(%dma_start3A_678 : memref<128x128xf32, #tpu.memory_space<hbm>>) target_semaphore(%arg17 : memref<!tpu.dma_semaphore, #tpu.memory_space<semaphore_mem>>)
    %dma_wait3A_683 = arith.constant 0 : i32
    %dma_wait3A_684 = arith.constant 0 : i32
    %dma_wait3A_685 = arith.constant 0 : i32
    %dma_wait3A_686 = tpu.memref_slice %arg15[%dma_wait3A_684, %dma_wait3A_685] : memref<4x128xf32, #tpu.memory_space<vmem>> -> memref<1x128xf32, #tpu.memory_space<vmem>>
    %dma_wait3A_687 = tpu.memref_squeeze %dma_wait3A_686 : memref<1x128xf32, #tpu.memory_space<vmem>> -> memref<128xf32, #tpu.memory_space<vmem>>
    %dma_wait3A_688 = arith.constant 0 : i32
    %dma_wait3A_689 = tpu.memref_slice %arg11[%dma_wait3A_683, %dma_wait3A_688] : memref<4x128xi32, #tpu.memory_space<vmem>> -> memref<1x128xi32, #tpu.memory_space<vmem>>
    %dma_wait3A_690 = tpu.memref_squeeze %dma_wait3A_689 : memref<1x128xi32, #tpu.memory_space<vmem>> -> memref<128xi32, #tpu.memory_space<vmem>>
    %dma_wait3A_691 = arith.constant 0 : i32
    %dma_wait3A_692 = tpu.memref_slice %arg6[%dma_wait3A_691] : memref<100001xf32, #tpu.memory_space<hbm>> -> memref<100001xf32, #tpu.memory_space<hbm>>
    tpu.wait_indirect_dma semaphore(%arg16 : memref<!tpu.dma_semaphore, #tpu.memory_space<semaphore_mem>>) src(%dma_wait3A_692 : memref<100001xf32, #tpu.memory_space<hbm>>) dst(%dma_wait3A_687 : memref<128xf32, #tpu.memory_space<vmem>>)
    %dma_wait3A_693 = arith.constant 1 : i32
    %dma_wait3A_694 = arith.constant 1 : i32
    %dma_wait3A_695 = arith.constant 0 : i32
    %dma_wait3A_696 = tpu.memref_slice %arg15[%dma_wait3A_694, %dma_wait3A_695] : memref<4x128xf32, #tpu.memory_space<vmem>> -> memref<1x128xf32, #tpu.memory_space<vmem>>
    %dma_wait3A_697 = tpu.memref_squeeze %dma_wait3A_696 : memref<1x128xf32, #tpu.memory_space<vmem>> -> memref<128xf32, #tpu.memory_space<vmem>>
    %dma_wait3A_698 = arith.constant 0 : i32
    %dma_wait3A_699 = tpu.memref_slice %arg11[%dma_wait3A_693, %dma_wait3A_698] : memref<4x128xi32, #tpu.memory_space<vmem>> -> memref<1x128xi32, #tpu.memory_space<vmem>>
    %dma_wait3A_700 = tpu.memref_squeeze %dma_wait3A_699 : memref<1x128xi32, #tpu.memory_space<vmem>> -> memref<128xi32, #tpu.memory_space<vmem>>
    %dma_wait3A_701 = arith.constant 0 : i32
    %dma_wait3A_702 = tpu.memref_slice %arg6[%dma_wait3A_701] : memref<100001xf32, #tpu.memory_space<hbm>> -> memref<100001xf32, #tpu.memory_space<hbm>>
    tpu.wait_indirect_dma semaphore(%arg16 : memref<!tpu.dma_semaphore, #tpu.memory_space<semaphore_mem>>) src(%dma_wait3A_702 : memref<100001xf32, #tpu.memory_space<hbm>>) dst(%dma_wait3A_697 : memref<128xf32, #tpu.memory_space<vmem>>)
    %dma_wait3A_703 = arith.constant 2 : i32
    %dma_wait3A_704 = arith.constant 2 : i32
    %dma_wait3A_705 = arith.constant 0 : i32
    %dma_wait3A_706 = tpu.memref_slice %arg15[%dma_wait3A_704, %dma_wait3A_705] : memref<4x128xf32, #tpu.memory_space<vmem>> -> memref<1x128xf32, #tpu.memory_space<vmem>>
    %dma_wait3A_707 = tpu.memref_squeeze %dma_wait3A_706 : memref<1x128xf32, #tpu.memory_space<vmem>> -> memref<128xf32, #tpu.memory_space<vmem>>
    %dma_wait3A_708 = arith.constant 0 : i32
    %dma_wait3A_709 = tpu.memref_slice %arg11[%dma_wait3A_703, %dma_wait3A_708] : memref<4x128xi32, #tpu.memory_space<vmem>> -> memref<1x128xi32, #tpu.memory_space<vmem>>
    %dma_wait3A_710 = tpu.memref_squeeze %dma_wait3A_709 : memref<1x128xi32, #tpu.memory_space<vmem>> -> memref<128xi32, #tpu.memory_space<vmem>>
    %dma_wait3A_711 = arith.constant 0 : i32
    %dma_wait3A_712 = tpu.memref_slice %arg6[%dma_wait3A_711] : memref<100001xf32, #tpu.memory_space<hbm>> -> memref<100001xf32, #tpu.memory_space<hbm>>
    tpu.wait_indirect_dma semaphore(%arg16 : memref<!tpu.dma_semaphore, #tpu.memory_space<semaphore_mem>>) src(%dma_wait3A_712 : memref<100001xf32, #tpu.memory_space<hbm>>) dst(%dma_wait3A_707 : memref<128xf32, #tpu.memory_space<vmem>>)
    %dma_wait3A_713 = arith.constant 3 : i32
    %dma_wait3A_714 = arith.constant 3 : i32
    %dma_wait3A_715 = arith.constant 0 : i32
    %dma_wait3A_716 = tpu.memref_slice %arg15[%dma_wait3A_714, %dma_wait3A_715] : memref<4x128xf32, #tpu.memory_space<vmem>> -> memref<1x128xf32, #tpu.memory_space<vmem>>
    %dma_wait3A_717 = tpu.memref_squeeze %dma_wait3A_716 : memref<1x128xf32, #tpu.memory_space<vmem>> -> memref<128xf32, #tpu.memory_space<vmem>>
    %dma_wait3A_718 = arith.constant 0 : i32
    %dma_wait3A_719 = tpu.memref_slice %arg11[%dma_wait3A_713, %dma_wait3A_718] : memref<4x128xi32, #tpu.memory_space<vmem>> -> memref<1x128xi32, #tpu.memory_space<vmem>>
    %dma_wait3A_720 = tpu.memref_squeeze %dma_wait3A_719 : memref<1x128xi32, #tpu.memory_space<vmem>> -> memref<128xi32, #tpu.memory_space<vmem>>
    %dma_wait3A_721 = arith.constant 0 : i32
    %dma_wait3A_722 = tpu.memref_slice %arg6[%dma_wait3A_721] : memref<100001xf32, #tpu.memory_space<hbm>> -> memref<100001xf32, #tpu.memory_space<hbm>>
    tpu.wait_indirect_dma semaphore(%arg16 : memref<!tpu.dma_semaphore, #tpu.memory_space<semaphore_mem>>) src(%dma_wait3A_722 : memref<100001xf32, #tpu.memory_space<hbm>>) dst(%dma_wait3A_717 : memref<128xf32, #tpu.memory_space<vmem>>)
    %dma_wait3A_723 = arith.constant 0 : i32
    %dma_wait3A_724 = arith.constant 0 : i32
    %dma_wait3A_725 = arith.constant 0 : i32
    %dma_wait3A_726 = tpu.memref_slice %arg13[%dma_wait3A_723, %dma_wait3A_724, %dma_wait3A_725] : memref<4x128x128xf32, #tpu.memory_space<vmem>> -> memref<1x128x128xf32, #tpu.memory_space<vmem>>
    %dma_wait3A_727 = tpu.memref_squeeze %dma_wait3A_726 : memref<1x128x128xf32, #tpu.memory_space<vmem>> -> memref<128x128xf32, #tpu.memory_space<vmem>>
    %dma_wait3A_728 = arith.constant 0 : i32
    %dma_wait3A_729 = tpu.memref_slice %arg8[%add3A_588, %dma_wait3A_728] : memref<16384x128xf32, #tpu.memory_space<hbm>> -> memref<128x128xf32, #tpu.memory_space<hbm>>
    %dma_wait3A_730 = arith.constant 0 : i32
    %dma_wait3A_731 = tpu.memref_slice %arg8[%add3A_588, %dma_wait3A_730] : memref<16384x128xf32, #tpu.memory_space<hbm>> -> memref<128x128xf32, #tpu.memory_space<hbm>>
    %dma_wait3A_732 = arith.constant 0 : i32
    %dma_wait3A_733 = arith.constant 0 : i32
    %dma_wait3A_734 = tpu.memref_slice %arg13[%dma_wait3A_723, %dma_wait3A_732, %dma_wait3A_733] : memref<4x128x128xf32, #tpu.memory_space<vmem>> -> memref<1x128x128xf32, #tpu.memory_space<vmem>>
    %dma_wait3A_735 = tpu.memref_squeeze %dma_wait3A_734 : memref<1x128x128xf32, #tpu.memory_space<vmem>> -> memref<128x128xf32, #tpu.memory_space<vmem>>
    tpu.wait_dma2 semaphore(%arg17 : memref<!tpu.dma_semaphore, #tpu.memory_space<semaphore_mem>>) src(%dma_wait3A_735 : memref<128x128xf32, #tpu.memory_space<vmem>>) dst(%dma_wait3A_731 : memref<128x128xf32, #tpu.memory_space<hbm>>)
    %dma_wait3A_736 = arith.constant 1 : i32
    %dma_wait3A_737 = arith.constant 0 : i32
    %dma_wait3A_738 = arith.constant 0 : i32
    %dma_wait3A_739 = tpu.memref_slice %arg13[%dma_wait3A_736, %dma_wait3A_737, %dma_wait3A_738] : memref<4x128x128xf32, #tpu.memory_space<vmem>> -> memref<1x128x128xf32, #tpu.memory_space<vmem>>
    %dma_wait3A_740 = tpu.memref_squeeze %dma_wait3A_739 : memref<1x128x128xf32, #tpu.memory_space<vmem>> -> memref<128x128xf32, #tpu.memory_space<vmem>>
    %dma_wait3A_741 = arith.constant 0 : i32
    %dma_wait3A_742 = tpu.memref_slice %arg8[%add3A_615, %dma_wait3A_741] : memref<16384x128xf32, #tpu.memory_space<hbm>> -> memref<128x128xf32, #tpu.memory_space<hbm>>
    %dma_wait3A_743 = arith.constant 0 : i32
    %dma_wait3A_744 = tpu.memref_slice %arg8[%add3A_615, %dma_wait3A_743] : memref<16384x128xf32, #tpu.memory_space<hbm>> -> memref<128x128xf32, #tpu.memory_space<hbm>>
    %dma_wait3A_745 = arith.constant 0 : i32
    %dma_wait3A_746 = arith.constant 0 : i32
    %dma_wait3A_747 = tpu.memref_slice %arg13[%dma_wait3A_736, %dma_wait3A_745, %dma_wait3A_746] : memref<4x128x128xf32, #tpu.memory_space<vmem>> -> memref<1x128x128xf32, #tpu.memory_space<vmem>>
    %dma_wait3A_748 = tpu.memref_squeeze %dma_wait3A_747 : memref<1x128x128xf32, #tpu.memory_space<vmem>> -> memref<128x128xf32, #tpu.memory_space<vmem>>
    tpu.wait_dma2 semaphore(%arg17 : memref<!tpu.dma_semaphore, #tpu.memory_space<semaphore_mem>>) src(%dma_wait3A_748 : memref<128x128xf32, #tpu.memory_space<vmem>>) dst(%dma_wait3A_744 : memref<128x128xf32, #tpu.memory_space<hbm>>)
    %dma_wait3A_749 = arith.constant 2 : i32
    %dma_wait3A_750 = arith.constant 0 : i32
    %dma_wait3A_751 = arith.constant 0 : i32
    %dma_wait3A_752 = tpu.memref_slice %arg13[%dma_wait3A_749, %dma_wait3A_750, %dma_wait3A_751] : memref<4x128x128xf32, #tpu.memory_space<vmem>> -> memref<1x128x128xf32, #tpu.memory_space<vmem>>
    %dma_wait3A_753 = tpu.memref_squeeze %dma_wait3A_752 : memref<1x128x128xf32, #tpu.memory_space<vmem>> -> memref<128x128xf32, #tpu.memory_space<vmem>>
    %dma_wait3A_754 = arith.constant 0 : i32
    %dma_wait3A_755 = tpu.memref_slice %arg8[%add3A_642, %dma_wait3A_754] : memref<16384x128xf32, #tpu.memory_space<hbm>> -> memref<128x128xf32, #tpu.memory_space<hbm>>
    %dma_wait3A_756 = arith.constant 0 : i32
    %dma_wait3A_757 = tpu.memref_slice %arg8[%add3A_642, %dma_wait3A_756] : memref<16384x128xf32, #tpu.memory_space<hbm>> -> memref<128x128xf32, #tpu.memory_space<hbm>>
    %dma_wait3A_758 = arith.constant 0 : i32
    %dma_wait3A_759 = arith.constant 0 : i32
    %dma_wait3A_760 = tpu.memref_slice %arg13[%dma_wait3A_749, %dma_wait3A_758, %dma_wait3A_759] : memref<4x128x128xf32, #tpu.memory_space<vmem>> -> memref<1x128x128xf32, #tpu.memory_space<vmem>>
    %dma_wait3A_761 = tpu.memref_squeeze %dma_wait3A_760 : memref<1x128x128xf32, #tpu.memory_space<vmem>> -> memref<128x128xf32, #tpu.memory_space<vmem>>
    tpu.wait_dma2 semaphore(%arg17 : memref<!tpu.dma_semaphore, #tpu.memory_space<semaphore_mem>>) src(%dma_wait3A_761 : memref<128x128xf32, #tpu.memory_space<vmem>>) dst(%dma_wait3A_757 : memref<128x128xf32, #tpu.memory_space<hbm>>)
    %dma_wait3A_762 = arith.constant 3 : i32
    %dma_wait3A_763 = arith.constant 0 : i32
    %dma_wait3A_764 = arith.constant 0 : i32
    %dma_wait3A_765 = tpu.memref_slice %arg13[%dma_wait3A_762, %dma_wait3A_763, %dma_wait3A_764] : memref<4x128x128xf32, #tpu.memory_space<vmem>> -> memref<1x128x128xf32, #tpu.memory_space<vmem>>
    %dma_wait3A_766 = tpu.memref_squeeze %dma_wait3A_765 : memref<1x128x128xf32, #tpu.memory_space<vmem>> -> memref<128x128xf32, #tpu.memory_space<vmem>>
    %dma_wait3A_767 = arith.constant 0 : i32
    %dma_wait3A_768 = tpu.memref_slice %arg8[%add3A_669, %dma_wait3A_767] : memref<16384x128xf32, #tpu.memory_space<hbm>> -> memref<128x128xf32, #tpu.memory_space<hbm>>
    %dma_wait3A_769 = arith.constant 0 : i32
    %dma_wait3A_770 = tpu.memref_slice %arg8[%add3A_669, %dma_wait3A_769] : memref<16384x128xf32, #tpu.memory_space<hbm>> -> memref<128x128xf32, #tpu.memory_space<hbm>>
    %dma_wait3A_771 = arith.constant 0 : i32
    %dma_wait3A_772 = arith.constant 0 : i32
    %dma_wait3A_773 = tpu.memref_slice %arg13[%dma_wait3A_762, %dma_wait3A_771, %dma_wait3A_772] : memref<4x128x128xf32, #tpu.memory_space<vmem>> -> memref<1x128x128xf32, #tpu.memory_space<vmem>>
    %dma_wait3A_774 = tpu.memref_squeeze %dma_wait3A_773 : memref<1x128x128xf32, #tpu.memory_space<vmem>> -> memref<128x128xf32, #tpu.memory_space<vmem>>
    tpu.wait_dma2 semaphore(%arg17 : memref<!tpu.dma_semaphore, #tpu.memory_space<semaphore_mem>>) src(%dma_wait3A_774 : memref<128x128xf32, #tpu.memory_space<vmem>>) dst(%dma_wait3A_770 : memref<128x128xf32, #tpu.memory_space<hbm>>)
    %add3A_775 = arith.constant 0 : i32
    %add3A_776 = arith.addi %mul3A_2, %add3A_775 : i32
    %run_scoped3A_777 = arith.constant 0 : i32
    "tpu.region"() ({
      %run_scoped3A_1983 = tpu.sem_alloc : memref<!tpu.dma_semaphore, #tpu.memory_space<semaphore_mem>>
      %dma_start3A_1984 = arith.constant 0 : i32
      %dma_start3A_1985 = tpu.memref_slice %arg11[%run_scoped3A_777, %dma_start3A_1984] : memref<4x128xi32, #tpu.memory_space<vmem>> -> memref<1x128xi32, #tpu.memory_space<vmem>>
      %dma_start3A_1986 = tpu.memref_squeeze %dma_start3A_1985 : memref<1x128xi32, #tpu.memory_space<vmem>> -> memref<128xi32, #tpu.memory_space<vmem>>
      %dma_start3A_1987 = tpu.memref_slice %arg3[%add3A_776] : memref<16384xi32, #tpu.memory_space<hbm>> -> memref<128xi32, #tpu.memory_space<hbm>>
      %dma_start3A_1988 = arith.constant 0 : i32
      %dma_start3A_1989 = tpu.memref_slice %arg11[%run_scoped3A_777, %dma_start3A_1988] : memref<4x128xi32, #tpu.memory_space<vmem>> -> memref<1x128xi32, #tpu.memory_space<vmem>>
      %dma_start3A_1990 = tpu.memref_squeeze %dma_start3A_1989 : memref<1x128xi32, #tpu.memory_space<vmem>> -> memref<128xi32, #tpu.memory_space<vmem>>
      %dma_start3A_1991 = tpu.memref_slice %arg3[%add3A_776] : memref<16384xi32, #tpu.memory_space<hbm>> -> memref<128xi32, #tpu.memory_space<hbm>>
      tpu.enqueue_dma source(%dma_start3A_1991 : memref<128xi32, #tpu.memory_space<hbm>>) target(%dma_start3A_1990 : memref<128xi32, #tpu.memory_space<vmem>>) target_semaphore(%run_scoped3A_1983 : memref<!tpu.dma_semaphore, #tpu.memory_space<semaphore_mem>>)
      %dma_wait3A_1992 = arith.constant 0 : i32
      %dma_wait3A_1993 = tpu.memref_slice %arg11[%run_scoped3A_777, %dma_wait3A_1992] : memref<4x128xi32, #tpu.memory_space<vmem>> -> memref<1x128xi32, #tpu.memory_space<vmem>>
      %dma_wait3A_1994 = tpu.memref_squeeze %dma_wait3A_1993 : memref<1x128xi32, #tpu.memory_space<vmem>> -> memref<128xi32, #tpu.memory_space<vmem>>
      %dma_wait3A_1995 = tpu.memref_slice %arg3[%add3A_776] : memref<16384xi32, #tpu.memory_space<hbm>> -> memref<128xi32, #tpu.memory_space<hbm>>
      %dma_wait3A_1996 = arith.constant 0 : i32
      %dma_wait3A_1997 = tpu.memref_slice %arg11[%run_scoped3A_777, %dma_wait3A_1996] : memref<4x128xi32, #tpu.memory_space<vmem>> -> memref<1x128xi32, #tpu.memory_space<vmem>>
      %dma_wait3A_1998 = tpu.memref_squeeze %dma_wait3A_1997 : memref<1x128xi32, #tpu.memory_space<vmem>> -> memref<128xi32, #tpu.memory_space<vmem>>
      %dma_wait3A_1999 = tpu.memref_slice %arg3[%add3A_776] : memref<16384xi32, #tpu.memory_space<hbm>> -> memref<128xi32, #tpu.memory_space<hbm>>
      tpu.wait_dma2 semaphore(%run_scoped3A_1983 : memref<!tpu.dma_semaphore, #tpu.memory_space<semaphore_mem>>) src(%dma_wait3A_1999 : memref<128xi32, #tpu.memory_space<hbm>>) dst(%dma_wait3A_1998 : memref<128xi32, #tpu.memory_space<vmem>>)
      tpu.yield
    }) : () -> ()
    %add3A_778 = arith.constant 128 : i32
    %add3A_779 = arith.addi %mul3A_2, %add3A_778 : i32
    %run_scoped3A_780 = arith.constant 1 : i32
    "tpu.region"() ({
      %run_scoped3A_1983 = tpu.sem_alloc : memref<!tpu.dma_semaphore, #tpu.memory_space<semaphore_mem>>
      %dma_start3A_1984 = arith.constant 0 : i32
      %dma_start3A_1985 = tpu.memref_slice %arg11[%run_scoped3A_780, %dma_start3A_1984] : memref<4x128xi32, #tpu.memory_space<vmem>> -> memref<1x128xi32, #tpu.memory_space<vmem>>
      %dma_start3A_1986 = tpu.memref_squeeze %dma_start3A_1985 : memref<1x128xi32, #tpu.memory_space<vmem>> -> memref<128xi32, #tpu.memory_space<vmem>>
      %dma_start3A_1987 = tpu.memref_slice %arg3[%add3A_779] : memref<16384xi32, #tpu.memory_space<hbm>> -> memref<128xi32, #tpu.memory_space<hbm>>
      %dma_start3A_1988 = arith.constant 0 : i32
      %dma_start3A_1989 = tpu.memref_slice %arg11[%run_scoped3A_780, %dma_start3A_1988] : memref<4x128xi32, #tpu.memory_space<vmem>> -> memref<1x128xi32, #tpu.memory_space<vmem>>
      %dma_start3A_1990 = tpu.memref_squeeze %dma_start3A_1989 : memref<1x128xi32, #tpu.memory_space<vmem>> -> memref<128xi32, #tpu.memory_space<vmem>>
      %dma_start3A_1991 = tpu.memref_slice %arg3[%add3A_779] : memref<16384xi32, #tpu.memory_space<hbm>> -> memref<128xi32, #tpu.memory_space<hbm>>
      tpu.enqueue_dma source(%dma_start3A_1991 : memref<128xi32, #tpu.memory_space<hbm>>) target(%dma_start3A_1990 : memref<128xi32, #tpu.memory_space<vmem>>) target_semaphore(%run_scoped3A_1983 : memref<!tpu.dma_semaphore, #tpu.memory_space<semaphore_mem>>)
      %dma_wait3A_1992 = arith.constant 0 : i32
      %dma_wait3A_1993 = tpu.memref_slice %arg11[%run_scoped3A_780, %dma_wait3A_1992] : memref<4x128xi32, #tpu.memory_space<vmem>> -> memref<1x128xi32, #tpu.memory_space<vmem>>
      %dma_wait3A_1994 = tpu.memref_squeeze %dma_wait3A_1993 : memref<1x128xi32, #tpu.memory_space<vmem>> -> memref<128xi32, #tpu.memory_space<vmem>>
      %dma_wait3A_1995 = tpu.memref_slice %arg3[%add3A_779] : memref<16384xi32, #tpu.memory_space<hbm>> -> memref<128xi32, #tpu.memory_space<hbm>>
      %dma_wait3A_1996 = arith.constant 0 : i32
      %dma_wait3A_1997 = tpu.memref_slice %arg11[%run_scoped3A_780, %dma_wait3A_1996] : memref<4x128xi32, #tpu.memory_space<vmem>> -> memref<1x128xi32, #tpu.memory_space<vmem>>
      %dma_wait3A_1998 = tpu.memref_squeeze %dma_wait3A_1997 : memref<1x128xi32, #tpu.memory_space<vmem>> -> memref<128xi32, #tpu.memory_space<vmem>>
      %dma_wait3A_1999 = tpu.memref_slice %arg3[%add3A_779] : memref<16384xi32, #tpu.memory_space<hbm>> -> memref<128xi32, #tpu.memory_space<hbm>>
      tpu.wait_dma2 semaphore(%run_scoped3A_1983 : memref<!tpu.dma_semaphore, #tpu.memory_space<semaphore_mem>>) src(%dma_wait3A_1999 : memref<128xi32, #tpu.memory_space<hbm>>) dst(%dma_wait3A_1998 : memref<128xi32, #tpu.memory_space<vmem>>)
      tpu.yield
    }) : () -> ()
    %add3A_781 = arith.constant 256 : i32
    %add3A_782 = arith.addi %mul3A_2, %add3A_781 : i32
    %run_scoped3A_783 = arith.constant 2 : i32
    "tpu.region"() ({
      %run_scoped3A_1983 = tpu.sem_alloc : memref<!tpu.dma_semaphore, #tpu.memory_space<semaphore_mem>>
      %dma_start3A_1984 = arith.constant 0 : i32
      %dma_start3A_1985 = tpu.memref_slice %arg11[%run_scoped3A_783, %dma_start3A_1984] : memref<4x128xi32, #tpu.memory_space<vmem>> -> memref<1x128xi32, #tpu.memory_space<vmem>>
      %dma_start3A_1986 = tpu.memref_squeeze %dma_start3A_1985 : memref<1x128xi32, #tpu.memory_space<vmem>> -> memref<128xi32, #tpu.memory_space<vmem>>
      %dma_start3A_1987 = tpu.memref_slice %arg3[%add3A_782] : memref<16384xi32, #tpu.memory_space<hbm>> -> memref<128xi32, #tpu.memory_space<hbm>>
      %dma_start3A_1988 = arith.constant 0 : i32
      %dma_start3A_1989 = tpu.memref_slice %arg11[%run_scoped3A_783, %dma_start3A_1988] : memref<4x128xi32, #tpu.memory_space<vmem>> -> memref<1x128xi32, #tpu.memory_space<vmem>>
      %dma_start3A_1990 = tpu.memref_squeeze %dma_start3A_1989 : memref<1x128xi32, #tpu.memory_space<vmem>> -> memref<128xi32, #tpu.memory_space<vmem>>
      %dma_start3A_1991 = tpu.memref_slice %arg3[%add3A_782] : memref<16384xi32, #tpu.memory_space<hbm>> -> memref<128xi32, #tpu.memory_space<hbm>>
      tpu.enqueue_dma source(%dma_start3A_1991 : memref<128xi32, #tpu.memory_space<hbm>>) target(%dma_start3A_1990 : memref<128xi32, #tpu.memory_space<vmem>>) target_semaphore(%run_scoped3A_1983 : memref<!tpu.dma_semaphore, #tpu.memory_space<semaphore_mem>>)
      %dma_wait3A_1992 = arith.constant 0 : i32
      %dma_wait3A_1993 = tpu.memref_slice %arg11[%run_scoped3A_783, %dma_wait3A_1992] : memref<4x128xi32, #tpu.memory_space<vmem>> -> memref<1x128xi32, #tpu.memory_space<vmem>>
      %dma_wait3A_1994 = tpu.memref_squeeze %dma_wait3A_1993 : memref<1x128xi32, #tpu.memory_space<vmem>> -> memref<128xi32, #tpu.memory_space<vmem>>
      %dma_wait3A_1995 = tpu.memref_slice %arg3[%add3A_782] : memref<16384xi32, #tpu.memory_space<hbm>> -> memref<128xi32, #tpu.memory_space<hbm>>
      %dma_wait3A_1996 = arith.constant 0 : i32
      %dma_wait3A_1997 = tpu.memref_slice %arg11[%run_scoped3A_783, %dma_wait3A_1996] : memref<4x128xi32, #tpu.memory_space<vmem>> -> memref<1x128xi32, #tpu.memory_space<vmem>>
      %dma_wait3A_1998 = tpu.memref_squeeze %dma_wait3A_1997 : memref<1x128xi32, #tpu.memory_space<vmem>> -> memref<128xi32, #tpu.memory_space<vmem>>
      %dma_wait3A_1999 = tpu.memref_slice %arg3[%add3A_782] : memref<16384xi32, #tpu.memory_space<hbm>> -> memref<128xi32, #tpu.memory_space<hbm>>
      tpu.wait_dma2 semaphore(%run_scoped3A_1983 : memref<!tpu.dma_semaphore, #tpu.memory_space<semaphore_mem>>) src(%dma_wait3A_1999 : memref<128xi32, #tpu.memory_space<hbm>>) dst(%dma_wait3A_1998 : memref<128xi32, #tpu.memory_space<vmem>>)
      tpu.yield
    }) : () -> ()
    %add3A_784 = arith.constant 384 : i32
    %add3A_785 = arith.addi %mul3A_2, %add3A_784 : i32
    %run_scoped3A_786 = arith.constant 3 : i32
    "tpu.region"() ({
      %run_scoped3A_1983 = tpu.sem_alloc : memref<!tpu.dma_semaphore, #tpu.memory_space<semaphore_mem>>
      %dma_start3A_1984 = arith.constant 0 : i32
      %dma_start3A_1985 = tpu.memref_slice %arg11[%run_scoped3A_786, %dma_start3A_1984] : memref<4x128xi32, #tpu.memory_space<vmem>> -> memref<1x128xi32, #tpu.memory_space<vmem>>
      %dma_start3A_1986 = tpu.memref_squeeze %dma_start3A_1985 : memref<1x128xi32, #tpu.memory_space<vmem>> -> memref<128xi32, #tpu.memory_space<vmem>>
      %dma_start3A_1987 = tpu.memref_slice %arg3[%add3A_785] : memref<16384xi32, #tpu.memory_space<hbm>> -> memref<128xi32, #tpu.memory_space<hbm>>
      %dma_start3A_1988 = arith.constant 0 : i32
      %dma_start3A_1989 = tpu.memref_slice %arg11[%run_scoped3A_786, %dma_start3A_1988] : memref<4x128xi32, #tpu.memory_space<vmem>> -> memref<1x128xi32, #tpu.memory_space<vmem>>
      %dma_start3A_1990 = tpu.memref_squeeze %dma_start3A_1989 : memref<1x128xi32, #tpu.memory_space<vmem>> -> memref<128xi32, #tpu.memory_space<vmem>>
      %dma_start3A_1991 = tpu.memref_slice %arg3[%add3A_785] : memref<16384xi32, #tpu.memory_space<hbm>> -> memref<128xi32, #tpu.memory_space<hbm>>
      tpu.enqueue_dma source(%dma_start3A_1991 : memref<128xi32, #tpu.memory_space<hbm>>) target(%dma_start3A_1990 : memref<128xi32, #tpu.memory_space<vmem>>) target_semaphore(%run_scoped3A_1983 : memref<!tpu.dma_semaphore, #tpu.memory_space<semaphore_mem>>)
      %dma_wait3A_1992 = arith.constant 0 : i32
      %dma_wait3A_1993 = tpu.memref_slice %arg11[%run_scoped3A_786, %dma_wait3A_1992] : memref<4x128xi32, #tpu.memory_space<vmem>> -> memref<1x128xi32, #tpu.memory_space<vmem>>
      %dma_wait3A_1994 = tpu.memref_squeeze %dma_wait3A_1993 : memref<1x128xi32, #tpu.memory_space<vmem>> -> memref<128xi32, #tpu.memory_space<vmem>>
      %dma_wait3A_1995 = tpu.memref_slice %arg3[%add3A_785] : memref<16384xi32, #tpu.memory_space<hbm>> -> memref<128xi32, #tpu.memory_space<hbm>>
      %dma_wait3A_1996 = arith.constant 0 : i32
      %dma_wait3A_1997 = tpu.memref_slice %arg11[%run_scoped3A_786, %dma_wait3A_1996] : memref<4x128xi32, #tpu.memory_space<vmem>> -> memref<1x128xi32, #tpu.memory_space<vmem>>
      %dma_wait3A_1998 = tpu.memref_squeeze %dma_wait3A_1997 : memref<1x128xi32, #tpu.memory_space<vmem>> -> memref<128xi32, #tpu.memory_space<vmem>>
      %dma_wait3A_1999 = tpu.memref_slice %arg3[%add3A_785] : memref<16384xi32, #tpu.memory_space<hbm>> -> memref<128xi32, #tpu.memory_space<hbm>>
      tpu.wait_dma2 semaphore(%run_scoped3A_1983 : memref<!tpu.dma_semaphore, #tpu.memory_space<semaphore_mem>>) src(%dma_wait3A_1999 : memref<128xi32, #tpu.memory_space<hbm>>) dst(%dma_wait3A_1998 : memref<128xi32, #tpu.memory_space<vmem>>)
      tpu.yield
    }) : () -> ()
    %get3A_787 = arith.constant 0 : i32
    %get3A_788 = arith.index_cast %get3A_787 : i32 to index
    %get3A_789 = arith.constant 0 : index
    %get3A_790 = tpu.vector_load %arg11[%get3A_788, %get3A_789] {strides = array<i32>} : memref<4x128xi32, #tpu.memory_space<vmem>>, vector<16xi32>,
    %lt3A_791 = arith.constant 50176 : i32
    %lt3A_792 = vector.broadcast %lt3A_791 : i32 to vector<16xi32>
    %lt3A_793 = arith.cmpi slt, %get3A_790, %lt3A_792 : vector<16xi32>
    %sub3A_794 = arith.constant 50176 : i32
    %sub3A_795 = vector.broadcast %sub3A_794 : i32 to vector<16xi32>
    %sub3A_796 = arith.subi %get3A_790, %sub3A_795 : vector<16xi32>
    %select_n3A_797 = arith.select %lt3A_793, %get3A_790, %sub3A_796 : vector<16xi1>, vector<16xi32>
    %swap3A_798 = arith.constant 0 : i32
    %swap3A_799 = arith.index_cast %swap3A_798 : i32 to index
    %swap3A_800 = arith.constant 0 : index
    %swap3A_801 = tpu.vector_load %arg12[%swap3A_799, %swap3A_800] {strides = array<i32>} : memref<4x128xi32, #tpu.memory_space<vmem>>, vector<16xi32>,
    tpu.vector_store %arg12[%swap3A_799, %swap3A_800], %select_n3A_797 {strides = array<i32>} : memref<4x128xi32, #tpu.memory_space<vmem>>, vector<16xi32>,
    %get3A_802 = arith.constant 0 : i32
    %get3A_803 = arith.index_cast %get3A_802 : i32 to index
    %get3A_804 = arith.constant 16 : index
    %get3A_805 = tpu.vector_load %arg11[%get3A_803, %get3A_804] {strides = array<i32>} : memref<4x128xi32, #tpu.memory_space<vmem>>, vector<16xi32>,
    %lt3A_806 = arith.constant 50176 : i32
    %lt3A_807 = vector.broadcast %lt3A_806 : i32 to vector<16xi32>
    %lt3A_808 = arith.cmpi slt, %get3A_805, %lt3A_807 : vector<16xi32>
    %sub3A_809 = arith.constant 50176 : i32
    %sub3A_810 = vector.broadcast %sub3A_809 : i32 to vector<16xi32>
    %sub3A_811 = arith.subi %get3A_805, %sub3A_810 : vector<16xi32>
    %select_n3A_812 = arith.select %lt3A_808, %get3A_805, %sub3A_811 : vector<16xi1>, vector<16xi32>
    %swap3A_813 = arith.constant 0 : i32
    %swap3A_814 = arith.index_cast %swap3A_813 : i32 to index
    %swap3A_815 = arith.constant 16 : index
    %swap3A_816 = tpu.vector_load %arg12[%swap3A_814, %swap3A_815] {strides = array<i32>} : memref<4x128xi32, #tpu.memory_space<vmem>>, vector<16xi32>,
    tpu.vector_store %arg12[%swap3A_814, %swap3A_815], %select_n3A_812 {strides = array<i32>} : memref<4x128xi32, #tpu.memory_space<vmem>>, vector<16xi32>,
    %get3A_817 = arith.constant 0 : i32
    %get3A_818 = arith.index_cast %get3A_817 : i32 to index
    %get3A_819 = arith.constant 32 : index
    %get3A_820 = tpu.vector_load %arg11[%get3A_818, %get3A_819] {strides = array<i32>} : memref<4x128xi32, #tpu.memory_space<vmem>>, vector<16xi32>,
    %lt3A_821 = arith.constant 50176 : i32
    %lt3A_822 = vector.broadcast %lt3A_821 : i32 to vector<16xi32>
    %lt3A_823 = arith.cmpi slt, %get3A_820, %lt3A_822 : vector<16xi32>
    %sub3A_824 = arith.constant 50176 : i32
    %sub3A_825 = vector.broadcast %sub3A_824 : i32 to vector<16xi32>
    %sub3A_826 = arith.subi %get3A_820, %sub3A_825 : vector<16xi32>
    %select_n3A_827 = arith.select %lt3A_823, %get3A_820, %sub3A_826 : vector<16xi1>, vector<16xi32>
    %swap3A_828 = arith.constant 0 : i32
    %swap3A_829 = arith.index_cast %swap3A_828 : i32 to index
    %swap3A_830 = arith.constant 32 : index
    %swap3A_831 = tpu.vector_load %arg12[%swap3A_829, %swap3A_830] {strides = array<i32>} : memref<4x128xi32, #tpu.memory_space<vmem>>, vector<16xi32>,
    tpu.vector_store %arg12[%swap3A_829, %swap3A_830], %select_n3A_827 {strides = array<i32>} : memref<4x128xi32, #tpu.memory_space<vmem>>, vector<16xi32>,
    %get3A_832 = arith.constant 0 : i32
    %get3A_833 = arith.index_cast %get3A_832 : i32 to index
    %get3A_834 = arith.constant 48 : index
    %get3A_835 = tpu.vector_load %arg11[%get3A_833, %get3A_834] {strides = array<i32>} : memref<4x128xi32, #tpu.memory_space<vmem>>, vector<16xi32>,
    %lt3A_836 = arith.constant 50176 : i32
    %lt3A_837 = vector.broadcast %lt3A_836 : i32 to vector<16xi32>
    %lt3A_838 = arith.cmpi slt, %get3A_835, %lt3A_837 : vector<16xi32>
    %sub3A_839 = arith.constant 50176 : i32
    %sub3A_840 = vector.broadcast %sub3A_839 : i32 to vector<16xi32>
    %sub3A_841 = arith.subi %get3A_835, %sub3A_840 : vector<16xi32>
    %select_n3A_842 = arith.select %lt3A_838, %get3A_835, %sub3A_841 : vector<16xi1>, vector<16xi32>
    %swap3A_843 = arith.constant 0 : i32
    %swap3A_844 = arith.index_cast %swap3A_843 : i32 to index
    %swap3A_845 = arith.constant 48 : index
    %swap3A_846 = tpu.vector_load %arg12[%swap3A_844, %swap3A_845] {strides = array<i32>} : memref<4x128xi32, #tpu.memory_space<vmem>>, vector<16xi32>,
    tpu.vector_store %arg12[%swap3A_844, %swap3A_845], %select_n3A_842 {strides = array<i32>} : memref<4x128xi32, #tpu.memory_space<vmem>>, vector<16xi32>,
    %get3A_847 = arith.constant 0 : i32
    %get3A_848 = arith.index_cast %get3A_847 : i32 to index
    %get3A_849 = arith.constant 64 : index
    %get3A_850 = tpu.vector_load %arg11[%get3A_848, %get3A_849] {strides = array<i32>} : memref<4x128xi32, #tpu.memory_space<vmem>>, vector<16xi32>,
    %lt3A_851 = arith.constant 50176 : i32
    %lt3A_852 = vector.broadcast %lt3A_851 : i32 to vector<16xi32>
    %lt3A_853 = arith.cmpi slt, %get3A_850, %lt3A_852 : vector<16xi32>
    %sub3A_854 = arith.constant 50176 : i32
    %sub3A_855 = vector.broadcast %sub3A_854 : i32 to vector<16xi32>
    %sub3A_856 = arith.subi %get3A_850, %sub3A_855 : vector<16xi32>
    %select_n3A_857 = arith.select %lt3A_853, %get3A_850, %sub3A_856 : vector<16xi1>, vector<16xi32>
    %swap3A_858 = arith.constant 0 : i32
    %swap3A_859 = arith.index_cast %swap3A_858 : i32 to index
    %swap3A_860 = arith.constant 64 : index
    %swap3A_861 = tpu.vector_load %arg12[%swap3A_859, %swap3A_860] {strides = array<i32>} : memref<4x128xi32, #tpu.memory_space<vmem>>, vector<16xi32>,
    tpu.vector_store %arg12[%swap3A_859, %swap3A_860], %select_n3A_857 {strides = array<i32>} : memref<4x128xi32, #tpu.memory_space<vmem>>, vector<16xi32>,
    %get3A_862 = arith.constant 0 : i32
    %get3A_863 = arith.index_cast %get3A_862 : i32 to index
    %get3A_864 = arith.constant 80 : index
    %get3A_865 = tpu.vector_load %arg11[%get3A_863, %get3A_864] {strides = array<i32>} : memref<4x128xi32, #tpu.memory_space<vmem>>, vector<16xi32>,
    %lt3A_866 = arith.constant 50176 : i32
    %lt3A_867 = vector.broadcast %lt3A_866 : i32 to vector<16xi32>
    %lt3A_868 = arith.cmpi slt, %get3A_865, %lt3A_867 : vector<16xi32>
    %sub3A_869 = arith.constant 50176 : i32
    %sub3A_870 = vector.broadcast %sub3A_869 : i32 to vector<16xi32>
    %sub3A_871 = arith.subi %get3A_865, %sub3A_870 : vector<16xi32>
    %select_n3A_872 = arith.select %lt3A_868, %get3A_865, %sub3A_871 : vector<16xi1>, vector<16xi32>
    %swap3A_873 = arith.constant 0 : i32
    %swap3A_874 = arith.index_cast %swap3A_873 : i32 to index
    %swap3A_875 = arith.constant 80 : index
    %swap3A_876 = tpu.vector_load %arg12[%swap3A_874, %swap3A_875] {strides = array<i32>} : memref<4x128xi32, #tpu.memory_space<vmem>>, vector<16xi32>,
    tpu.vector_store %arg12[%swap3A_874, %swap3A_875], %select_n3A_872 {strides = array<i32>} : memref<4x128xi32, #tpu.memory_space<vmem>>, vector<16xi32>,
    %get3A_877 = arith.constant 0 : i32
    %get3A_878 = arith.index_cast %get3A_877 : i32 to index
    %get3A_879 = arith.constant 96 : index
    %get3A_880 = tpu.vector_load %arg11[%get3A_878, %get3A_879] {strides = array<i32>} : memref<4x128xi32, #tpu.memory_space<vmem>>, vector<16xi32>,
    %lt3A_881 = arith.constant 50176 : i32
    %lt3A_882 = vector.broadcast %lt3A_881 : i32 to vector<16xi32>
    %lt3A_883 = arith.cmpi slt, %get3A_880, %lt3A_882 : vector<16xi32>
    %sub3A_884 = arith.constant 50176 : i32
    %sub3A_885 = vector.broadcast %sub3A_884 : i32 to vector<16xi32>
    %sub3A_886 = arith.subi %get3A_880, %sub3A_885 : vector<16xi32>
    %select_n3A_887 = arith.select %lt3A_883, %get3A_880, %sub3A_886 : vector<16xi1>, vector<16xi32>
    %swap3A_888 = arith.constant 0 : i32
    %swap3A_889 = arith.index_cast %swap3A_888 : i32 to index
    %swap3A_890 = arith.constant 96 : index
    %swap3A_891 = tpu.vector_load %arg12[%swap3A_889, %swap3A_890] {strides = array<i32>} : memref<4x128xi32, #tpu.memory_space<vmem>>, vector<16xi32>,
    tpu.vector_store %arg12[%swap3A_889, %swap3A_890], %select_n3A_887 {strides = array<i32>} : memref<4x128xi32, #tpu.memory_space<vmem>>, vector<16xi32>,
    %get3A_892 = arith.constant 0 : i32
    %get3A_893 = arith.index_cast %get3A_892 : i32 to index
    %get3A_894 = arith.constant 112 : index
    %get3A_895 = tpu.vector_load %arg11[%get3A_893, %get3A_894] {strides = array<i32>} : memref<4x128xi32, #tpu.memory_space<vmem>>, vector<16xi32>,
    %lt3A_896 = arith.constant 50176 : i32
    %lt3A_897 = vector.broadcast %lt3A_896 : i32 to vector<16xi32>
    %lt3A_898 = arith.cmpi slt, %get3A_895, %lt3A_897 : vector<16xi32>
    %sub3A_899 = arith.constant 50176 : i32
    %sub3A_900 = vector.broadcast %sub3A_899 : i32 to vector<16xi32>
    %sub3A_901 = arith.subi %get3A_895, %sub3A_900 : vector<16xi32>
    %select_n3A_902 = arith.select %lt3A_898, %get3A_895, %sub3A_901 : vector<16xi1>, vector<16xi32>
    %swap3A_903 = arith.constant 0 : i32
    %swap3A_904 = arith.index_cast %swap3A_903 : i32 to index
    %swap3A_905 = arith.constant 112 : index
    %swap3A_906 = tpu.vector_load %arg12[%swap3A_904, %swap3A_905] {strides = array<i32>} : memref<4x128xi32, #tpu.memory_space<vmem>>, vector<16xi32>,
    tpu.vector_store %arg12[%swap3A_904, %swap3A_905], %select_n3A_902 {strides = array<i32>} : memref<4x128xi32, #tpu.memory_space<vmem>>, vector<16xi32>,
    %get3A_907 = arith.constant 1 : i32
    %get3A_908 = arith.index_cast %get3A_907 : i32 to index
    %get3A_909 = arith.constant 0 : index
    %get3A_910 = tpu.vector_load %arg11[%get3A_908, %get3A_909] {strides = array<i32>} : memref<4x128xi32, #tpu.memory_space<vmem>>, vector<16xi32>,
    %lt3A_911 = arith.constant 50176 : i32
    %lt3A_912 = vector.broadcast %lt3A_911 : i32 to vector<16xi32>
    %lt3A_913 = arith.cmpi slt, %get3A_910, %lt3A_912 : vector<16xi32>
    %sub3A_914 = arith.constant 50176 : i32
    %sub3A_915 = vector.broadcast %sub3A_914 : i32 to vector<16xi32>
    %sub3A_916 = arith.subi %get3A_910, %sub3A_915 : vector<16xi32>
    %select_n3A_917 = arith.select %lt3A_913, %get3A_910, %sub3A_916 : vector<16xi1>, vector<16xi32>
    %swap3A_918 = arith.constant 1 : i32
    %swap3A_919 = arith.index_cast %swap3A_918 : i32 to index
    %swap3A_920 = arith.constant 0 : index
    %swap3A_921 = tpu.vector_load %arg12[%swap3A_919, %swap3A_920] {strides = array<i32>} : memref<4x128xi32, #tpu.memory_space<vmem>>, vector<16xi32>,
    tpu.vector_store %arg12[%swap3A_919, %swap3A_920], %select_n3A_917 {strides = array<i32>} : memref<4x128xi32, #tpu.memory_space<vmem>>, vector<16xi32>,
    %get3A_922 = arith.constant 1 : i32
    %get3A_923 = arith.index_cast %get3A_922 : i32 to index
    %get3A_924 = arith.constant 16 : index
    %get3A_925 = tpu.vector_load %arg11[%get3A_923, %get3A_924] {strides = array<i32>} : memref<4x128xi32, #tpu.memory_space<vmem>>, vector<16xi32>,
    %lt3A_926 = arith.constant 50176 : i32
    %lt3A_927 = vector.broadcast %lt3A_926 : i32 to vector<16xi32>
    %lt3A_928 = arith.cmpi slt, %get3A_925, %lt3A_927 : vector<16xi32>
    %sub3A_929 = arith.constant 50176 : i32
    %sub3A_930 = vector.broadcast %sub3A_929 : i32 to vector<16xi32>
    %sub3A_931 = arith.subi %get3A_925, %sub3A_930 : vector<16xi32>
    %select_n3A_932 = arith.select %lt3A_928, %get3A_925, %sub3A_931 : vector<16xi1>, vector<16xi32>
    %swap3A_933 = arith.constant 1 : i32
    %swap3A_934 = arith.index_cast %swap3A_933 : i32 to index
    %swap3A_935 = arith.constant 16 : index
    %swap3A_936 = tpu.vector_load %arg12[%swap3A_934, %swap3A_935] {strides = array<i32>} : memref<4x128xi32, #tpu.memory_space<vmem>>, vector<16xi32>,
    tpu.vector_store %arg12[%swap3A_934, %swap3A_935], %select_n3A_932 {strides = array<i32>} : memref<4x128xi32, #tpu.memory_space<vmem>>, vector<16xi32>,
    %get3A_937 = arith.constant 1 : i32
    %get3A_938 = arith.index_cast %get3A_937 : i32 to index
    %get3A_939 = arith.constant 32 : index
    %get3A_940 = tpu.vector_load %arg11[%get3A_938, %get3A_939] {strides = array<i32>} : memref<4x128xi32, #tpu.memory_space<vmem>>, vector<16xi32>,
    %lt3A_941 = arith.constant 50176 : i32
    %lt3A_942 = vector.broadcast %lt3A_941 : i32 to vector<16xi32>
    %lt3A_943 = arith.cmpi slt, %get3A_940, %lt3A_942 : vector<16xi32>
    %sub3A_944 = arith.constant 50176 : i32
    %sub3A_945 = vector.broadcast %sub3A_944 : i32 to vector<16xi32>
    %sub3A_946 = arith.subi %get3A_940, %sub3A_945 : vector<16xi32>
    %select_n3A_947 = arith.select %lt3A_943, %get3A_940, %sub3A_946 : vector<16xi1>, vector<16xi32>
    %swap3A_948 = arith.constant 1 : i32
    %swap3A_949 = arith.index_cast %swap3A_948 : i32 to index
    %swap3A_950 = arith.constant 32 : index
    %swap3A_951 = tpu.vector_load %arg12[%swap3A_949, %swap3A_950] {strides = array<i32>} : memref<4x128xi32, #tpu.memory_space<vmem>>, vector<16xi32>,
    tpu.vector_store %arg12[%swap3A_949, %swap3A_950], %select_n3A_947 {strides = array<i32>} : memref<4x128xi32, #tpu.memory_space<vmem>>, vector<16xi32>,
    %get3A_952 = arith.constant 1 : i32
    %get3A_953 = arith.index_cast %get3A_952 : i32 to index
    %get3A_954 = arith.constant 48 : index
    %get3A_955 = tpu.vector_load %arg11[%get3A_953, %get3A_954] {strides = array<i32>} : memref<4x128xi32, #tpu.memory_space<vmem>>, vector<16xi32>,
    %lt3A_956 = arith.constant 50176 : i32
    %lt3A_957 = vector.broadcast %lt3A_956 : i32 to vector<16xi32>
    %lt3A_958 = arith.cmpi slt, %get3A_955, %lt3A_957 : vector<16xi32>
    %sub3A_959 = arith.constant 50176 : i32
    %sub3A_960 = vector.broadcast %sub3A_959 : i32 to vector<16xi32>
    %sub3A_961 = arith.subi %get3A_955, %sub3A_960 : vector<16xi32>
    %select_n3A_962 = arith.select %lt3A_958, %get3A_955, %sub3A_961 : vector<16xi1>, vector<16xi32>
    %swap3A_963 = arith.constant 1 : i32
    %swap3A_964 = arith.index_cast %swap3A_963 : i32 to index
    %swap3A_965 = arith.constant 48 : index
    %swap3A_966 = tpu.vector_load %arg12[%swap3A_964, %swap3A_965] {strides = array<i32>} : memref<4x128xi32, #tpu.memory_space<vmem>>, vector<16xi32>,
    tpu.vector_store %arg12[%swap3A_964, %swap3A_965], %select_n3A_962 {strides = array<i32>} : memref<4x128xi32, #tpu.memory_space<vmem>>, vector<16xi32>,
    %get3A_967 = arith.constant 1 : i32
    %get3A_968 = arith.index_cast %get3A_967 : i32 to index
    %get3A_969 = arith.constant 64 : index
    %get3A_970 = tpu.vector_load %arg11[%get3A_968, %get3A_969] {strides = array<i32>} : memref<4x128xi32, #tpu.memory_space<vmem>>, vector<16xi32>,
    %lt3A_971 = arith.constant 50176 : i32
    %lt3A_972 = vector.broadcast %lt3A_971 : i32 to vector<16xi32>
    %lt3A_973 = arith.cmpi slt, %get3A_970, %lt3A_972 : vector<16xi32>
    %sub3A_974 = arith.constant 50176 : i32
    %sub3A_975 = vector.broadcast %sub3A_974 : i32 to vector<16xi32>
    %sub3A_976 = arith.subi %get3A_970, %sub3A_975 : vector<16xi32>
    %select_n3A_977 = arith.select %lt3A_973, %get3A_970, %sub3A_976 : vector<16xi1>, vector<16xi32>
    %swap3A_978 = arith.constant 1 : i32
    %swap3A_979 = arith.index_cast %swap3A_978 : i32 to index
    %swap3A_980 = arith.constant 64 : index
    %swap3A_981 = tpu.vector_load %arg12[%swap3A_979, %swap3A_980] {strides = array<i32>} : memref<4x128xi32, #tpu.memory_space<vmem>>, vector<16xi32>,
    tpu.vector_store %arg12[%swap3A_979, %swap3A_980], %select_n3A_977 {strides = array<i32>} : memref<4x128xi32, #tpu.memory_space<vmem>>, vector<16xi32>,
    %get3A_982 = arith.constant 1 : i32
    %get3A_983 = arith.index_cast %get3A_982 : i32 to index
    %get3A_984 = arith.constant 80 : index
    %get3A_985 = tpu.vector_load %arg11[%get3A_983, %get3A_984] {strides = array<i32>} : memref<4x128xi32, #tpu.memory_space<vmem>>, vector<16xi32>,
    %lt3A_986 = arith.constant 50176 : i32
    %lt3A_987 = vector.broadcast %lt3A_986 : i32 to vector<16xi32>
    %lt3A_988 = arith.cmpi slt, %get3A_985, %lt3A_987 : vector<16xi32>
    %sub3A_989 = arith.constant 50176 : i32
    %sub3A_990 = vector.broadcast %sub3A_989 : i32 to vector<16xi32>
    %sub3A_991 = arith.subi %get3A_985, %sub3A_990 : vector<16xi32>
    %select_n3A_992 = arith.select %lt3A_988, %get3A_985, %sub3A_991 : vector<16xi1>, vector<16xi32>
    %swap3A_993 = arith.constant 1 : i32
    %swap3A_994 = arith.index_cast %swap3A_993 : i32 to index
    %swap3A_995 = arith.constant 80 : index
    %swap3A_996 = tpu.vector_load %arg12[%swap3A_994, %swap3A_995] {strides = array<i32>} : memref<4x128xi32, #tpu.memory_space<vmem>>, vector<16xi32>,
    tpu.vector_store %arg12[%swap3A_994, %swap3A_995], %select_n3A_992 {strides = array<i32>} : memref<4x128xi32, #tpu.memory_space<vmem>>, vector<16xi32>,
    %get3A_997 = arith.constant 1 : i32
    %get3A_998 = arith.index_cast %get3A_997 : i32 to index
    %get3A_999 = arith.constant 96 : index
    %get3A_1000 = tpu.vector_load %arg11[%get3A_998, %get3A_999] {strides = array<i32>} : memref<4x128xi32, #tpu.memory_space<vmem>>, vector<16xi32>,
    %lt3A_1001 = arith.constant 50176 : i32
    %lt3A_1002 = vector.broadcast %lt3A_1001 : i32 to vector<16xi32>
    %lt3A_1003 = arith.cmpi slt, %get3A_1000, %lt3A_1002 : vector<16xi32>
    %sub3A_1004 = arith.constant 50176 : i32
    %sub3A_1005 = vector.broadcast %sub3A_1004 : i32 to vector<16xi32>
    %sub3A_1006 = arith.subi %get3A_1000, %sub3A_1005 : vector<16xi32>
    %select_n3A_1007 = arith.select %lt3A_1003, %get3A_1000, %sub3A_1006 : vector<16xi1>, vector<16xi32>
    %swap3A_1008 = arith.constant 1 : i32
    %swap3A_1009 = arith.index_cast %swap3A_1008 : i32 to index
    %swap3A_1010 = arith.constant 96 : index
    %swap3A_1011 = tpu.vector_load %arg12[%swap3A_1009, %swap3A_1010] {strides = array<i32>} : memref<4x128xi32, #tpu.memory_space<vmem>>, vector<16xi32>,
    tpu.vector_store %arg12[%swap3A_1009, %swap3A_1010], %select_n3A_1007 {strides = array<i32>} : memref<4x128xi32, #tpu.memory_space<vmem>>, vector<16xi32>,
    %get3A_1012 = arith.constant 1 : i32
    %get3A_1013 = arith.index_cast %get3A_1012 : i32 to index
    %get3A_1014 = arith.constant 112 : index
    %get3A_1015 = tpu.vector_load %arg11[%get3A_1013, %get3A_1014] {strides = array<i32>} : memref<4x128xi32, #tpu.memory_space<vmem>>, vector<16xi32>,
    %lt3A_1016 = arith.constant 50176 : i32
    %lt3A_1017 = vector.broadcast %lt3A_1016 : i32 to vector<16xi32>
    %lt3A_1018 = arith.cmpi slt, %get3A_1015, %lt3A_1017 : vector<16xi32>
    %sub3A_1019 = arith.constant 50176 : i32
    %sub3A_1020 = vector.broadcast %sub3A_1019 : i32 to vector<16xi32>
    %sub3A_1021 = arith.subi %get3A_1015, %sub3A_1020 : vector<16xi32>
    %select_n3A_1022 = arith.select %lt3A_1018, %get3A_1015, %sub3A_1021 : vector<16xi1>, vector<16xi32>
    %swap3A_1023 = arith.constant 1 : i32
    %swap3A_1024 = arith.index_cast %swap3A_1023 : i32 to index
    %swap3A_1025 = arith.constant 112 : index
    %swap3A_1026 = tpu.vector_load %arg12[%swap3A_1024, %swap3A_1025] {strides = array<i32>} : memref<4x128xi32, #tpu.memory_space<vmem>>, vector<16xi32>,
    tpu.vector_store %arg12[%swap3A_1024, %swap3A_1025], %select_n3A_1022 {strides = array<i32>} : memref<4x128xi32, #tpu.memory_space<vmem>>, vector<16xi32>,
    %get3A_1027 = arith.constant 2 : i32
    %get3A_1028 = arith.index_cast %get3A_1027 : i32 to index
    %get3A_1029 = arith.constant 0 : index
    %get3A_1030 = tpu.vector_load %arg11[%get3A_1028, %get3A_1029] {strides = array<i32>} : memref<4x128xi32, #tpu.memory_space<vmem>>, vector<16xi32>,
    %lt3A_1031 = arith.constant 50176 : i32
    %lt3A_1032 = vector.broadcast %lt3A_1031 : i32 to vector<16xi32>
    %lt3A_1033 = arith.cmpi slt, %get3A_1030, %lt3A_1032 : vector<16xi32>
    %sub3A_1034 = arith.constant 50176 : i32
    %sub3A_1035 = vector.broadcast %sub3A_1034 : i32 to vector<16xi32>
    %sub3A_1036 = arith.subi %get3A_1030, %sub3A_1035 : vector<16xi32>
    %select_n3A_1037 = arith.select %lt3A_1033, %get3A_1030, %sub3A_1036 : vector<16xi1>, vector<16xi32>
    %swap3A_1038 = arith.constant 2 : i32
    %swap3A_1039 = arith.index_cast %swap3A_1038 : i32 to index
    %swap3A_1040 = arith.constant 0 : index
    %swap3A_1041 = tpu.vector_load %arg12[%swap3A_1039, %swap3A_1040] {strides = array<i32>} : memref<4x128xi32, #tpu.memory_space<vmem>>, vector<16xi32>,
    tpu.vector_store %arg12[%swap3A_1039, %swap3A_1040], %select_n3A_1037 {strides = array<i32>} : memref<4x128xi32, #tpu.memory_space<vmem>>, vector<16xi32>,
    %get3A_1042 = arith.constant 2 : i32
    %get3A_1043 = arith.index_cast %get3A_1042 : i32 to index
    %get3A_1044 = arith.constant 16 : index
    %get3A_1045 = tpu.vector_load %arg11[%get3A_1043, %get3A_1044] {strides = array<i32>} : memref<4x128xi32, #tpu.memory_space<vmem>>, vector<16xi32>,
    %lt3A_1046 = arith.constant 50176 : i32
    %lt3A_1047 = vector.broadcast %lt3A_1046 : i32 to vector<16xi32>
    %lt3A_1048 = arith.cmpi slt, %get3A_1045, %lt3A_1047 : vector<16xi32>
    %sub3A_1049 = arith.constant 50176 : i32
    %sub3A_1050 = vector.broadcast %sub3A_1049 : i32 to vector<16xi32>
    %sub3A_1051 = arith.subi %get3A_1045, %sub3A_1050 : vector<16xi32>
    %select_n3A_1052 = arith.select %lt3A_1048, %get3A_1045, %sub3A_1051 : vector<16xi1>, vector<16xi32>
    %swap3A_1053 = arith.constant 2 : i32
    %swap3A_1054 = arith.index_cast %swap3A_1053 : i32 to index
    %swap3A_1055 = arith.constant 16 : index
    %swap3A_1056 = tpu.vector_load %arg12[%swap3A_1054, %swap3A_1055] {strides = array<i32>} : memref<4x128xi32, #tpu.memory_space<vmem>>, vector<16xi32>,
    tpu.vector_store %arg12[%swap3A_1054, %swap3A_1055], %select_n3A_1052 {strides = array<i32>} : memref<4x128xi32, #tpu.memory_space<vmem>>, vector<16xi32>,
    %get3A_1057 = arith.constant 2 : i32
    %get3A_1058 = arith.index_cast %get3A_1057 : i32 to index
    %get3A_1059 = arith.constant 32 : index
    %get3A_1060 = tpu.vector_load %arg11[%get3A_1058, %get3A_1059] {strides = array<i32>} : memref<4x128xi32, #tpu.memory_space<vmem>>, vector<16xi32>,
    %lt3A_1061 = arith.constant 50176 : i32
    %lt3A_1062 = vector.broadcast %lt3A_1061 : i32 to vector<16xi32>
    %lt3A_1063 = arith.cmpi slt, %get3A_1060, %lt3A_1062 : vector<16xi32>
    %sub3A_1064 = arith.constant 50176 : i32
    %sub3A_1065 = vector.broadcast %sub3A_1064 : i32 to vector<16xi32>
    %sub3A_1066 = arith.subi %get3A_1060, %sub3A_1065 : vector<16xi32>
    %select_n3A_1067 = arith.select %lt3A_1063, %get3A_1060, %sub3A_1066 : vector<16xi1>, vector<16xi32>
    %swap3A_1068 = arith.constant 2 : i32
    %swap3A_1069 = arith.index_cast %swap3A_1068 : i32 to index
    %swap3A_1070 = arith.constant 32 : index
    %swap3A_1071 = tpu.vector_load %arg12[%swap3A_1069, %swap3A_1070] {strides = array<i32>} : memref<4x128xi32, #tpu.memory_space<vmem>>, vector<16xi32>,
    tpu.vector_store %arg12[%swap3A_1069, %swap3A_1070], %select_n3A_1067 {strides = array<i32>} : memref<4x128xi32, #tpu.memory_space<vmem>>, vector<16xi32>,
    %get3A_1072 = arith.constant 2 : i32
    %get3A_1073 = arith.index_cast %get3A_1072 : i32 to index
    %get3A_1074 = arith.constant 48 : index
    %get3A_1075 = tpu.vector_load %arg11[%get3A_1073, %get3A_1074] {strides = array<i32>} : memref<4x128xi32, #tpu.memory_space<vmem>>, vector<16xi32>,
    %lt3A_1076 = arith.constant 50176 : i32
    %lt3A_1077 = vector.broadcast %lt3A_1076 : i32 to vector<16xi32>
    %lt3A_1078 = arith.cmpi slt, %get3A_1075, %lt3A_1077 : vector<16xi32>
    %sub3A_1079 = arith.constant 50176 : i32
    %sub3A_1080 = vector.broadcast %sub3A_1079 : i32 to vector<16xi32>
    %sub3A_1081 = arith.subi %get3A_1075, %sub3A_1080 : vector<16xi32>
    %select_n3A_1082 = arith.select %lt3A_1078, %get3A_1075, %sub3A_1081 : vector<16xi1>, vector<16xi32>
    %swap3A_1083 = arith.constant 2 : i32
    %swap3A_1084 = arith.index_cast %swap3A_1083 : i32 to index
    %swap3A_1085 = arith.constant 48 : index
    %swap3A_1086 = tpu.vector_load %arg12[%swap3A_1084, %swap3A_1085] {strides = array<i32>} : memref<4x128xi32, #tpu.memory_space<vmem>>, vector<16xi32>,
    tpu.vector_store %arg12[%swap3A_1084, %swap3A_1085], %select_n3A_1082 {strides = array<i32>} : memref<4x128xi32, #tpu.memory_space<vmem>>, vector<16xi32>,
    %get3A_1087 = arith.constant 2 : i32
    %get3A_1088 = arith.index_cast %get3A_1087 : i32 to index
    %get3A_1089 = arith.constant 64 : index
    %get3A_1090 = tpu.vector_load %arg11[%get3A_1088, %get3A_1089] {strides = array<i32>} : memref<4x128xi32, #tpu.memory_space<vmem>>, vector<16xi32>,
    %lt3A_1091 = arith.constant 50176 : i32
    %lt3A_1092 = vector.broadcast %lt3A_1091 : i32 to vector<16xi32>
    %lt3A_1093 = arith.cmpi slt, %get3A_1090, %lt3A_1092 : vector<16xi32>
    %sub3A_1094 = arith.constant 50176 : i32
    %sub3A_1095 = vector.broadcast %sub3A_1094 : i32 to vector<16xi32>
    %sub3A_1096 = arith.subi %get3A_1090, %sub3A_1095 : vector<16xi32>
    %select_n3A_1097 = arith.select %lt3A_1093, %get3A_1090, %sub3A_1096 : vector<16xi1>, vector<16xi32>
    %swap3A_1098 = arith.constant 2 : i32
    %swap3A_1099 = arith.index_cast %swap3A_1098 : i32 to index
    %swap3A_1100 = arith.constant 64 : index
    %swap3A_1101 = tpu.vector_load %arg12[%swap3A_1099, %swap3A_1100] {strides = array<i32>} : memref<4x128xi32, #tpu.memory_space<vmem>>, vector<16xi32>,
    tpu.vector_store %arg12[%swap3A_1099, %swap3A_1100], %select_n3A_1097 {strides = array<i32>} : memref<4x128xi32, #tpu.memory_space<vmem>>, vector<16xi32>,
    %get3A_1102 = arith.constant 2 : i32
    %get3A_1103 = arith.index_cast %get3A_1102 : i32 to index
    %get3A_1104 = arith.constant 80 : index
    %get3A_1105 = tpu.vector_load %arg11[%get3A_1103, %get3A_1104] {strides = array<i32>} : memref<4x128xi32, #tpu.memory_space<vmem>>, vector<16xi32>,
    %lt3A_1106 = arith.constant 50176 : i32
    %lt3A_1107 = vector.broadcast %lt3A_1106 : i32 to vector<16xi32>
    %lt3A_1108 = arith.cmpi slt, %get3A_1105, %lt3A_1107 : vector<16xi32>
    %sub3A_1109 = arith.constant 50176 : i32
    %sub3A_1110 = vector.broadcast %sub3A_1109 : i32 to vector<16xi32>
    %sub3A_1111 = arith.subi %get3A_1105, %sub3A_1110 : vector<16xi32>
    %select_n3A_1112 = arith.select %lt3A_1108, %get3A_1105, %sub3A_1111 : vector<16xi1>, vector<16xi32>
    %swap3A_1113 = arith.constant 2 : i32
    %swap3A_1114 = arith.index_cast %swap3A_1113 : i32 to index
    %swap3A_1115 = arith.constant 80 : index
    %swap3A_1116 = tpu.vector_load %arg12[%swap3A_1114, %swap3A_1115] {strides = array<i32>} : memref<4x128xi32, #tpu.memory_space<vmem>>, vector<16xi32>,
    tpu.vector_store %arg12[%swap3A_1114, %swap3A_1115], %select_n3A_1112 {strides = array<i32>} : memref<4x128xi32, #tpu.memory_space<vmem>>, vector<16xi32>,
    %get3A_1117 = arith.constant 2 : i32
    %get3A_1118 = arith.index_cast %get3A_1117 : i32 to index
    %get3A_1119 = arith.constant 96 : index
    %get3A_1120 = tpu.vector_load %arg11[%get3A_1118, %get3A_1119] {strides = array<i32>} : memref<4x128xi32, #tpu.memory_space<vmem>>, vector<16xi32>,
    %lt3A_1121 = arith.constant 50176 : i32
    %lt3A_1122 = vector.broadcast %lt3A_1121 : i32 to vector<16xi32>
    %lt3A_1123 = arith.cmpi slt, %get3A_1120, %lt3A_1122 : vector<16xi32>
    %sub3A_1124 = arith.constant 50176 : i32
    %sub3A_1125 = vector.broadcast %sub3A_1124 : i32 to vector<16xi32>
    %sub3A_1126 = arith.subi %get3A_1120, %sub3A_1125 : vector<16xi32>
    %select_n3A_1127 = arith.select %lt3A_1123, %get3A_1120, %sub3A_1126 : vector<16xi1>, vector<16xi32>
    %swap3A_1128 = arith.constant 2 : i32
    %swap3A_1129 = arith.index_cast %swap3A_1128 : i32 to index
    %swap3A_1130 = arith.constant 96 : index
    %swap3A_1131 = tpu.vector_load %arg12[%swap3A_1129, %swap3A_1130] {strides = array<i32>} : memref<4x128xi32, #tpu.memory_space<vmem>>, vector<16xi32>,
    tpu.vector_store %arg12[%swap3A_1129, %swap3A_1130], %select_n3A_1127 {strides = array<i32>} : memref<4x128xi32, #tpu.memory_space<vmem>>, vector<16xi32>,
    %get3A_1132 = arith.constant 2 : i32
    %get3A_1133 = arith.index_cast %get3A_1132 : i32 to index
    %get3A_1134 = arith.constant 112 : index
    %get3A_1135 = tpu.vector_load %arg11[%get3A_1133, %get3A_1134] {strides = array<i32>} : memref<4x128xi32, #tpu.memory_space<vmem>>, vector<16xi32>,
    %lt3A_1136 = arith.constant 50176 : i32
    %lt3A_1137 = vector.broadcast %lt3A_1136 : i32 to vector<16xi32>
    %lt3A_1138 = arith.cmpi slt, %get3A_1135, %lt3A_1137 : vector<16xi32>
    %sub3A_1139 = arith.constant 50176 : i32
    %sub3A_1140 = vector.broadcast %sub3A_1139 : i32 to vector<16xi32>
    %sub3A_1141 = arith.subi %get3A_1135, %sub3A_1140 : vector<16xi32>
    %select_n3A_1142 = arith.select %lt3A_1138, %get3A_1135, %sub3A_1141 : vector<16xi1>, vector<16xi32>
    %swap3A_1143 = arith.constant 2 : i32
    %swap3A_1144 = arith.index_cast %swap3A_1143 : i32 to index
    %swap3A_1145 = arith.constant 112 : index
    %swap3A_1146 = tpu.vector_load %arg12[%swap3A_1144, %swap3A_1145] {strides = array<i32>} : memref<4x128xi32, #tpu.memory_space<vmem>>, vector<16xi32>,
    tpu.vector_store %arg12[%swap3A_1144, %swap3A_1145], %select_n3A_1142 {strides = array<i32>} : memref<4x128xi32, #tpu.memory_space<vmem>>, vector<16xi32>,
    %get3A_1147 = arith.constant 3 : i32
    %get3A_1148 = arith.index_cast %get3A_1147 : i32 to index
    %get3A_1149 = arith.constant 0 : index
    %get3A_1150 = tpu.vector_load %arg11[%get3A_1148, %get3A_1149] {strides = array<i32>} : memref<4x128xi32, #tpu.memory_space<vmem>>, vector<16xi32>,
    %lt3A_1151 = arith.constant 50176 : i32
    %lt3A_1152 = vector.broadcast %lt3A_1151 : i32 to vector<16xi32>
    %lt3A_1153 = arith.cmpi slt, %get3A_1150, %lt3A_1152 : vector<16xi32>
    %sub3A_1154 = arith.constant 50176 : i32
    %sub3A_1155 = vector.broadcast %sub3A_1154 : i32 to vector<16xi32>
    %sub3A_1156 = arith.subi %get3A_1150, %sub3A_1155 : vector<16xi32>
    %select_n3A_1157 = arith.select %lt3A_1153, %get3A_1150, %sub3A_1156 : vector<16xi1>, vector<16xi32>
    %swap3A_1158 = arith.constant 3 : i32
    %swap3A_1159 = arith.index_cast %swap3A_1158 : i32 to index
    %swap3A_1160 = arith.constant 0 : index
    %swap3A_1161 = tpu.vector_load %arg12[%swap3A_1159, %swap3A_1160] {strides = array<i32>} : memref<4x128xi32, #tpu.memory_space<vmem>>, vector<16xi32>,
    tpu.vector_store %arg12[%swap3A_1159, %swap3A_1160], %select_n3A_1157 {strides = array<i32>} : memref<4x128xi32, #tpu.memory_space<vmem>>, vector<16xi32>,
    %get3A_1162 = arith.constant 3 : i32
    %get3A_1163 = arith.index_cast %get3A_1162 : i32 to index
    %get3A_1164 = arith.constant 16 : index
    %get3A_1165 = tpu.vector_load %arg11[%get3A_1163, %get3A_1164] {strides = array<i32>} : memref<4x128xi32, #tpu.memory_space<vmem>>, vector<16xi32>,
    %lt3A_1166 = arith.constant 50176 : i32
    %lt3A_1167 = vector.broadcast %lt3A_1166 : i32 to vector<16xi32>
    %lt3A_1168 = arith.cmpi slt, %get3A_1165, %lt3A_1167 : vector<16xi32>
    %sub3A_1169 = arith.constant 50176 : i32
    %sub3A_1170 = vector.broadcast %sub3A_1169 : i32 to vector<16xi32>
    %sub3A_1171 = arith.subi %get3A_1165, %sub3A_1170 : vector<16xi32>
    %select_n3A_1172 = arith.select %lt3A_1168, %get3A_1165, %sub3A_1171 : vector<16xi1>, vector<16xi32>
    %swap3A_1173 = arith.constant 3 : i32
    %swap3A_1174 = arith.index_cast %swap3A_1173 : i32 to index
    %swap3A_1175 = arith.constant 16 : index
    %swap3A_1176 = tpu.vector_load %arg12[%swap3A_1174, %swap3A_1175] {strides = array<i32>} : memref<4x128xi32, #tpu.memory_space<vmem>>, vector<16xi32>,
    tpu.vector_store %arg12[%swap3A_1174, %swap3A_1175], %select_n3A_1172 {strides = array<i32>} : memref<4x128xi32, #tpu.memory_space<vmem>>, vector<16xi32>,
    %get3A_1177 = arith.constant 3 : i32
    %get3A_1178 = arith.index_cast %get3A_1177 : i32 to index
    %get3A_1179 = arith.constant 32 : index
    %get3A_1180 = tpu.vector_load %arg11[%get3A_1178, %get3A_1179] {strides = array<i32>} : memref<4x128xi32, #tpu.memory_space<vmem>>, vector<16xi32>,
    %lt3A_1181 = arith.constant 50176 : i32
    %lt3A_1182 = vector.broadcast %lt3A_1181 : i32 to vector<16xi32>
    %lt3A_1183 = arith.cmpi slt, %get3A_1180, %lt3A_1182 : vector<16xi32>
    %sub3A_1184 = arith.constant 50176 : i32
    %sub3A_1185 = vector.broadcast %sub3A_1184 : i32 to vector<16xi32>
    %sub3A_1186 = arith.subi %get3A_1180, %sub3A_1185 : vector<16xi32>
    %select_n3A_1187 = arith.select %lt3A_1183, %get3A_1180, %sub3A_1186 : vector<16xi1>, vector<16xi32>
    %swap3A_1188 = arith.constant 3 : i32
    %swap3A_1189 = arith.index_cast %swap3A_1188 : i32 to index
    %swap3A_1190 = arith.constant 32 : index
    %swap3A_1191 = tpu.vector_load %arg12[%swap3A_1189, %swap3A_1190] {strides = array<i32>} : memref<4x128xi32, #tpu.memory_space<vmem>>, vector<16xi32>,
    tpu.vector_store %arg12[%swap3A_1189, %swap3A_1190], %select_n3A_1187 {strides = array<i32>} : memref<4x128xi32, #tpu.memory_space<vmem>>, vector<16xi32>,
    %get3A_1192 = arith.constant 3 : i32
    %get3A_1193 = arith.index_cast %get3A_1192 : i32 to index
    %get3A_1194 = arith.constant 48 : index
    %get3A_1195 = tpu.vector_load %arg11[%get3A_1193, %get3A_1194] {strides = array<i32>} : memref<4x128xi32, #tpu.memory_space<vmem>>, vector<16xi32>,
    %lt3A_1196 = arith.constant 50176 : i32
    %lt3A_1197 = vector.broadcast %lt3A_1196 : i32 to vector<16xi32>
    %lt3A_1198 = arith.cmpi slt, %get3A_1195, %lt3A_1197 : vector<16xi32>
    %sub3A_1199 = arith.constant 50176 : i32
    %sub3A_1200 = vector.broadcast %sub3A_1199 : i32 to vector<16xi32>
    %sub3A_1201 = arith.subi %get3A_1195, %sub3A_1200 : vector<16xi32>
    %select_n3A_1202 = arith.select %lt3A_1198, %get3A_1195, %sub3A_1201 : vector<16xi1>, vector<16xi32>
    %swap3A_1203 = arith.constant 3 : i32
    %swap3A_1204 = arith.index_cast %swap3A_1203 : i32 to index
    %swap3A_1205 = arith.constant 48 : index
    %swap3A_1206 = tpu.vector_load %arg12[%swap3A_1204, %swap3A_1205] {strides = array<i32>} : memref<4x128xi32, #tpu.memory_space<vmem>>, vector<16xi32>,
    tpu.vector_store %arg12[%swap3A_1204, %swap3A_1205], %select_n3A_1202 {strides = array<i32>} : memref<4x128xi32, #tpu.memory_space<vmem>>, vector<16xi32>,
    %get3A_1207 = arith.constant 3 : i32
    %get3A_1208 = arith.index_cast %get3A_1207 : i32 to index
    %get3A_1209 = arith.constant 64 : index
    %get3A_1210 = tpu.vector_load %arg11[%get3A_1208, %get3A_1209] {strides = array<i32>} : memref<4x128xi32, #tpu.memory_space<vmem>>, vector<16xi32>,
    %lt3A_1211 = arith.constant 50176 : i32
    %lt3A_1212 = vector.broadcast %lt3A_1211 : i32 to vector<16xi32>
    %lt3A_1213 = arith.cmpi slt, %get3A_1210, %lt3A_1212 : vector<16xi32>
    %sub3A_1214 = arith.constant 50176 : i32
    %sub3A_1215 = vector.broadcast %sub3A_1214 : i32 to vector<16xi32>
    %sub3A_1216 = arith.subi %get3A_1210, %sub3A_1215 : vector<16xi32>
    %select_n3A_1217 = arith.select %lt3A_1213, %get3A_1210, %sub3A_1216 : vector<16xi1>, vector<16xi32>
    %swap3A_1218 = arith.constant 3 : i32
    %swap3A_1219 = arith.index_cast %swap3A_1218 : i32 to index
    %swap3A_1220 = arith.constant 64 : index
    %swap3A_1221 = tpu.vector_load %arg12[%swap3A_1219, %swap3A_1220] {strides = array<i32>} : memref<4x128xi32, #tpu.memory_space<vmem>>, vector<16xi32>,
    tpu.vector_store %arg12[%swap3A_1219, %swap3A_1220], %select_n3A_1217 {strides = array<i32>} : memref<4x128xi32, #tpu.memory_space<vmem>>, vector<16xi32>,
    %get3A_1222 = arith.constant 3 : i32
    %get3A_1223 = arith.index_cast %get3A_1222 : i32 to index
    %get3A_1224 = arith.constant 80 : index
    %get3A_1225 = tpu.vector_load %arg11[%get3A_1223, %get3A_1224] {strides = array<i32>} : memref<4x128xi32, #tpu.memory_space<vmem>>, vector<16xi32>,
    %lt3A_1226 = arith.constant 50176 : i32
    %lt3A_1227 = vector.broadcast %lt3A_1226 : i32 to vector<16xi32>
    %lt3A_1228 = arith.cmpi slt, %get3A_1225, %lt3A_1227 : vector<16xi32>
    %sub3A_1229 = arith.constant 50176 : i32
    %sub3A_1230 = vector.broadcast %sub3A_1229 : i32 to vector<16xi32>
    %sub3A_1231 = arith.subi %get3A_1225, %sub3A_1230 : vector<16xi32>
    %select_n3A_1232 = arith.select %lt3A_1228, %get3A_1225, %sub3A_1231 : vector<16xi1>, vector<16xi32>
    %swap3A_1233 = arith.constant 3 : i32
    %swap3A_1234 = arith.index_cast %swap3A_1233 : i32 to index
    %swap3A_1235 = arith.constant 80 : index
    %swap3A_1236 = tpu.vector_load %arg12[%swap3A_1234, %swap3A_1235] {strides = array<i32>} : memref<4x128xi32, #tpu.memory_space<vmem>>, vector<16xi32>,
    tpu.vector_store %arg12[%swap3A_1234, %swap3A_1235], %select_n3A_1232 {strides = array<i32>} : memref<4x128xi32, #tpu.memory_space<vmem>>, vector<16xi32>,
    %get3A_1237 = arith.constant 3 : i32
    %get3A_1238 = arith.index_cast %get3A_1237 : i32 to index
    %get3A_1239 = arith.constant 96 : index
    %get3A_1240 = tpu.vector_load %arg11[%get3A_1238, %get3A_1239] {strides = array<i32>} : memref<4x128xi32, #tpu.memory_space<vmem>>, vector<16xi32>,
    %lt3A_1241 = arith.constant 50176 : i32
    %lt3A_1242 = vector.broadcast %lt3A_1241 : i32 to vector<16xi32>
    %lt3A_1243 = arith.cmpi slt, %get3A_1240, %lt3A_1242 : vector<16xi32>
    %sub3A_1244 = arith.constant 50176 : i32
    %sub3A_1245 = vector.broadcast %sub3A_1244 : i32 to vector<16xi32>
    %sub3A_1246 = arith.subi %get3A_1240, %sub3A_1245 : vector<16xi32>
    %select_n3A_1247 = arith.select %lt3A_1243, %get3A_1240, %sub3A_1246 : vector<16xi1>, vector<16xi32>
    %swap3A_1248 = arith.constant 3 : i32
    %swap3A_1249 = arith.index_cast %swap3A_1248 : i32 to index
    %swap3A_1250 = arith.constant 96 : index
    %swap3A_1251 = tpu.vector_load %arg12[%swap3A_1249, %swap3A_1250] {strides = array<i32>} : memref<4x128xi32, #tpu.memory_space<vmem>>, vector<16xi32>,
    tpu.vector_store %arg12[%swap3A_1249, %swap3A_1250], %select_n3A_1247 {strides = array<i32>} : memref<4x128xi32, #tpu.memory_space<vmem>>, vector<16xi32>,
    %get3A_1252 = arith.constant 3 : i32
    %get3A_1253 = arith.index_cast %get3A_1252 : i32 to index
    %get3A_1254 = arith.constant 112 : index
    %get3A_1255 = tpu.vector_load %arg11[%get3A_1253, %get3A_1254] {strides = array<i32>} : memref<4x128xi32, #tpu.memory_space<vmem>>, vector<16xi32>,
    %lt3A_1256 = arith.constant 50176 : i32
    %lt3A_1257 = vector.broadcast %lt3A_1256 : i32 to vector<16xi32>
    %lt3A_1258 = arith.cmpi slt, %get3A_1255, %lt3A_1257 : vector<16xi32>
    %sub3A_1259 = arith.constant 50176 : i32
    %sub3A_1260 = vector.broadcast %sub3A_1259 : i32 to vector<16xi32>
    %sub3A_1261 = arith.subi %get3A_1255, %sub3A_1260 : vector<16xi32>
    %select_n3A_1262 = arith.select %lt3A_1258, %get3A_1255, %sub3A_1261 : vector<16xi1>, vector<16xi32>
    %swap3A_1263 = arith.constant 3 : i32
    %swap3A_1264 = arith.index_cast %swap3A_1263 : i32 to index
    %swap3A_1265 = arith.constant 112 : index
    %swap3A_1266 = tpu.vector_load %arg12[%swap3A_1264, %swap3A_1265] {strides = array<i32>} : memref<4x128xi32, #tpu.memory_space<vmem>>, vector<16xi32>,
    tpu.vector_store %arg12[%swap3A_1264, %swap3A_1265], %select_n3A_1262 {strides = array<i32>} : memref<4x128xi32, #tpu.memory_space<vmem>>, vector<16xi32>,
    %dma_start3A_1267 = arith.constant 0 : i32
    %dma_start3A_1268 = arith.constant 0 : i32
    %dma_start3A_1269 = arith.constant 0 : i32
    %dma_start3A_1270 = arith.constant 0 : i32
    %dma_start3A_1271 = tpu.memref_slice %arg13[%dma_start3A_1268, %dma_start3A_1269, %dma_start3A_1270] : memref<4x128x128xf32, #tpu.memory_space<vmem>> -> memref<1x128x128xf32, #tpu.memory_space<vmem>>
    %dma_start3A_1272 = tpu.memref_squeeze %dma_start3A_1271 : memref<1x128x128xf32, #tpu.memory_space<vmem>> -> memref<128x128xf32, #tpu.memory_space<vmem>>
    %dma_start3A_1273 = arith.constant 0 : i32
    %dma_start3A_1274 = tpu.memref_slice %arg12[%dma_start3A_1267, %dma_start3A_1273] : memref<4x128xi32, #tpu.memory_space<vmem>> -> memref<1x128xi32, #tpu.memory_space<vmem>>
    %dma_start3A_1275 = tpu.memref_squeeze %dma_start3A_1274 : memref<1x128xi32, #tpu.memory_space<vmem>> -> memref<128xi32, #tpu.memory_space<vmem>>
    %dma_start3A_1276 = arith.constant 0 : i32
    %dma_start3A_1277 = arith.constant 0 : i32
    %dma_start3A_1278 = tpu.memref_slice %arg5[%dma_start3A_1276, %dma_start3A_1277] : memref<50176x128xf32, #tpu.memory_space<hbm>> -> memref<50176x128xf32, #tpu.memory_space<hbm>>
    tpu.enqueue_indirect_dma source(%dma_start3A_1278 : memref<50176x128xf32, #tpu.memory_space<hbm>>) target(%dma_start3A_1272 : memref<128x128xf32, #tpu.memory_space<vmem>>) offsets(%dma_start3A_1275 : memref<128xi32, #tpu.memory_space<vmem>>) semaphore(%arg16 : memref<!tpu.dma_semaphore, #tpu.memory_space<semaphore_mem>>)
    %dma_start3A_1279 = arith.constant 1 : i32
    %dma_start3A_1280 = arith.constant 1 : i32
    %dma_start3A_1281 = arith.constant 0 : i32
    %dma_start3A_1282 = arith.constant 0 : i32
    %dma_start3A_1283 = tpu.memref_slice %arg13[%dma_start3A_1280, %dma_start3A_1281, %dma_start3A_1282] : memref<4x128x128xf32, #tpu.memory_space<vmem>> -> memref<1x128x128xf32, #tpu.memory_space<vmem>>
    %dma_start3A_1284 = tpu.memref_squeeze %dma_start3A_1283 : memref<1x128x128xf32, #tpu.memory_space<vmem>> -> memref<128x128xf32, #tpu.memory_space<vmem>>
    %dma_start3A_1285 = arith.constant 0 : i32
    %dma_start3A_1286 = tpu.memref_slice %arg12[%dma_start3A_1279, %dma_start3A_1285] : memref<4x128xi32, #tpu.memory_space<vmem>> -> memref<1x128xi32, #tpu.memory_space<vmem>>
    %dma_start3A_1287 = tpu.memref_squeeze %dma_start3A_1286 : memref<1x128xi32, #tpu.memory_space<vmem>> -> memref<128xi32, #tpu.memory_space<vmem>>
    %dma_start3A_1288 = arith.constant 0 : i32
    %dma_start3A_1289 = arith.constant 0 : i32
    %dma_start3A_1290 = tpu.memref_slice %arg5[%dma_start3A_1288, %dma_start3A_1289] : memref<50176x128xf32, #tpu.memory_space<hbm>> -> memref<50176x128xf32, #tpu.memory_space<hbm>>
    tpu.enqueue_indirect_dma source(%dma_start3A_1290 : memref<50176x128xf32, #tpu.memory_space<hbm>>) target(%dma_start3A_1284 : memref<128x128xf32, #tpu.memory_space<vmem>>) offsets(%dma_start3A_1287 : memref<128xi32, #tpu.memory_space<vmem>>) semaphore(%arg16 : memref<!tpu.dma_semaphore, #tpu.memory_space<semaphore_mem>>)
    %dma_start3A_1291 = arith.constant 2 : i32
    %dma_start3A_1292 = arith.constant 2 : i32
    %dma_start3A_1293 = arith.constant 0 : i32
    %dma_start3A_1294 = arith.constant 0 : i32
    %dma_start3A_1295 = tpu.memref_slice %arg13[%dma_start3A_1292, %dma_start3A_1293, %dma_start3A_1294] : memref<4x128x128xf32, #tpu.memory_space<vmem>> -> memref<1x128x128xf32, #tpu.memory_space<vmem>>
    %dma_start3A_1296 = tpu.memref_squeeze %dma_start3A_1295 : memref<1x128x128xf32, #tpu.memory_space<vmem>> -> memref<128x128xf32, #tpu.memory_space<vmem>>
    %dma_start3A_1297 = arith.constant 0 : i32
    %dma_start3A_1298 = tpu.memref_slice %arg12[%dma_start3A_1291, %dma_start3A_1297] : memref<4x128xi32, #tpu.memory_space<vmem>> -> memref<1x128xi32, #tpu.memory_space<vmem>>
    %dma_start3A_1299 = tpu.memref_squeeze %dma_start3A_1298 : memref<1x128xi32, #tpu.memory_space<vmem>> -> memref<128xi32, #tpu.memory_space<vmem>>
    %dma_start3A_1300 = arith.constant 0 : i32
    %dma_start3A_1301 = arith.constant 0 : i32
    %dma_start3A_1302 = tpu.memref_slice %arg5[%dma_start3A_1300, %dma_start3A_1301] : memref<50176x128xf32, #tpu.memory_space<hbm>> -> memref<50176x128xf32, #tpu.memory_space<hbm>>
    tpu.enqueue_indirect_dma source(%dma_start3A_1302 : memref<50176x128xf32, #tpu.memory_space<hbm>>) target(%dma_start3A_1296 : memref<128x128xf32, #tpu.memory_space<vmem>>) offsets(%dma_start3A_1299 : memref<128xi32, #tpu.memory_space<vmem>>) semaphore(%arg16 : memref<!tpu.dma_semaphore, #tpu.memory_space<semaphore_mem>>)
    %dma_start3A_1303 = arith.constant 3 : i32
    %dma_start3A_1304 = arith.constant 3 : i32
    %dma_start3A_1305 = arith.constant 0 : i32
    %dma_start3A_1306 = arith.constant 0 : i32
    %dma_start3A_1307 = tpu.memref_slice %arg13[%dma_start3A_1304, %dma_start3A_1305, %dma_start3A_1306] : memref<4x128x128xf32, #tpu.memory_space<vmem>> -> memref<1x128x128xf32, #tpu.memory_space<vmem>>
    %dma_start3A_1308 = tpu.memref_squeeze %dma_start3A_1307 : memref<1x128x128xf32, #tpu.memory_space<vmem>> -> memref<128x128xf32, #tpu.memory_space<vmem>>
    %dma_start3A_1309 = arith.constant 0 : i32
    %dma_start3A_1310 = tpu.memref_slice %arg12[%dma_start3A_1303, %dma_start3A_1309] : memref<4x128xi32, #tpu.memory_space<vmem>> -> memref<1x128xi32, #tpu.memory_space<vmem>>
    %dma_start3A_1311 = tpu.memref_squeeze %dma_start3A_1310 : memref<1x128xi32, #tpu.memory_space<vmem>> -> memref<128xi32, #tpu.memory_space<vmem>>
    %dma_start3A_1312 = arith.constant 0 : i32
    %dma_start3A_1313 = arith.constant 0 : i32
    %dma_start3A_1314 = tpu.memref_slice %arg5[%dma_start3A_1312, %dma_start3A_1313] : memref<50176x128xf32, #tpu.memory_space<hbm>> -> memref<50176x128xf32, #tpu.memory_space<hbm>>
    tpu.enqueue_indirect_dma source(%dma_start3A_1314 : memref<50176x128xf32, #tpu.memory_space<hbm>>) target(%dma_start3A_1308 : memref<128x128xf32, #tpu.memory_space<vmem>>) offsets(%dma_start3A_1311 : memref<128xi32, #tpu.memory_space<vmem>>) semaphore(%arg16 : memref<!tpu.dma_semaphore, #tpu.memory_space<semaphore_mem>>)
    %dma_start3A_1315 = arith.constant 0 : i32
    %dma_start3A_1316 = arith.constant 0 : i32
    %dma_start3A_1317 = arith.constant 0 : i32
    %dma_start3A_1318 = tpu.memref_slice %arg14[%dma_start3A_1316, %dma_start3A_1317] : memref<4x128xf32, #tpu.memory_space<vmem>> -> memref<1x128xf32, #tpu.memory_space<vmem>>
    %dma_start3A_1319 = tpu.memref_squeeze %dma_start3A_1318 : memref<1x128xf32, #tpu.memory_space<vmem>> -> memref<128xf32, #tpu.memory_space<vmem>>
    %dma_start3A_1320 = arith.constant 0 : i32
    %dma_start3A_1321 = tpu.memref_slice %arg11[%dma_start3A_1315, %dma_start3A_1320] : memref<4x128xi32, #tpu.memory_space<vmem>> -> memref<1x128xi32, #tpu.memory_space<vmem>>
    %dma_start3A_1322 = tpu.memref_squeeze %dma_start3A_1321 : memref<1x128xi32, #tpu.memory_space<vmem>> -> memref<128xi32, #tpu.memory_space<vmem>>
    %dma_start3A_1323 = arith.constant 0 : i32
    %dma_start3A_1324 = tpu.memref_slice %arg7[%dma_start3A_1323] : memref<100001xf32, #tpu.memory_space<hbm>> -> memref<100001xf32, #tpu.memory_space<hbm>>
    tpu.enqueue_indirect_dma source(%dma_start3A_1324 : memref<100001xf32, #tpu.memory_space<hbm>>) target(%dma_start3A_1319 : memref<128xf32, #tpu.memory_space<vmem>>) offsets(%dma_start3A_1322 : memref<128xi32, #tpu.memory_space<vmem>>) semaphore(%arg16 : memref<!tpu.dma_semaphore, #tpu.memory_space<semaphore_mem>>)
    %dma_start3A_1325 = arith.constant 1 : i32
    %dma_start3A_1326 = arith.constant 1 : i32
    %dma_start3A_1327 = arith.constant 0 : i32
    %dma_start3A_1328 = tpu.memref_slice %arg14[%dma_start3A_1326, %dma_start3A_1327] : memref<4x128xf32, #tpu.memory_space<vmem>> -> memref<1x128xf32, #tpu.memory_space<vmem>>
    %dma_start3A_1329 = tpu.memref_squeeze %dma_start3A_1328 : memref<1x128xf32, #tpu.memory_space<vmem>> -> memref<128xf32, #tpu.memory_space<vmem>>
    %dma_start3A_1330 = arith.constant 0 : i32
    %dma_start3A_1331 = tpu.memref_slice %arg11[%dma_start3A_1325, %dma_start3A_1330] : memref<4x128xi32, #tpu.memory_space<vmem>> -> memref<1x128xi32, #tpu.memory_space<vmem>>
    %dma_start3A_1332 = tpu.memref_squeeze %dma_start3A_1331 : memref<1x128xi32, #tpu.memory_space<vmem>> -> memref<128xi32, #tpu.memory_space<vmem>>
    %dma_start3A_1333 = arith.constant 0 : i32
    %dma_start3A_1334 = tpu.memref_slice %arg7[%dma_start3A_1333] : memref<100001xf32, #tpu.memory_space<hbm>> -> memref<100001xf32, #tpu.memory_space<hbm>>
    tpu.enqueue_indirect_dma source(%dma_start3A_1334 : memref<100001xf32, #tpu.memory_space<hbm>>) target(%dma_start3A_1329 : memref<128xf32, #tpu.memory_space<vmem>>) offsets(%dma_start3A_1332 : memref<128xi32, #tpu.memory_space<vmem>>) semaphore(%arg16 : memref<!tpu.dma_semaphore, #tpu.memory_space<semaphore_mem>>)
    %dma_start3A_1335 = arith.constant 2 : i32
    %dma_start3A_1336 = arith.constant 2 : i32
    %dma_start3A_1337 = arith.constant 0 : i32
    %dma_start3A_1338 = tpu.memref_slice %arg14[%dma_start3A_1336, %dma_start3A_1337] : memref<4x128xf32, #tpu.memory_space<vmem>> -> memref<1x128xf32, #tpu.memory_space<vmem>>
    %dma_start3A_1339 = tpu.memref_squeeze %dma_start3A_1338 : memref<1x128xf32, #tpu.memory_space<vmem>> -> memref<128xf32, #tpu.memory_space<vmem>>
    %dma_start3A_1340 = arith.constant 0 : i32
    %dma_start3A_1341 = tpu.memref_slice %arg11[%dma_start3A_1335, %dma_start3A_1340] : memref<4x128xi32, #tpu.memory_space<vmem>> -> memref<1x128xi32, #tpu.memory_space<vmem>>
    %dma_start3A_1342 = tpu.memref_squeeze %dma_start3A_1341 : memref<1x128xi32, #tpu.memory_space<vmem>> -> memref<128xi32, #tpu.memory_space<vmem>>
    %dma_start3A_1343 = arith.constant 0 : i32
    %dma_start3A_1344 = tpu.memref_slice %arg7[%dma_start3A_1343] : memref<100001xf32, #tpu.memory_space<hbm>> -> memref<100001xf32, #tpu.memory_space<hbm>>
    tpu.enqueue_indirect_dma source(%dma_start3A_1344 : memref<100001xf32, #tpu.memory_space<hbm>>) target(%dma_start3A_1339 : memref<128xf32, #tpu.memory_space<vmem>>) offsets(%dma_start3A_1342 : memref<128xi32, #tpu.memory_space<vmem>>) semaphore(%arg16 : memref<!tpu.dma_semaphore, #tpu.memory_space<semaphore_mem>>)
    %dma_start3A_1345 = arith.constant 3 : i32
    %dma_start3A_1346 = arith.constant 3 : i32
    %dma_start3A_1347 = arith.constant 0 : i32
    %dma_start3A_1348 = tpu.memref_slice %arg14[%dma_start3A_1346, %dma_start3A_1347] : memref<4x128xf32, #tpu.memory_space<vmem>> -> memref<1x128xf32, #tpu.memory_space<vmem>>
    %dma_start3A_1349 = tpu.memref_squeeze %dma_start3A_1348 : memref<1x128xf32, #tpu.memory_space<vmem>> -> memref<128xf32, #tpu.memory_space<vmem>>
    %dma_start3A_1350 = arith.constant 0 : i32
    %dma_start3A_1351 = tpu.memref_slice %arg11[%dma_start3A_1345, %dma_start3A_1350] : memref<4x128xi32, #tpu.memory_space<vmem>> -> memref<1x128xi32, #tpu.memory_space<vmem>>
    %dma_start3A_1352 = tpu.memref_squeeze %dma_start3A_1351 : memref<1x128xi32, #tpu.memory_space<vmem>> -> memref<128xi32, #tpu.memory_space<vmem>>
    %dma_start3A_1353 = arith.constant 0 : i32
    %dma_start3A_1354 = tpu.memref_slice %arg7[%dma_start3A_1353] : memref<100001xf32, #tpu.memory_space<hbm>> -> memref<100001xf32, #tpu.memory_space<hbm>>
    tpu.enqueue_indirect_dma source(%dma_start3A_1354 : memref<100001xf32, #tpu.memory_space<hbm>>) target(%dma_start3A_1349 : memref<128xf32, #tpu.memory_space<vmem>>) offsets(%dma_start3A_1352 : memref<128xi32, #tpu.memory_space<vmem>>) semaphore(%arg16 : memref<!tpu.dma_semaphore, #tpu.memory_space<semaphore_mem>>)
    %dma_wait3A_1355 = arith.constant 0 : i32
    %dma_wait3A_1356 = arith.constant 0 : i32
    %dma_wait3A_1357 = arith.constant 0 : i32
    %dma_wait3A_1358 = arith.constant 0 : i32
    %dma_wait3A_1359 = tpu.memref_slice %arg13[%dma_wait3A_1356, %dma_wait3A_1357, %dma_wait3A_1358] : memref<4x128x128xf32, #tpu.memory_space<vmem>> -> memref<1x128x128xf32, #tpu.memory_space<vmem>>
    %dma_wait3A_1360 = tpu.memref_squeeze %dma_wait3A_1359 : memref<1x128x128xf32, #tpu.memory_space<vmem>> -> memref<128x128xf32, #tpu.memory_space<vmem>>
    %dma_wait3A_1361 = arith.constant 0 : i32
    %dma_wait3A_1362 = tpu.memref_slice %arg12[%dma_wait3A_1355, %dma_wait3A_1361] : memref<4x128xi32, #tpu.memory_space<vmem>> -> memref<1x128xi32, #tpu.memory_space<vmem>>
    %dma_wait3A_1363 = tpu.memref_squeeze %dma_wait3A_1362 : memref<1x128xi32, #tpu.memory_space<vmem>> -> memref<128xi32, #tpu.memory_space<vmem>>
    %dma_wait3A_1364 = arith.constant 0 : i32
    %dma_wait3A_1365 = arith.constant 0 : i32
    %dma_wait3A_1366 = tpu.memref_slice %arg5[%dma_wait3A_1364, %dma_wait3A_1365] : memref<50176x128xf32, #tpu.memory_space<hbm>> -> memref<50176x128xf32, #tpu.memory_space<hbm>>
    tpu.wait_indirect_dma semaphore(%arg16 : memref<!tpu.dma_semaphore, #tpu.memory_space<semaphore_mem>>) src(%dma_wait3A_1366 : memref<50176x128xf32, #tpu.memory_space<hbm>>) dst(%dma_wait3A_1360 : memref<128x128xf32, #tpu.memory_space<vmem>>)
    %add3A_1367 = arith.constant 0 : i32
    %add3A_1368 = arith.addi %mul3A_2, %add3A_1367 : i32
    %dma_start3A_1369 = arith.constant 0 : i32
    %dma_start3A_1370 = arith.constant 0 : i32
    %dma_start3A_1371 = arith.constant 0 : i32
    %dma_start3A_1372 = tpu.memref_slice %arg13[%dma_start3A_1369, %dma_start3A_1370, %dma_start3A_1371] : memref<4x128x128xf32, #tpu.memory_space<vmem>> -> memref<1x128x128xf32, #tpu.memory_space<vmem>>
    %dma_start3A_1373 = tpu.memref_squeeze %dma_start3A_1372 : memref<1x128x128xf32, #tpu.memory_space<vmem>> -> memref<128x128xf32, #tpu.memory_space<vmem>>
    %dma_start3A_1374 = arith.constant 0 : i32
    %dma_start3A_1375 = tpu.memref_slice %arg9[%add3A_1368, %dma_start3A_1374] : memref<16384x128xf32, #tpu.memory_space<hbm>> -> memref<128x128xf32, #tpu.memory_space<hbm>>
    %dma_start3A_1376 = arith.constant 0 : i32
    %dma_start3A_1377 = tpu.memref_slice %arg9[%add3A_1368, %dma_start3A_1376] : memref<16384x128xf32, #tpu.memory_space<hbm>> -> memref<128x128xf32, #tpu.memory_space<hbm>>
    %dma_start3A_1378 = arith.constant 0 : i32
    %dma_start3A_1379 = arith.constant 0 : i32
    %dma_start3A_1380 = tpu.memref_slice %arg13[%dma_start3A_1369, %dma_start3A_1378, %dma_start3A_1379] : memref<4x128x128xf32, #tpu.memory_space<vmem>> -> memref<1x128x128xf32, #tpu.memory_space<vmem>>
    %dma_start3A_1381 = tpu.memref_squeeze %dma_start3A_1380 : memref<1x128x128xf32, #tpu.memory_space<vmem>> -> memref<128x128xf32, #tpu.memory_space<vmem>>
    tpu.enqueue_dma source(%dma_start3A_1381 : memref<128x128xf32, #tpu.memory_space<vmem>>) target(%dma_start3A_1377 : memref<128x128xf32, #tpu.memory_space<hbm>>) target_semaphore(%arg17 : memref<!tpu.dma_semaphore, #tpu.memory_space<semaphore_mem>>)
    %dma_wait3A_1382 = arith.constant 1 : i32
    %dma_wait3A_1383 = arith.constant 1 : i32
    %dma_wait3A_1384 = arith.constant 0 : i32
    %dma_wait3A_1385 = arith.constant 0 : i32
    %dma_wait3A_1386 = tpu.memref_slice %arg13[%dma_wait3A_1383, %dma_wait3A_1384, %dma_wait3A_1385] : memref<4x128x128xf32, #tpu.memory_space<vmem>> -> memref<1x128x128xf32, #tpu.memory_space<vmem>>
    %dma_wait3A_1387 = tpu.memref_squeeze %dma_wait3A_1386 : memref<1x128x128xf32, #tpu.memory_space<vmem>> -> memref<128x128xf32, #tpu.memory_space<vmem>>
    %dma_wait3A_1388 = arith.constant 0 : i32
    %dma_wait3A_1389 = tpu.memref_slice %arg12[%dma_wait3A_1382, %dma_wait3A_1388] : memref<4x128xi32, #tpu.memory_space<vmem>> -> memref<1x128xi32, #tpu.memory_space<vmem>>
    %dma_wait3A_1390 = tpu.memref_squeeze %dma_wait3A_1389 : memref<1x128xi32, #tpu.memory_space<vmem>> -> memref<128xi32, #tpu.memory_space<vmem>>
    %dma_wait3A_1391 = arith.constant 0 : i32
    %dma_wait3A_1392 = arith.constant 0 : i32
    %dma_wait3A_1393 = tpu.memref_slice %arg5[%dma_wait3A_1391, %dma_wait3A_1392] : memref<50176x128xf32, #tpu.memory_space<hbm>> -> memref<50176x128xf32, #tpu.memory_space<hbm>>
    tpu.wait_indirect_dma semaphore(%arg16 : memref<!tpu.dma_semaphore, #tpu.memory_space<semaphore_mem>>) src(%dma_wait3A_1393 : memref<50176x128xf32, #tpu.memory_space<hbm>>) dst(%dma_wait3A_1387 : memref<128x128xf32, #tpu.memory_space<vmem>>)
    %add3A_1394 = arith.constant 128 : i32
    %add3A_1395 = arith.addi %mul3A_2, %add3A_1394 : i32
    %dma_start3A_1396 = arith.constant 1 : i32
    %dma_start3A_1397 = arith.constant 0 : i32
    %dma_start3A_1398 = arith.constant 0 : i32
    %dma_start3A_1399 = tpu.memref_slice %arg13[%dma_start3A_1396, %dma_start3A_1397, %dma_start3A_1398] : memref<4x128x128xf32, #tpu.memory_space<vmem>> -> memref<1x128x128xf32, #tpu.memory_space<vmem>>
    %dma_start3A_1400 = tpu.memref_squeeze %dma_start3A_1399 : memref<1x128x128xf32, #tpu.memory_space<vmem>> -> memref<128x128xf32, #tpu.memory_space<vmem>>
    %dma_start3A_1401 = arith.constant 0 : i32
    %dma_start3A_1402 = tpu.memref_slice %arg9[%add3A_1395, %dma_start3A_1401] : memref<16384x128xf32, #tpu.memory_space<hbm>> -> memref<128x128xf32, #tpu.memory_space<hbm>>
    %dma_start3A_1403 = arith.constant 0 : i32
    %dma_start3A_1404 = tpu.memref_slice %arg9[%add3A_1395, %dma_start3A_1403] : memref<16384x128xf32, #tpu.memory_space<hbm>> -> memref<128x128xf32, #tpu.memory_space<hbm>>
    %dma_start3A_1405 = arith.constant 0 : i32
    %dma_start3A_1406 = arith.constant 0 : i32
    %dma_start3A_1407 = tpu.memref_slice %arg13[%dma_start3A_1396, %dma_start3A_1405, %dma_start3A_1406] : memref<4x128x128xf32, #tpu.memory_space<vmem>> -> memref<1x128x128xf32, #tpu.memory_space<vmem>>
    %dma_start3A_1408 = tpu.memref_squeeze %dma_start3A_1407 : memref<1x128x128xf32, #tpu.memory_space<vmem>> -> memref<128x128xf32, #tpu.memory_space<vmem>>
    tpu.enqueue_dma source(%dma_start3A_1408 : memref<128x128xf32, #tpu.memory_space<vmem>>) target(%dma_start3A_1404 : memref<128x128xf32, #tpu.memory_space<hbm>>) target_semaphore(%arg17 : memref<!tpu.dma_semaphore, #tpu.memory_space<semaphore_mem>>)
    %dma_wait3A_1409 = arith.constant 2 : i32
    %dma_wait3A_1410 = arith.constant 2 : i32
    %dma_wait3A_1411 = arith.constant 0 : i32
    %dma_wait3A_1412 = arith.constant 0 : i32
    %dma_wait3A_1413 = tpu.memref_slice %arg13[%dma_wait3A_1410, %dma_wait3A_1411, %dma_wait3A_1412] : memref<4x128x128xf32, #tpu.memory_space<vmem>> -> memref<1x128x128xf32, #tpu.memory_space<vmem>>
    %dma_wait3A_1414 = tpu.memref_squeeze %dma_wait3A_1413 : memref<1x128x128xf32, #tpu.memory_space<vmem>> -> memref<128x128xf32, #tpu.memory_space<vmem>>
    %dma_wait3A_1415 = arith.constant 0 : i32
    %dma_wait3A_1416 = tpu.memref_slice %arg12[%dma_wait3A_1409, %dma_wait3A_1415] : memref<4x128xi32, #tpu.memory_space<vmem>> -> memref<1x128xi32, #tpu.memory_space<vmem>>
    %dma_wait3A_1417 = tpu.memref_squeeze %dma_wait3A_1416 : memref<1x128xi32, #tpu.memory_space<vmem>> -> memref<128xi32, #tpu.memory_space<vmem>>
    %dma_wait3A_1418 = arith.constant 0 : i32
    %dma_wait3A_1419 = arith.constant 0 : i32
    %dma_wait3A_1420 = tpu.memref_slice %arg5[%dma_wait3A_1418, %dma_wait3A_1419] : memref<50176x128xf32, #tpu.memory_space<hbm>> -> memref<50176x128xf32, #tpu.memory_space<hbm>>
    tpu.wait_indirect_dma semaphore(%arg16 : memref<!tpu.dma_semaphore, #tpu.memory_space<semaphore_mem>>) src(%dma_wait3A_1420 : memref<50176x128xf32, #tpu.memory_space<hbm>>) dst(%dma_wait3A_1414 : memref<128x128xf32, #tpu.memory_space<vmem>>)
    %add3A_1421 = arith.constant 256 : i32
    %add3A_1422 = arith.addi %mul3A_2, %add3A_1421 : i32
    %dma_start3A_1423 = arith.constant 2 : i32
    %dma_start3A_1424 = arith.constant 0 : i32
    %dma_start3A_1425 = arith.constant 0 : i32
    %dma_start3A_1426 = tpu.memref_slice %arg13[%dma_start3A_1423, %dma_start3A_1424, %dma_start3A_1425] : memref<4x128x128xf32, #tpu.memory_space<vmem>> -> memref<1x128x128xf32, #tpu.memory_space<vmem>>
    %dma_start3A_1427 = tpu.memref_squeeze %dma_start3A_1426 : memref<1x128x128xf32, #tpu.memory_space<vmem>> -> memref<128x128xf32, #tpu.memory_space<vmem>>
    %dma_start3A_1428 = arith.constant 0 : i32
    %dma_start3A_1429 = tpu.memref_slice %arg9[%add3A_1422, %dma_start3A_1428] : memref<16384x128xf32, #tpu.memory_space<hbm>> -> memref<128x128xf32, #tpu.memory_space<hbm>>
    %dma_start3A_1430 = arith.constant 0 : i32
    %dma_start3A_1431 = tpu.memref_slice %arg9[%add3A_1422, %dma_start3A_1430] : memref<16384x128xf32, #tpu.memory_space<hbm>> -> memref<128x128xf32, #tpu.memory_space<hbm>>
    %dma_start3A_1432 = arith.constant 0 : i32
    %dma_start3A_1433 = arith.constant 0 : i32
    %dma_start3A_1434 = tpu.memref_slice %arg13[%dma_start3A_1423, %dma_start3A_1432, %dma_start3A_1433] : memref<4x128x128xf32, #tpu.memory_space<vmem>> -> memref<1x128x128xf32, #tpu.memory_space<vmem>>
    %dma_start3A_1435 = tpu.memref_squeeze %dma_start3A_1434 : memref<1x128x128xf32, #tpu.memory_space<vmem>> -> memref<128x128xf32, #tpu.memory_space<vmem>>
    tpu.enqueue_dma source(%dma_start3A_1435 : memref<128x128xf32, #tpu.memory_space<vmem>>) target(%dma_start3A_1431 : memref<128x128xf32, #tpu.memory_space<hbm>>) target_semaphore(%arg17 : memref<!tpu.dma_semaphore, #tpu.memory_space<semaphore_mem>>)
    %dma_wait3A_1436 = arith.constant 3 : i32
    %dma_wait3A_1437 = arith.constant 3 : i32
    %dma_wait3A_1438 = arith.constant 0 : i32
    %dma_wait3A_1439 = arith.constant 0 : i32
    %dma_wait3A_1440 = tpu.memref_slice %arg13[%dma_wait3A_1437, %dma_wait3A_1438, %dma_wait3A_1439] : memref<4x128x128xf32, #tpu.memory_space<vmem>> -> memref<1x128x128xf32, #tpu.memory_space<vmem>>
    %dma_wait3A_1441 = tpu.memref_squeeze %dma_wait3A_1440 : memref<1x128x128xf32, #tpu.memory_space<vmem>> -> memref<128x128xf32, #tpu.memory_space<vmem>>
    %dma_wait3A_1442 = arith.constant 0 : i32
    %dma_wait3A_1443 = tpu.memref_slice %arg12[%dma_wait3A_1436, %dma_wait3A_1442] : memref<4x128xi32, #tpu.memory_space<vmem>> -> memref<1x128xi32, #tpu.memory_space<vmem>>
    %dma_wait3A_1444 = tpu.memref_squeeze %dma_wait3A_1443 : memref<1x128xi32, #tpu.memory_space<vmem>> -> memref<128xi32, #tpu.memory_space<vmem>>
    %dma_wait3A_1445 = arith.constant 0 : i32
    %dma_wait3A_1446 = arith.constant 0 : i32
    %dma_wait3A_1447 = tpu.memref_slice %arg5[%dma_wait3A_1445, %dma_wait3A_1446] : memref<50176x128xf32, #tpu.memory_space<hbm>> -> memref<50176x128xf32, #tpu.memory_space<hbm>>
    tpu.wait_indirect_dma semaphore(%arg16 : memref<!tpu.dma_semaphore, #tpu.memory_space<semaphore_mem>>) src(%dma_wait3A_1447 : memref<50176x128xf32, #tpu.memory_space<hbm>>) dst(%dma_wait3A_1441 : memref<128x128xf32, #tpu.memory_space<vmem>>)
    %add3A_1448 = arith.constant 384 : i32
    %add3A_1449 = arith.addi %mul3A_2, %add3A_1448 : i32
    %dma_start3A_1450 = arith.constant 3 : i32
    %dma_start3A_1451 = arith.constant 0 : i32
    %dma_start3A_1452 = arith.constant 0 : i32
    %dma_start3A_1453 = tpu.memref_slice %arg13[%dma_start3A_1450, %dma_start3A_1451, %dma_start3A_1452] : memref<4x128x128xf32, #tpu.memory_space<vmem>> -> memref<1x128x128xf32, #tpu.memory_space<vmem>>
    %dma_start3A_1454 = tpu.memref_squeeze %dma_start3A_1453 : memref<1x128x128xf32, #tpu.memory_space<vmem>> -> memref<128x128xf32, #tpu.memory_space<vmem>>
    %dma_start3A_1455 = arith.constant 0 : i32
    %dma_start3A_1456 = tpu.memref_slice %arg9[%add3A_1449, %dma_start3A_1455] : memref<16384x128xf32, #tpu.memory_space<hbm>> -> memref<128x128xf32, #tpu.memory_space<hbm>>
    %dma_start3A_1457 = arith.constant 0 : i32
    %dma_start3A_1458 = tpu.memref_slice %arg9[%add3A_1449, %dma_start3A_1457] : memref<16384x128xf32, #tpu.memory_space<hbm>> -> memref<128x128xf32, #tpu.memory_space<hbm>>
    %dma_start3A_1459 = arith.constant 0 : i32
    %dma_start3A_1460 = arith.constant 0 : i32
    %dma_start3A_1461 = tpu.memref_slice %arg13[%dma_start3A_1450, %dma_start3A_1459, %dma_start3A_1460] : memref<4x128x128xf32, #tpu.memory_space<vmem>> -> memref<1x128x128xf32, #tpu.memory_space<vmem>>
    %dma_start3A_1462 = tpu.memref_squeeze %dma_start3A_1461 : memref<1x128x128xf32, #tpu.memory_space<vmem>> -> memref<128x128xf32, #tpu.memory_space<vmem>>
    tpu.enqueue_dma source(%dma_start3A_1462 : memref<128x128xf32, #tpu.memory_space<vmem>>) target(%dma_start3A_1458 : memref<128x128xf32, #tpu.memory_space<hbm>>) target_semaphore(%arg17 : memref<!tpu.dma_semaphore, #tpu.memory_space<semaphore_mem>>)
    %dma_wait3A_1463 = arith.constant 0 : i32
    %dma_wait3A_1464 = arith.constant 0 : i32
    %dma_wait3A_1465 = arith.constant 0 : i32
    %dma_wait3A_1466 = tpu.memref_slice %arg14[%dma_wait3A_1464, %dma_wait3A_1465] : memref<4x128xf32, #tpu.memory_space<vmem>> -> memref<1x128xf32, #tpu.memory_space<vmem>>
    %dma_wait3A_1467 = tpu.memref_squeeze %dma_wait3A_1466 : memref<1x128xf32, #tpu.memory_space<vmem>> -> memref<128xf32, #tpu.memory_space<vmem>>
    %dma_wait3A_1468 = arith.constant 0 : i32
    %dma_wait3A_1469 = tpu.memref_slice %arg11[%dma_wait3A_1463, %dma_wait3A_1468] : memref<4x128xi32, #tpu.memory_space<vmem>> -> memref<1x128xi32, #tpu.memory_space<vmem>>
    %dma_wait3A_1470 = tpu.memref_squeeze %dma_wait3A_1469 : memref<1x128xi32, #tpu.memory_space<vmem>> -> memref<128xi32, #tpu.memory_space<vmem>>
    %dma_wait3A_1471 = arith.constant 0 : i32
    %dma_wait3A_1472 = tpu.memref_slice %arg7[%dma_wait3A_1471] : memref<100001xf32, #tpu.memory_space<hbm>> -> memref<100001xf32, #tpu.memory_space<hbm>>
    tpu.wait_indirect_dma semaphore(%arg16 : memref<!tpu.dma_semaphore, #tpu.memory_space<semaphore_mem>>) src(%dma_wait3A_1472 : memref<100001xf32, #tpu.memory_space<hbm>>) dst(%dma_wait3A_1467 : memref<128xf32, #tpu.memory_space<vmem>>)
    %dma_wait3A_1473 = arith.constant 1 : i32
    %dma_wait3A_1474 = arith.constant 1 : i32
    %dma_wait3A_1475 = arith.constant 0 : i32
    %dma_wait3A_1476 = tpu.memref_slice %arg14[%dma_wait3A_1474, %dma_wait3A_1475] : memref<4x128xf32, #tpu.memory_space<vmem>> -> memref<1x128xf32, #tpu.memory_space<vmem>>
    %dma_wait3A_1477 = tpu.memref_squeeze %dma_wait3A_1476 : memref<1x128xf32, #tpu.memory_space<vmem>> -> memref<128xf32, #tpu.memory_space<vmem>>
    %dma_wait3A_1478 = arith.constant 0 : i32
    %dma_wait3A_1479 = tpu.memref_slice %arg11[%dma_wait3A_1473, %dma_wait3A_1478] : memref<4x128xi32, #tpu.memory_space<vmem>> -> memref<1x128xi32, #tpu.memory_space<vmem>>
    %dma_wait3A_1480 = tpu.memref_squeeze %dma_wait3A_1479 : memref<1x128xi32, #tpu.memory_space<vmem>> -> memref<128xi32, #tpu.memory_space<vmem>>
    %dma_wait3A_1481 = arith.constant 0 : i32
    %dma_wait3A_1482 = tpu.memref_slice %arg7[%dma_wait3A_1481] : memref<100001xf32, #tpu.memory_space<hbm>> -> memref<100001xf32, #tpu.memory_space<hbm>>
    tpu.wait_indirect_dma semaphore(%arg16 : memref<!tpu.dma_semaphore, #tpu.memory_space<semaphore_mem>>) src(%dma_wait3A_1482 : memref<100001xf32, #tpu.memory_space<hbm>>) dst(%dma_wait3A_1477 : memref<128xf32, #tpu.memory_space<vmem>>)
    %dma_wait3A_1483 = arith.constant 2 : i32
    %dma_wait3A_1484 = arith.constant 2 : i32
    %dma_wait3A_1485 = arith.constant 0 : i32
    %dma_wait3A_1486 = tpu.memref_slice %arg14[%dma_wait3A_1484, %dma_wait3A_1485] : memref<4x128xf32, #tpu.memory_space<vmem>> -> memref<1x128xf32, #tpu.memory_space<vmem>>
    %dma_wait3A_1487 = tpu.memref_squeeze %dma_wait3A_1486 : memref<1x128xf32, #tpu.memory_space<vmem>> -> memref<128xf32, #tpu.memory_space<vmem>>
    %dma_wait3A_1488 = arith.constant 0 : i32
    %dma_wait3A_1489 = tpu.memref_slice %arg11[%dma_wait3A_1483, %dma_wait3A_1488] : memref<4x128xi32, #tpu.memory_space<vmem>> -> memref<1x128xi32, #tpu.memory_space<vmem>>
    %dma_wait3A_1490 = tpu.memref_squeeze %dma_wait3A_1489 : memref<1x128xi32, #tpu.memory_space<vmem>> -> memref<128xi32, #tpu.memory_space<vmem>>
    %dma_wait3A_1491 = arith.constant 0 : i32
    %dma_wait3A_1492 = tpu.memref_slice %arg7[%dma_wait3A_1491] : memref<100001xf32, #tpu.memory_space<hbm>> -> memref<100001xf32, #tpu.memory_space<hbm>>
    tpu.wait_indirect_dma semaphore(%arg16 : memref<!tpu.dma_semaphore, #tpu.memory_space<semaphore_mem>>) src(%dma_wait3A_1492 : memref<100001xf32, #tpu.memory_space<hbm>>) dst(%dma_wait3A_1487 : memref<128xf32, #tpu.memory_space<vmem>>)
    %dma_wait3A_1493 = arith.constant 3 : i32
    %dma_wait3A_1494 = arith.constant 3 : i32
    %dma_wait3A_1495 = arith.constant 0 : i32
    %dma_wait3A_1496 = tpu.memref_slice %arg14[%dma_wait3A_1494, %dma_wait3A_1495] : memref<4x128xf32, #tpu.memory_space<vmem>> -> memref<1x128xf32, #tpu.memory_space<vmem>>
    %dma_wait3A_1497 = tpu.memref_squeeze %dma_wait3A_1496 : memref<1x128xf32, #tpu.memory_space<vmem>> -> memref<128xf32, #tpu.memory_space<vmem>>
    %dma_wait3A_1498 = arith.constant 0 : i32
    %dma_wait3A_1499 = tpu.memref_slice %arg11[%dma_wait3A_1493, %dma_wait3A_1498] : memref<4x128xi32, #tpu.memory_space<vmem>> -> memref<1x128xi32, #tpu.memory_space<vmem>>
    %dma_wait3A_1500 = tpu.memref_squeeze %dma_wait3A_1499 : memref<1x128xi32, #tpu.memory_space<vmem>> -> memref<128xi32, #tpu.memory_space<vmem>>
    %dma_wait3A_1501 = arith.constant 0 : i32
    %dma_wait3A_1502 = tpu.memref_slice %arg7[%dma_wait3A_1501] : memref<100001xf32, #tpu.memory_space<hbm>> -> memref<100001xf32, #tpu.memory_space<hbm>>
    tpu.wait_indirect_dma semaphore(%arg16 : memref<!tpu.dma_semaphore, #tpu.memory_space<semaphore_mem>>) src(%dma_wait3A_1502 : memref<100001xf32, #tpu.memory_space<hbm>>) dst(%dma_wait3A_1497 : memref<128xf32, #tpu.memory_space<vmem>>)
    %dma_wait3A_1503 = arith.constant 0 : i32
    %dma_wait3A_1504 = arith.constant 0 : i32
    %dma_wait3A_1505 = arith.constant 0 : i32
    %dma_wait3A_1506 = tpu.memref_slice %arg13[%dma_wait3A_1503, %dma_wait3A_1504, %dma_wait3A_1505] : memref<4x128x128xf32, #tpu.memory_space<vmem>> -> memref<1x128x128xf32, #tpu.memory_space<vmem>>
    %dma_wait3A_1507 = tpu.memref_squeeze %dma_wait3A_1506 : memref<1x128x128xf32, #tpu.memory_space<vmem>> -> memref<128x128xf32, #tpu.memory_space<vmem>>
    %dma_wait3A_1508 = arith.constant 0 : i32
    %dma_wait3A_1509 = tpu.memref_slice %arg9[%add3A_1368, %dma_wait3A_1508] : memref<16384x128xf32, #tpu.memory_space<hbm>> -> memref<128x128xf32, #tpu.memory_space<hbm>>
    %dma_wait3A_1510 = arith.constant 0 : i32
    %dma_wait3A_1511 = tpu.memref_slice %arg9[%add3A_1368, %dma_wait3A_1510] : memref<16384x128xf32, #tpu.memory_space<hbm>> -> memref<128x128xf32, #tpu.memory_space<hbm>>
    %dma_wait3A_1512 = arith.constant 0 : i32
    %dma_wait3A_1513 = arith.constant 0 : i32
    %dma_wait3A_1514 = tpu.memref_slice %arg13[%dma_wait3A_1503, %dma_wait3A_1512, %dma_wait3A_1513] : memref<4x128x128xf32, #tpu.memory_space<vmem>> -> memref<1x128x128xf32, #tpu.memory_space<vmem>>
    %dma_wait3A_1515 = tpu.memref_squeeze %dma_wait3A_1514 : memref<1x128x128xf32, #tpu.memory_space<vmem>> -> memref<128x128xf32, #tpu.memory_space<vmem>>
    tpu.wait_dma2 semaphore(%arg17 : memref<!tpu.dma_semaphore, #tpu.memory_space<semaphore_mem>>) src(%dma_wait3A_1515 : memref<128x128xf32, #tpu.memory_space<vmem>>) dst(%dma_wait3A_1511 : memref<128x128xf32, #tpu.memory_space<hbm>>)
    %dma_wait3A_1516 = arith.constant 1 : i32
    %dma_wait3A_1517 = arith.constant 0 : i32
    %dma_wait3A_1518 = arith.constant 0 : i32
    %dma_wait3A_1519 = tpu.memref_slice %arg13[%dma_wait3A_1516, %dma_wait3A_1517, %dma_wait3A_1518] : memref<4x128x128xf32, #tpu.memory_space<vmem>> -> memref<1x128x128xf32, #tpu.memory_space<vmem>>
    %dma_wait3A_1520 = tpu.memref_squeeze %dma_wait3A_1519 : memref<1x128x128xf32, #tpu.memory_space<vmem>> -> memref<128x128xf32, #tpu.memory_space<vmem>>
    %dma_wait3A_1521 = arith.constant 0 : i32
    %dma_wait3A_1522 = tpu.memref_slice %arg9[%add3A_1395, %dma_wait3A_1521] : memref<16384x128xf32, #tpu.memory_space<hbm>> -> memref<128x128xf32, #tpu.memory_space<hbm>>
    %dma_wait3A_1523 = arith.constant 0 : i32
    %dma_wait3A_1524 = tpu.memref_slice %arg9[%add3A_1395, %dma_wait3A_1523] : memref<16384x128xf32, #tpu.memory_space<hbm>> -> memref<128x128xf32, #tpu.memory_space<hbm>>
    %dma_wait3A_1525 = arith.constant 0 : i32
    %dma_wait3A_1526 = arith.constant 0 : i32
    %dma_wait3A_1527 = tpu.memref_slice %arg13[%dma_wait3A_1516, %dma_wait3A_1525, %dma_wait3A_1526] : memref<4x128x128xf32, #tpu.memory_space<vmem>> -> memref<1x128x128xf32, #tpu.memory_space<vmem>>
    %dma_wait3A_1528 = tpu.memref_squeeze %dma_wait3A_1527 : memref<1x128x128xf32, #tpu.memory_space<vmem>> -> memref<128x128xf32, #tpu.memory_space<vmem>>
    tpu.wait_dma2 semaphore(%arg17 : memref<!tpu.dma_semaphore, #tpu.memory_space<semaphore_mem>>) src(%dma_wait3A_1528 : memref<128x128xf32, #tpu.memory_space<vmem>>) dst(%dma_wait3A_1524 : memref<128x128xf32, #tpu.memory_space<hbm>>)
    %dma_wait3A_1529 = arith.constant 2 : i32
    %dma_wait3A_1530 = arith.constant 0 : i32
    %dma_wait3A_1531 = arith.constant 0 : i32
    %dma_wait3A_1532 = tpu.memref_slice %arg13[%dma_wait3A_1529, %dma_wait3A_1530, %dma_wait3A_1531] : memref<4x128x128xf32, #tpu.memory_space<vmem>> -> memref<1x128x128xf32, #tpu.memory_space<vmem>>
    %dma_wait3A_1533 = tpu.memref_squeeze %dma_wait3A_1532 : memref<1x128x128xf32, #tpu.memory_space<vmem>> -> memref<128x128xf32, #tpu.memory_space<vmem>>
    %dma_wait3A_1534 = arith.constant 0 : i32
    %dma_wait3A_1535 = tpu.memref_slice %arg9[%add3A_1422, %dma_wait3A_1534] : memref<16384x128xf32, #tpu.memory_space<hbm>> -> memref<128x128xf32, #tpu.memory_space<hbm>>
    %dma_wait3A_1536 = arith.constant 0 : i32
    %dma_wait3A_1537 = tpu.memref_slice %arg9[%add3A_1422, %dma_wait3A_1536] : memref<16384x128xf32, #tpu.memory_space<hbm>> -> memref<128x128xf32, #tpu.memory_space<hbm>>
    %dma_wait3A_1538 = arith.constant 0 : i32
    %dma_wait3A_1539 = arith.constant 0 : i32
    %dma_wait3A_1540 = tpu.memref_slice %arg13[%dma_wait3A_1529, %dma_wait3A_1538, %dma_wait3A_1539] : memref<4x128x128xf32, #tpu.memory_space<vmem>> -> memref<1x128x128xf32, #tpu.memory_space<vmem>>
    %dma_wait3A_1541 = tpu.memref_squeeze %dma_wait3A_1540 : memref<1x128x128xf32, #tpu.memory_space<vmem>> -> memref<128x128xf32, #tpu.memory_space<vmem>>
    tpu.wait_dma2 semaphore(%arg17 : memref<!tpu.dma_semaphore, #tpu.memory_space<semaphore_mem>>) src(%dma_wait3A_1541 : memref<128x128xf32, #tpu.memory_space<vmem>>) dst(%dma_wait3A_1537 : memref<128x128xf32, #tpu.memory_space<hbm>>)
    %dma_wait3A_1542 = arith.constant 3 : i32
    %dma_wait3A_1543 = arith.constant 0 : i32
    %dma_wait3A_1544 = arith.constant 0 : i32
    %dma_wait3A_1545 = tpu.memref_slice %arg13[%dma_wait3A_1542, %dma_wait3A_1543, %dma_wait3A_1544] : memref<4x128x128xf32, #tpu.memory_space<vmem>> -> memref<1x128x128xf32, #tpu.memory_space<vmem>>
    %dma_wait3A_1546 = tpu.memref_squeeze %dma_wait3A_1545 : memref<1x128x128xf32, #tpu.memory_space<vmem>> -> memref<128x128xf32, #tpu.memory_space<vmem>>
    %dma_wait3A_1547 = arith.constant 0 : i32
    %dma_wait3A_1548 = tpu.memref_slice %arg9[%add3A_1449, %dma_wait3A_1547] : memref<16384x128xf32, #tpu.memory_space<hbm>> -> memref<128x128xf32, #tpu.memory_space<hbm>>
    %dma_wait3A_1549 = arith.constant 0 : i32
    %dma_wait3A_1550 = tpu.memref_slice %arg9[%add3A_1449, %dma_wait3A_1549] : memref<16384x128xf32, #tpu.memory_space<hbm>> -> memref<128x128xf32, #tpu.memory_space<hbm>>
    %dma_wait3A_1551 = arith.constant 0 : i32
    %dma_wait3A_1552 = arith.constant 0 : i32
    %dma_wait3A_1553 = tpu.memref_slice %arg13[%dma_wait3A_1542, %dma_wait3A_1551, %dma_wait3A_1552] : memref<4x128x128xf32, #tpu.memory_space<vmem>> -> memref<1x128x128xf32, #tpu.memory_space<vmem>>
    %dma_wait3A_1554 = tpu.memref_squeeze %dma_wait3A_1553 : memref<1x128x128xf32, #tpu.memory_space<vmem>> -> memref<128x128xf32, #tpu.memory_space<vmem>>
    tpu.wait_dma2 semaphore(%arg17 : memref<!tpu.dma_semaphore, #tpu.memory_space<semaphore_mem>>) src(%dma_wait3A_1554 : memref<128x128xf32, #tpu.memory_space<vmem>>) dst(%dma_wait3A_1550 : memref<128x128xf32, #tpu.memory_space<hbm>>)
    %get3A_1555 = arith.constant 0 : i32
    %get3A_1556 = arith.index_cast %get3A_1555 : i32 to index
    %get3A_1557 = arith.constant 0 : index
    %get3A_1558 = tpu.vector_load %arg14[%get3A_1556, %get3A_1557] {strides = array<i32>} : memref<4x128xf32, #tpu.memory_space<vmem>>, vector<16xf32>,
    %get3A_1559 = arith.constant 0 : i32
    %get3A_1560 = arith.index_cast %get3A_1559 : i32 to index
    %get3A_1561 = arith.constant 0 : index
    %get3A_1562 = tpu.vector_load %arg15[%get3A_1560, %get3A_1561] {strides = array<i32>} : memref<4x128xf32, #tpu.memory_space<vmem>>, vector<16xf32>,
    %add3A_1563 = arith.addf %get3A_1558, %get3A_1562 : vector<16xf32>
    %swap3A_1564 = arith.constant 0 : i32
    %swap3A_1565 = arith.index_cast %swap3A_1564 : i32 to index
    %swap3A_1566 = arith.constant 0 : index
    %swap3A_1567 = tpu.vector_load %arg14[%swap3A_1565, %swap3A_1566] {strides = array<i32>} : memref<4x128xf32, #tpu.memory_space<vmem>>, vector<16xf32>,
    tpu.vector_store %arg14[%swap3A_1565, %swap3A_1566], %add3A_1563 {strides = array<i32>} : memref<4x128xf32, #tpu.memory_space<vmem>>, vector<16xf32>,
    %get3A_1568 = arith.constant 0 : i32
    %get3A_1569 = arith.index_cast %get3A_1568 : i32 to index
    %get3A_1570 = arith.constant 16 : index
    %get3A_1571 = tpu.vector_load %arg14[%get3A_1569, %get3A_1570] {strides = array<i32>} : memref<4x128xf32, #tpu.memory_space<vmem>>, vector<16xf32>,
    %get3A_1572 = arith.constant 0 : i32
    %get3A_1573 = arith.index_cast %get3A_1572 : i32 to index
    %get3A_1574 = arith.constant 16 : index
    %get3A_1575 = tpu.vector_load %arg15[%get3A_1573, %get3A_1574] {strides = array<i32>} : memref<4x128xf32, #tpu.memory_space<vmem>>, vector<16xf32>,
    %add3A_1576 = arith.addf %get3A_1571, %get3A_1575 : vector<16xf32>
    %swap3A_1577 = arith.constant 0 : i32
    %swap3A_1578 = arith.index_cast %swap3A_1577 : i32 to index
    %swap3A_1579 = arith.constant 16 : index
    %swap3A_1580 = tpu.vector_load %arg14[%swap3A_1578, %swap3A_1579] {strides = array<i32>} : memref<4x128xf32, #tpu.memory_space<vmem>>, vector<16xf32>,
    tpu.vector_store %arg14[%swap3A_1578, %swap3A_1579], %add3A_1576 {strides = array<i32>} : memref<4x128xf32, #tpu.memory_space<vmem>>, vector<16xf32>,
    %get3A_1581 = arith.constant 0 : i32
    %get3A_1582 = arith.index_cast %get3A_1581 : i32 to index
    %get3A_1583 = arith.constant 32 : index
    %get3A_1584 = tpu.vector_load %arg14[%get3A_1582, %get3A_1583] {strides = array<i32>} : memref<4x128xf32, #tpu.memory_space<vmem>>, vector<16xf32>,
    %get3A_1585 = arith.constant 0 : i32
    %get3A_1586 = arith.index_cast %get3A_1585 : i32 to index
    %get3A_1587 = arith.constant 32 : index
    %get3A_1588 = tpu.vector_load %arg15[%get3A_1586, %get3A_1587] {strides = array<i32>} : memref<4x128xf32, #tpu.memory_space<vmem>>, vector<16xf32>,
    %add3A_1589 = arith.addf %get3A_1584, %get3A_1588 : vector<16xf32>
    %swap3A_1590 = arith.constant 0 : i32
    %swap3A_1591 = arith.index_cast %swap3A_1590 : i32 to index
    %swap3A_1592 = arith.constant 32 : index
    %swap3A_1593 = tpu.vector_load %arg14[%swap3A_1591, %swap3A_1592] {strides = array<i32>} : memref<4x128xf32, #tpu.memory_space<vmem>>, vector<16xf32>,
    tpu.vector_store %arg14[%swap3A_1591, %swap3A_1592], %add3A_1589 {strides = array<i32>} : memref<4x128xf32, #tpu.memory_space<vmem>>, vector<16xf32>,
    %get3A_1594 = arith.constant 0 : i32
    %get3A_1595 = arith.index_cast %get3A_1594 : i32 to index
    %get3A_1596 = arith.constant 48 : index
    %get3A_1597 = tpu.vector_load %arg14[%get3A_1595, %get3A_1596] {strides = array<i32>} : memref<4x128xf32, #tpu.memory_space<vmem>>, vector<16xf32>,
    %get3A_1598 = arith.constant 0 : i32
    %get3A_1599 = arith.index_cast %get3A_1598 : i32 to index
    %get3A_1600 = arith.constant 48 : index
    %get3A_1601 = tpu.vector_load %arg15[%get3A_1599, %get3A_1600] {strides = array<i32>} : memref<4x128xf32, #tpu.memory_space<vmem>>, vector<16xf32>,
    %add3A_1602 = arith.addf %get3A_1597, %get3A_1601 : vector<16xf32>
    %swap3A_1603 = arith.constant 0 : i32
    %swap3A_1604 = arith.index_cast %swap3A_1603 : i32 to index
    %swap3A_1605 = arith.constant 48 : index
    %swap3A_1606 = tpu.vector_load %arg14[%swap3A_1604, %swap3A_1605] {strides = array<i32>} : memref<4x128xf32, #tpu.memory_space<vmem>>, vector<16xf32>,
    tpu.vector_store %arg14[%swap3A_1604, %swap3A_1605], %add3A_1602 {strides = array<i32>} : memref<4x128xf32, #tpu.memory_space<vmem>>, vector<16xf32>,
    %get3A_1607 = arith.constant 0 : i32
    %get3A_1608 = arith.index_cast %get3A_1607 : i32 to index
    %get3A_1609 = arith.constant 64 : index
    %get3A_1610 = tpu.vector_load %arg14[%get3A_1608, %get3A_1609] {strides = array<i32>} : memref<4x128xf32, #tpu.memory_space<vmem>>, vector<16xf32>,
    %get3A_1611 = arith.constant 0 : i32
    %get3A_1612 = arith.index_cast %get3A_1611 : i32 to index
    %get3A_1613 = arith.constant 64 : index
    %get3A_1614 = tpu.vector_load %arg15[%get3A_1612, %get3A_1613] {strides = array<i32>} : memref<4x128xf32, #tpu.memory_space<vmem>>, vector<16xf32>,
    %add3A_1615 = arith.addf %get3A_1610, %get3A_1614 : vector<16xf32>
    %swap3A_1616 = arith.constant 0 : i32
    %swap3A_1617 = arith.index_cast %swap3A_1616 : i32 to index
    %swap3A_1618 = arith.constant 64 : index
    %swap3A_1619 = tpu.vector_load %arg14[%swap3A_1617, %swap3A_1618] {strides = array<i32>} : memref<4x128xf32, #tpu.memory_space<vmem>>, vector<16xf32>,
    tpu.vector_store %arg14[%swap3A_1617, %swap3A_1618], %add3A_1615 {strides = array<i32>} : memref<4x128xf32, #tpu.memory_space<vmem>>, vector<16xf32>,
    %get3A_1620 = arith.constant 0 : i32
    %get3A_1621 = arith.index_cast %get3A_1620 : i32 to index
    %get3A_1622 = arith.constant 80 : index
    %get3A_1623 = tpu.vector_load %arg14[%get3A_1621, %get3A_1622] {strides = array<i32>} : memref<4x128xf32, #tpu.memory_space<vmem>>, vector<16xf32>,
    %get3A_1624 = arith.constant 0 : i32
    %get3A_1625 = arith.index_cast %get3A_1624 : i32 to index
    %get3A_1626 = arith.constant 80 : index
    %get3A_1627 = tpu.vector_load %arg15[%get3A_1625, %get3A_1626] {strides = array<i32>} : memref<4x128xf32, #tpu.memory_space<vmem>>, vector<16xf32>,
    %add3A_1628 = arith.addf %get3A_1623, %get3A_1627 : vector<16xf32>
    %swap3A_1629 = arith.constant 0 : i32
    %swap3A_1630 = arith.index_cast %swap3A_1629 : i32 to index
    %swap3A_1631 = arith.constant 80 : index
    %swap3A_1632 = tpu.vector_load %arg14[%swap3A_1630, %swap3A_1631] {strides = array<i32>} : memref<4x128xf32, #tpu.memory_space<vmem>>, vector<16xf32>,
    tpu.vector_store %arg14[%swap3A_1630, %swap3A_1631], %add3A_1628 {strides = array<i32>} : memref<4x128xf32, #tpu.memory_space<vmem>>, vector<16xf32>,
    %get3A_1633 = arith.constant 0 : i32
    %get3A_1634 = arith.index_cast %get3A_1633 : i32 to index
    %get3A_1635 = arith.constant 96 : index
    %get3A_1636 = tpu.vector_load %arg14[%get3A_1634, %get3A_1635] {strides = array<i32>} : memref<4x128xf32, #tpu.memory_space<vmem>>, vector<16xf32>,
    %get3A_1637 = arith.constant 0 : i32
    %get3A_1638 = arith.index_cast %get3A_1637 : i32 to index
    %get3A_1639 = arith.constant 96 : index
    %get3A_1640 = tpu.vector_load %arg15[%get3A_1638, %get3A_1639] {strides = array<i32>} : memref<4x128xf32, #tpu.memory_space<vmem>>, vector<16xf32>,
    %add3A_1641 = arith.addf %get3A_1636, %get3A_1640 : vector<16xf32>
    %swap3A_1642 = arith.constant 0 : i32
    %swap3A_1643 = arith.index_cast %swap3A_1642 : i32 to index
    %swap3A_1644 = arith.constant 96 : index
    %swap3A_1645 = tpu.vector_load %arg14[%swap3A_1643, %swap3A_1644] {strides = array<i32>} : memref<4x128xf32, #tpu.memory_space<vmem>>, vector<16xf32>,
    tpu.vector_store %arg14[%swap3A_1643, %swap3A_1644], %add3A_1641 {strides = array<i32>} : memref<4x128xf32, #tpu.memory_space<vmem>>, vector<16xf32>,
    %get3A_1646 = arith.constant 0 : i32
    %get3A_1647 = arith.index_cast %get3A_1646 : i32 to index
    %get3A_1648 = arith.constant 112 : index
    %get3A_1649 = tpu.vector_load %arg14[%get3A_1647, %get3A_1648] {strides = array<i32>} : memref<4x128xf32, #tpu.memory_space<vmem>>, vector<16xf32>,
    %get3A_1650 = arith.constant 0 : i32
    %get3A_1651 = arith.index_cast %get3A_1650 : i32 to index
    %get3A_1652 = arith.constant 112 : index
    %get3A_1653 = tpu.vector_load %arg15[%get3A_1651, %get3A_1652] {strides = array<i32>} : memref<4x128xf32, #tpu.memory_space<vmem>>, vector<16xf32>,
    %add3A_1654 = arith.addf %get3A_1649, %get3A_1653 : vector<16xf32>
    %swap3A_1655 = arith.constant 0 : i32
    %swap3A_1656 = arith.index_cast %swap3A_1655 : i32 to index
    %swap3A_1657 = arith.constant 112 : index
    %swap3A_1658 = tpu.vector_load %arg14[%swap3A_1656, %swap3A_1657] {strides = array<i32>} : memref<4x128xf32, #tpu.memory_space<vmem>>, vector<16xf32>,
    tpu.vector_store %arg14[%swap3A_1656, %swap3A_1657], %add3A_1654 {strides = array<i32>} : memref<4x128xf32, #tpu.memory_space<vmem>>, vector<16xf32>,
    %get3A_1659 = arith.constant 1 : i32
    %get3A_1660 = arith.index_cast %get3A_1659 : i32 to index
    %get3A_1661 = arith.constant 0 : index
    %get3A_1662 = tpu.vector_load %arg14[%get3A_1660, %get3A_1661] {strides = array<i32>} : memref<4x128xf32, #tpu.memory_space<vmem>>, vector<16xf32>,
    %get3A_1663 = arith.constant 1 : i32
    %get3A_1664 = arith.index_cast %get3A_1663 : i32 to index
    %get3A_1665 = arith.constant 0 : index
    %get3A_1666 = tpu.vector_load %arg15[%get3A_1664, %get3A_1665] {strides = array<i32>} : memref<4x128xf32, #tpu.memory_space<vmem>>, vector<16xf32>,
    %add3A_1667 = arith.addf %get3A_1662, %get3A_1666 : vector<16xf32>
    %swap3A_1668 = arith.constant 1 : i32
    %swap3A_1669 = arith.index_cast %swap3A_1668 : i32 to index
    %swap3A_1670 = arith.constant 0 : index
    %swap3A_1671 = tpu.vector_load %arg14[%swap3A_1669, %swap3A_1670] {strides = array<i32>} : memref<4x128xf32, #tpu.memory_space<vmem>>, vector<16xf32>,
    tpu.vector_store %arg14[%swap3A_1669, %swap3A_1670], %add3A_1667 {strides = array<i32>} : memref<4x128xf32, #tpu.memory_space<vmem>>, vector<16xf32>,
    %get3A_1672 = arith.constant 1 : i32
    %get3A_1673 = arith.index_cast %get3A_1672 : i32 to index
    %get3A_1674 = arith.constant 16 : index
    %get3A_1675 = tpu.vector_load %arg14[%get3A_1673, %get3A_1674] {strides = array<i32>} : memref<4x128xf32, #tpu.memory_space<vmem>>, vector<16xf32>,
    %get3A_1676 = arith.constant 1 : i32
    %get3A_1677 = arith.index_cast %get3A_1676 : i32 to index
    %get3A_1678 = arith.constant 16 : index
    %get3A_1679 = tpu.vector_load %arg15[%get3A_1677, %get3A_1678] {strides = array<i32>} : memref<4x128xf32, #tpu.memory_space<vmem>>, vector<16xf32>,
    %add3A_1680 = arith.addf %get3A_1675, %get3A_1679 : vector<16xf32>
    %swap3A_1681 = arith.constant 1 : i32
    %swap3A_1682 = arith.index_cast %swap3A_1681 : i32 to index
    %swap3A_1683 = arith.constant 16 : index
    %swap3A_1684 = tpu.vector_load %arg14[%swap3A_1682, %swap3A_1683] {strides = array<i32>} : memref<4x128xf32, #tpu.memory_space<vmem>>, vector<16xf32>,
    tpu.vector_store %arg14[%swap3A_1682, %swap3A_1683], %add3A_1680 {strides = array<i32>} : memref<4x128xf32, #tpu.memory_space<vmem>>, vector<16xf32>,
    %get3A_1685 = arith.constant 1 : i32
    %get3A_1686 = arith.index_cast %get3A_1685 : i32 to index
    %get3A_1687 = arith.constant 32 : index
    %get3A_1688 = tpu.vector_load %arg14[%get3A_1686, %get3A_1687] {strides = array<i32>} : memref<4x128xf32, #tpu.memory_space<vmem>>, vector<16xf32>,
    %get3A_1689 = arith.constant 1 : i32
    %get3A_1690 = arith.index_cast %get3A_1689 : i32 to index
    %get3A_1691 = arith.constant 32 : index
    %get3A_1692 = tpu.vector_load %arg15[%get3A_1690, %get3A_1691] {strides = array<i32>} : memref<4x128xf32, #tpu.memory_space<vmem>>, vector<16xf32>,
    %add3A_1693 = arith.addf %get3A_1688, %get3A_1692 : vector<16xf32>
    %swap3A_1694 = arith.constant 1 : i32
    %swap3A_1695 = arith.index_cast %swap3A_1694 : i32 to index
    %swap3A_1696 = arith.constant 32 : index
    %swap3A_1697 = tpu.vector_load %arg14[%swap3A_1695, %swap3A_1696] {strides = array<i32>} : memref<4x128xf32, #tpu.memory_space<vmem>>, vector<16xf32>,
    tpu.vector_store %arg14[%swap3A_1695, %swap3A_1696], %add3A_1693 {strides = array<i32>} : memref<4x128xf32, #tpu.memory_space<vmem>>, vector<16xf32>,
    %get3A_1698 = arith.constant 1 : i32
    %get3A_1699 = arith.index_cast %get3A_1698 : i32 to index
    %get3A_1700 = arith.constant 48 : index
    %get3A_1701 = tpu.vector_load %arg14[%get3A_1699, %get3A_1700] {strides = array<i32>} : memref<4x128xf32, #tpu.memory_space<vmem>>, vector<16xf32>,
    %get3A_1702 = arith.constant 1 : i32
    %get3A_1703 = arith.index_cast %get3A_1702 : i32 to index
    %get3A_1704 = arith.constant 48 : index
    %get3A_1705 = tpu.vector_load %arg15[%get3A_1703, %get3A_1704] {strides = array<i32>} : memref<4x128xf32, #tpu.memory_space<vmem>>, vector<16xf32>,
    %add3A_1706 = arith.addf %get3A_1701, %get3A_1705 : vector<16xf32>
    %swap3A_1707 = arith.constant 1 : i32
    %swap3A_1708 = arith.index_cast %swap3A_1707 : i32 to index
    %swap3A_1709 = arith.constant 48 : index
    %swap3A_1710 = tpu.vector_load %arg14[%swap3A_1708, %swap3A_1709] {strides = array<i32>} : memref<4x128xf32, #tpu.memory_space<vmem>>, vector<16xf32>,
    tpu.vector_store %arg14[%swap3A_1708, %swap3A_1709], %add3A_1706 {strides = array<i32>} : memref<4x128xf32, #tpu.memory_space<vmem>>, vector<16xf32>,
    %get3A_1711 = arith.constant 1 : i32
    %get3A_1712 = arith.index_cast %get3A_1711 : i32 to index
    %get3A_1713 = arith.constant 64 : index
    %get3A_1714 = tpu.vector_load %arg14[%get3A_1712, %get3A_1713] {strides = array<i32>} : memref<4x128xf32, #tpu.memory_space<vmem>>, vector<16xf32>,
    %get3A_1715 = arith.constant 1 : i32
    %get3A_1716 = arith.index_cast %get3A_1715 : i32 to index
    %get3A_1717 = arith.constant 64 : index
    %get3A_1718 = tpu.vector_load %arg15[%get3A_1716, %get3A_1717] {strides = array<i32>} : memref<4x128xf32, #tpu.memory_space<vmem>>, vector<16xf32>,
    %add3A_1719 = arith.addf %get3A_1714, %get3A_1718 : vector<16xf32>
    %swap3A_1720 = arith.constant 1 : i32
    %swap3A_1721 = arith.index_cast %swap3A_1720 : i32 to index
    %swap3A_1722 = arith.constant 64 : index
    %swap3A_1723 = tpu.vector_load %arg14[%swap3A_1721, %swap3A_1722] {strides = array<i32>} : memref<4x128xf32, #tpu.memory_space<vmem>>, vector<16xf32>,
    tpu.vector_store %arg14[%swap3A_1721, %swap3A_1722], %add3A_1719 {strides = array<i32>} : memref<4x128xf32, #tpu.memory_space<vmem>>, vector<16xf32>,
    %get3A_1724 = arith.constant 1 : i32
    %get3A_1725 = arith.index_cast %get3A_1724 : i32 to index
    %get3A_1726 = arith.constant 80 : index
    %get3A_1727 = tpu.vector_load %arg14[%get3A_1725, %get3A_1726] {strides = array<i32>} : memref<4x128xf32, #tpu.memory_space<vmem>>, vector<16xf32>,
    %get3A_1728 = arith.constant 1 : i32
    %get3A_1729 = arith.index_cast %get3A_1728 : i32 to index
    %get3A_1730 = arith.constant 80 : index
    %get3A_1731 = tpu.vector_load %arg15[%get3A_1729, %get3A_1730] {strides = array<i32>} : memref<4x128xf32, #tpu.memory_space<vmem>>, vector<16xf32>,
    %add3A_1732 = arith.addf %get3A_1727, %get3A_1731 : vector<16xf32>
    %swap3A_1733 = arith.constant 1 : i32
    %swap3A_1734 = arith.index_cast %swap3A_1733 : i32 to index
    %swap3A_1735 = arith.constant 80 : index
    %swap3A_1736 = tpu.vector_load %arg14[%swap3A_1734, %swap3A_1735] {strides = array<i32>} : memref<4x128xf32, #tpu.memory_space<vmem>>, vector<16xf32>,
    tpu.vector_store %arg14[%swap3A_1734, %swap3A_1735], %add3A_1732 {strides = array<i32>} : memref<4x128xf32, #tpu.memory_space<vmem>>, vector<16xf32>,
    %get3A_1737 = arith.constant 1 : i32
    %get3A_1738 = arith.index_cast %get3A_1737 : i32 to index
    %get3A_1739 = arith.constant 96 : index
    %get3A_1740 = tpu.vector_load %arg14[%get3A_1738, %get3A_1739] {strides = array<i32>} : memref<4x128xf32, #tpu.memory_space<vmem>>, vector<16xf32>,
    %get3A_1741 = arith.constant 1 : i32
    %get3A_1742 = arith.index_cast %get3A_1741 : i32 to index
    %get3A_1743 = arith.constant 96 : index
    %get3A_1744 = tpu.vector_load %arg15[%get3A_1742, %get3A_1743] {strides = array<i32>} : memref<4x128xf32, #tpu.memory_space<vmem>>, vector<16xf32>,
    %add3A_1745 = arith.addf %get3A_1740, %get3A_1744 : vector<16xf32>
    %swap3A_1746 = arith.constant 1 : i32
    %swap3A_1747 = arith.index_cast %swap3A_1746 : i32 to index
    %swap3A_1748 = arith.constant 96 : index
    %swap3A_1749 = tpu.vector_load %arg14[%swap3A_1747, %swap3A_1748] {strides = array<i32>} : memref<4x128xf32, #tpu.memory_space<vmem>>, vector<16xf32>,
    tpu.vector_store %arg14[%swap3A_1747, %swap3A_1748], %add3A_1745 {strides = array<i32>} : memref<4x128xf32, #tpu.memory_space<vmem>>, vector<16xf32>,
    %get3A_1750 = arith.constant 1 : i32
    %get3A_1751 = arith.index_cast %get3A_1750 : i32 to index
    %get3A_1752 = arith.constant 112 : index
    %get3A_1753 = tpu.vector_load %arg14[%get3A_1751, %get3A_1752] {strides = array<i32>} : memref<4x128xf32, #tpu.memory_space<vmem>>, vector<16xf32>,
    %get3A_1754 = arith.constant 1 : i32
    %get3A_1755 = arith.index_cast %get3A_1754 : i32 to index
    %get3A_1756 = arith.constant 112 : index
    %get3A_1757 = tpu.vector_load %arg15[%get3A_1755, %get3A_1756] {strides = array<i32>} : memref<4x128xf32, #tpu.memory_space<vmem>>, vector<16xf32>,
    %add3A_1758 = arith.addf %get3A_1753, %get3A_1757 : vector<16xf32>
    %swap3A_1759 = arith.constant 1 : i32
    %swap3A_1760 = arith.index_cast %swap3A_1759 : i32 to index
    %swap3A_1761 = arith.constant 112 : index
    %swap3A_1762 = tpu.vector_load %arg14[%swap3A_1760, %swap3A_1761] {strides = array<i32>} : memref<4x128xf32, #tpu.memory_space<vmem>>, vector<16xf32>,
    tpu.vector_store %arg14[%swap3A_1760, %swap3A_1761], %add3A_1758 {strides = array<i32>} : memref<4x128xf32, #tpu.memory_space<vmem>>, vector<16xf32>,
    %get3A_1763 = arith.constant 2 : i32
    %get3A_1764 = arith.index_cast %get3A_1763 : i32 to index
    %get3A_1765 = arith.constant 0 : index
    %get3A_1766 = tpu.vector_load %arg14[%get3A_1764, %get3A_1765] {strides = array<i32>} : memref<4x128xf32, #tpu.memory_space<vmem>>, vector<16xf32>,
    %get3A_1767 = arith.constant 2 : i32
    %get3A_1768 = arith.index_cast %get3A_1767 : i32 to index
    %get3A_1769 = arith.constant 0 : index
    %get3A_1770 = tpu.vector_load %arg15[%get3A_1768, %get3A_1769] {strides = array<i32>} : memref<4x128xf32, #tpu.memory_space<vmem>>, vector<16xf32>,
    %add3A_1771 = arith.addf %get3A_1766, %get3A_1770 : vector<16xf32>
    %swap3A_1772 = arith.constant 2 : i32
    %swap3A_1773 = arith.index_cast %swap3A_1772 : i32 to index
    %swap3A_1774 = arith.constant 0 : index
    %swap3A_1775 = tpu.vector_load %arg14[%swap3A_1773, %swap3A_1774] {strides = array<i32>} : memref<4x128xf32, #tpu.memory_space<vmem>>, vector<16xf32>,
    tpu.vector_store %arg14[%swap3A_1773, %swap3A_1774], %add3A_1771 {strides = array<i32>} : memref<4x128xf32, #tpu.memory_space<vmem>>, vector<16xf32>,
    %get3A_1776 = arith.constant 2 : i32
    %get3A_1777 = arith.index_cast %get3A_1776 : i32 to index
    %get3A_1778 = arith.constant 16 : index
    %get3A_1779 = tpu.vector_load %arg14[%get3A_1777, %get3A_1778] {strides = array<i32>} : memref<4x128xf32, #tpu.memory_space<vmem>>, vector<16xf32>,
    %get3A_1780 = arith.constant 2 : i32
    %get3A_1781 = arith.index_cast %get3A_1780 : i32 to index
    %get3A_1782 = arith.constant 16 : index
    %get3A_1783 = tpu.vector_load %arg15[%get3A_1781, %get3A_1782] {strides = array<i32>} : memref<4x128xf32, #tpu.memory_space<vmem>>, vector<16xf32>,
    %add3A_1784 = arith.addf %get3A_1779, %get3A_1783 : vector<16xf32>
    %swap3A_1785 = arith.constant 2 : i32
    %swap3A_1786 = arith.index_cast %swap3A_1785 : i32 to index
    %swap3A_1787 = arith.constant 16 : index
    %swap3A_1788 = tpu.vector_load %arg14[%swap3A_1786, %swap3A_1787] {strides = array<i32>} : memref<4x128xf32, #tpu.memory_space<vmem>>, vector<16xf32>,
    tpu.vector_store %arg14[%swap3A_1786, %swap3A_1787], %add3A_1784 {strides = array<i32>} : memref<4x128xf32, #tpu.memory_space<vmem>>, vector<16xf32>,
    %get3A_1789 = arith.constant 2 : i32
    %get3A_1790 = arith.index_cast %get3A_1789 : i32 to index
    %get3A_1791 = arith.constant 32 : index
    %get3A_1792 = tpu.vector_load %arg14[%get3A_1790, %get3A_1791] {strides = array<i32>} : memref<4x128xf32, #tpu.memory_space<vmem>>, vector<16xf32>,
    %get3A_1793 = arith.constant 2 : i32
    %get3A_1794 = arith.index_cast %get3A_1793 : i32 to index
    %get3A_1795 = arith.constant 32 : index
    %get3A_1796 = tpu.vector_load %arg15[%get3A_1794, %get3A_1795] {strides = array<i32>} : memref<4x128xf32, #tpu.memory_space<vmem>>, vector<16xf32>,
    %add3A_1797 = arith.addf %get3A_1792, %get3A_1796 : vector<16xf32>
    %swap3A_1798 = arith.constant 2 : i32
    %swap3A_1799 = arith.index_cast %swap3A_1798 : i32 to index
    %swap3A_1800 = arith.constant 32 : index
    %swap3A_1801 = tpu.vector_load %arg14[%swap3A_1799, %swap3A_1800] {strides = array<i32>} : memref<4x128xf32, #tpu.memory_space<vmem>>, vector<16xf32>,
    tpu.vector_store %arg14[%swap3A_1799, %swap3A_1800], %add3A_1797 {strides = array<i32>} : memref<4x128xf32, #tpu.memory_space<vmem>>, vector<16xf32>,
    %get3A_1802 = arith.constant 2 : i32
    %get3A_1803 = arith.index_cast %get3A_1802 : i32 to index
    %get3A_1804 = arith.constant 48 : index
    %get3A_1805 = tpu.vector_load %arg14[%get3A_1803, %get3A_1804] {strides = array<i32>} : memref<4x128xf32, #tpu.memory_space<vmem>>, vector<16xf32>,
    %get3A_1806 = arith.constant 2 : i32
    %get3A_1807 = arith.index_cast %get3A_1806 : i32 to index
    %get3A_1808 = arith.constant 48 : index
    %get3A_1809 = tpu.vector_load %arg15[%get3A_1807, %get3A_1808] {strides = array<i32>} : memref<4x128xf32, #tpu.memory_space<vmem>>, vector<16xf32>,
    %add3A_1810 = arith.addf %get3A_1805, %get3A_1809 : vector<16xf32>
    %swap3A_1811 = arith.constant 2 : i32
    %swap3A_1812 = arith.index_cast %swap3A_1811 : i32 to index
    %swap3A_1813 = arith.constant 48 : index
    %swap3A_1814 = tpu.vector_load %arg14[%swap3A_1812, %swap3A_1813] {strides = array<i32>} : memref<4x128xf32, #tpu.memory_space<vmem>>, vector<16xf32>,
    tpu.vector_store %arg14[%swap3A_1812, %swap3A_1813], %add3A_1810 {strides = array<i32>} : memref<4x128xf32, #tpu.memory_space<vmem>>, vector<16xf32>,
    %get3A_1815 = arith.constant 2 : i32
    %get3A_1816 = arith.index_cast %get3A_1815 : i32 to index
    %get3A_1817 = arith.constant 64 : index
    %get3A_1818 = tpu.vector_load %arg14[%get3A_1816, %get3A_1817] {strides = array<i32>} : memref<4x128xf32, #tpu.memory_space<vmem>>, vector<16xf32>,
    %get3A_1819 = arith.constant 2 : i32
    %get3A_1820 = arith.index_cast %get3A_1819 : i32 to index
    %get3A_1821 = arith.constant 64 : index
    %get3A_1822 = tpu.vector_load %arg15[%get3A_1820, %get3A_1821] {strides = array<i32>} : memref<4x128xf32, #tpu.memory_space<vmem>>, vector<16xf32>,
    %add3A_1823 = arith.addf %get3A_1818, %get3A_1822 : vector<16xf32>
    %swap3A_1824 = arith.constant 2 : i32
    %swap3A_1825 = arith.index_cast %swap3A_1824 : i32 to index
    %swap3A_1826 = arith.constant 64 : index
    %swap3A_1827 = tpu.vector_load %arg14[%swap3A_1825, %swap3A_1826] {strides = array<i32>} : memref<4x128xf32, #tpu.memory_space<vmem>>, vector<16xf32>,
    tpu.vector_store %arg14[%swap3A_1825, %swap3A_1826], %add3A_1823 {strides = array<i32>} : memref<4x128xf32, #tpu.memory_space<vmem>>, vector<16xf32>,
    %get3A_1828 = arith.constant 2 : i32
    %get3A_1829 = arith.index_cast %get3A_1828 : i32 to index
    %get3A_1830 = arith.constant 80 : index
    %get3A_1831 = tpu.vector_load %arg14[%get3A_1829, %get3A_1830] {strides = array<i32>} : memref<4x128xf32, #tpu.memory_space<vmem>>, vector<16xf32>,
    %get3A_1832 = arith.constant 2 : i32
    %get3A_1833 = arith.index_cast %get3A_1832 : i32 to index
    %get3A_1834 = arith.constant 80 : index
    %get3A_1835 = tpu.vector_load %arg15[%get3A_1833, %get3A_1834] {strides = array<i32>} : memref<4x128xf32, #tpu.memory_space<vmem>>, vector<16xf32>,
    %add3A_1836 = arith.addf %get3A_1831, %get3A_1835 : vector<16xf32>
    %swap3A_1837 = arith.constant 2 : i32
    %swap3A_1838 = arith.index_cast %swap3A_1837 : i32 to index
    %swap3A_1839 = arith.constant 80 : index
    %swap3A_1840 = tpu.vector_load %arg14[%swap3A_1838, %swap3A_1839] {strides = array<i32>} : memref<4x128xf32, #tpu.memory_space<vmem>>, vector<16xf32>,
    tpu.vector_store %arg14[%swap3A_1838, %swap3A_1839], %add3A_1836 {strides = array<i32>} : memref<4x128xf32, #tpu.memory_space<vmem>>, vector<16xf32>,
    %get3A_1841 = arith.constant 2 : i32
    %get3A_1842 = arith.index_cast %get3A_1841 : i32 to index
    %get3A_1843 = arith.constant 96 : index
    %get3A_1844 = tpu.vector_load %arg14[%get3A_1842, %get3A_1843] {strides = array<i32>} : memref<4x128xf32, #tpu.memory_space<vmem>>, vector<16xf32>,
    %get3A_1845 = arith.constant 2 : i32
    %get3A_1846 = arith.index_cast %get3A_1845 : i32 to index
    %get3A_1847 = arith.constant 96 : index
    %get3A_1848 = tpu.vector_load %arg15[%get3A_1846, %get3A_1847] {strides = array<i32>} : memref<4x128xf32, #tpu.memory_space<vmem>>, vector<16xf32>,
    %add3A_1849 = arith.addf %get3A_1844, %get3A_1848 : vector<16xf32>
    %swap3A_1850 = arith.constant 2 : i32
    %swap3A_1851 = arith.index_cast %swap3A_1850 : i32 to index
    %swap3A_1852 = arith.constant 96 : index
    %swap3A_1853 = tpu.vector_load %arg14[%swap3A_1851, %swap3A_1852] {strides = array<i32>} : memref<4x128xf32, #tpu.memory_space<vmem>>, vector<16xf32>,
    tpu.vector_store %arg14[%swap3A_1851, %swap3A_1852], %add3A_1849 {strides = array<i32>} : memref<4x128xf32, #tpu.memory_space<vmem>>, vector<16xf32>,
    %get3A_1854 = arith.constant 2 : i32
    %get3A_1855 = arith.index_cast %get3A_1854 : i32 to index
    %get3A_1856 = arith.constant 112 : index
    %get3A_1857 = tpu.vector_load %arg14[%get3A_1855, %get3A_1856] {strides = array<i32>} : memref<4x128xf32, #tpu.memory_space<vmem>>, vector<16xf32>,
    %get3A_1858 = arith.constant 2 : i32
    %get3A_1859 = arith.index_cast %get3A_1858 : i32 to index
    %get3A_1860 = arith.constant 112 : index
    %get3A_1861 = tpu.vector_load %arg15[%get3A_1859, %get3A_1860] {strides = array<i32>} : memref<4x128xf32, #tpu.memory_space<vmem>>, vector<16xf32>,
    %add3A_1862 = arith.addf %get3A_1857, %get3A_1861 : vector<16xf32>
    %swap3A_1863 = arith.constant 2 : i32
    %swap3A_1864 = arith.index_cast %swap3A_1863 : i32 to index
    %swap3A_1865 = arith.constant 112 : index
    %swap3A_1866 = tpu.vector_load %arg14[%swap3A_1864, %swap3A_1865] {strides = array<i32>} : memref<4x128xf32, #tpu.memory_space<vmem>>, vector<16xf32>,
    tpu.vector_store %arg14[%swap3A_1864, %swap3A_1865], %add3A_1862 {strides = array<i32>} : memref<4x128xf32, #tpu.memory_space<vmem>>, vector<16xf32>,
    %get3A_1867 = arith.constant 3 : i32
    %get3A_1868 = arith.index_cast %get3A_1867 : i32 to index
    %get3A_1869 = arith.constant 0 : index
    %get3A_1870 = tpu.vector_load %arg14[%get3A_1868, %get3A_1869] {strides = array<i32>} : memref<4x128xf32, #tpu.memory_space<vmem>>, vector<16xf32>,
    %get3A_1871 = arith.constant 3 : i32
    %get3A_1872 = arith.index_cast %get3A_1871 : i32 to index
    %get3A_1873 = arith.constant 0 : index
    %get3A_1874 = tpu.vector_load %arg15[%get3A_1872, %get3A_1873] {strides = array<i32>} : memref<4x128xf32, #tpu.memory_space<vmem>>, vector<16xf32>,
    %add3A_1875 = arith.addf %get3A_1870, %get3A_1874 : vector<16xf32>
    %swap3A_1876 = arith.constant 3 : i32
    %swap3A_1877 = arith.index_cast %swap3A_1876 : i32 to index
    %swap3A_1878 = arith.constant 0 : index
    %swap3A_1879 = tpu.vector_load %arg14[%swap3A_1877, %swap3A_1878] {strides = array<i32>} : memref<4x128xf32, #tpu.memory_space<vmem>>, vector<16xf32>,
    tpu.vector_store %arg14[%swap3A_1877, %swap3A_1878], %add3A_1875 {strides = array<i32>} : memref<4x128xf32, #tpu.memory_space<vmem>>, vector<16xf32>,
    %get3A_1880 = arith.constant 3 : i32
    %get3A_1881 = arith.index_cast %get3A_1880 : i32 to index
    %get3A_1882 = arith.constant 16 : index
    %get3A_1883 = tpu.vector_load %arg14[%get3A_1881, %get3A_1882] {strides = array<i32>} : memref<4x128xf32, #tpu.memory_space<vmem>>, vector<16xf32>,
    %get3A_1884 = arith.constant 3 : i32
    %get3A_1885 = arith.index_cast %get3A_1884 : i32 to index
    %get3A_1886 = arith.constant 16 : index
    %get3A_1887 = tpu.vector_load %arg15[%get3A_1885, %get3A_1886] {strides = array<i32>} : memref<4x128xf32, #tpu.memory_space<vmem>>, vector<16xf32>,
    %add3A_1888 = arith.addf %get3A_1883, %get3A_1887 : vector<16xf32>
    %swap3A_1889 = arith.constant 3 : i32
    %swap3A_1890 = arith.index_cast %swap3A_1889 : i32 to index
    %swap3A_1891 = arith.constant 16 : index
    %swap3A_1892 = tpu.vector_load %arg14[%swap3A_1890, %swap3A_1891] {strides = array<i32>} : memref<4x128xf32, #tpu.memory_space<vmem>>, vector<16xf32>,
    tpu.vector_store %arg14[%swap3A_1890, %swap3A_1891], %add3A_1888 {strides = array<i32>} : memref<4x128xf32, #tpu.memory_space<vmem>>, vector<16xf32>,
    %get3A_1893 = arith.constant 3 : i32
    %get3A_1894 = arith.index_cast %get3A_1893 : i32 to index
    %get3A_1895 = arith.constant 32 : index
    %get3A_1896 = tpu.vector_load %arg14[%get3A_1894, %get3A_1895] {strides = array<i32>} : memref<4x128xf32, #tpu.memory_space<vmem>>, vector<16xf32>,
    %get3A_1897 = arith.constant 3 : i32
    %get3A_1898 = arith.index_cast %get3A_1897 : i32 to index
    %get3A_1899 = arith.constant 32 : index
    %get3A_1900 = tpu.vector_load %arg15[%get3A_1898, %get3A_1899] {strides = array<i32>} : memref<4x128xf32, #tpu.memory_space<vmem>>, vector<16xf32>,
    %add3A_1901 = arith.addf %get3A_1896, %get3A_1900 : vector<16xf32>
    %swap3A_1902 = arith.constant 3 : i32
    %swap3A_1903 = arith.index_cast %swap3A_1902 : i32 to index
    %swap3A_1904 = arith.constant 32 : index
    %swap3A_1905 = tpu.vector_load %arg14[%swap3A_1903, %swap3A_1904] {strides = array<i32>} : memref<4x128xf32, #tpu.memory_space<vmem>>, vector<16xf32>,
    tpu.vector_store %arg14[%swap3A_1903, %swap3A_1904], %add3A_1901 {strides = array<i32>} : memref<4x128xf32, #tpu.memory_space<vmem>>, vector<16xf32>,
    %get3A_1906 = arith.constant 3 : i32
    %get3A_1907 = arith.index_cast %get3A_1906 : i32 to index
    %get3A_1908 = arith.constant 48 : index
    %get3A_1909 = tpu.vector_load %arg14[%get3A_1907, %get3A_1908] {strides = array<i32>} : memref<4x128xf32, #tpu.memory_space<vmem>>, vector<16xf32>,
    %get3A_1910 = arith.constant 3 : i32
    %get3A_1911 = arith.index_cast %get3A_1910 : i32 to index
    %get3A_1912 = arith.constant 48 : index
    %get3A_1913 = tpu.vector_load %arg15[%get3A_1911, %get3A_1912] {strides = array<i32>} : memref<4x128xf32, #tpu.memory_space<vmem>>, vector<16xf32>,
    %add3A_1914 = arith.addf %get3A_1909, %get3A_1913 : vector<16xf32>
    %swap3A_1915 = arith.constant 3 : i32
    %swap3A_1916 = arith.index_cast %swap3A_1915 : i32 to index
    %swap3A_1917 = arith.constant 48 : index
    %swap3A_1918 = tpu.vector_load %arg14[%swap3A_1916, %swap3A_1917] {strides = array<i32>} : memref<4x128xf32, #tpu.memory_space<vmem>>, vector<16xf32>,
    tpu.vector_store %arg14[%swap3A_1916, %swap3A_1917], %add3A_1914 {strides = array<i32>} : memref<4x128xf32, #tpu.memory_space<vmem>>, vector<16xf32>,
    %get3A_1919 = arith.constant 3 : i32
    %get3A_1920 = arith.index_cast %get3A_1919 : i32 to index
    %get3A_1921 = arith.constant 64 : index
    %get3A_1922 = tpu.vector_load %arg14[%get3A_1920, %get3A_1921] {strides = array<i32>} : memref<4x128xf32, #tpu.memory_space<vmem>>, vector<16xf32>,
    %get3A_1923 = arith.constant 3 : i32
    %get3A_1924 = arith.index_cast %get3A_1923 : i32 to index
    %get3A_1925 = arith.constant 64 : index
    %get3A_1926 = tpu.vector_load %arg15[%get3A_1924, %get3A_1925] {strides = array<i32>} : memref<4x128xf32, #tpu.memory_space<vmem>>, vector<16xf32>,
    %add3A_1927 = arith.addf %get3A_1922, %get3A_1926 : vector<16xf32>
    %swap3A_1928 = arith.constant 3 : i32
    %swap3A_1929 = arith.index_cast %swap3A_1928 : i32 to index
    %swap3A_1930 = arith.constant 64 : index
    %swap3A_1931 = tpu.vector_load %arg14[%swap3A_1929, %swap3A_1930] {strides = array<i32>} : memref<4x128xf32, #tpu.memory_space<vmem>>, vector<16xf32>,
    tpu.vector_store %arg14[%swap3A_1929, %swap3A_1930], %add3A_1927 {strides = array<i32>} : memref<4x128xf32, #tpu.memory_space<vmem>>, vector<16xf32>,
    %get3A_1932 = arith.constant 3 : i32
    %get3A_1933 = arith.index_cast %get3A_1932 : i32 to index
    %get3A_1934 = arith.constant 80 : index
    %get3A_1935 = tpu.vector_load %arg14[%get3A_1933, %get3A_1934] {strides = array<i32>} : memref<4x128xf32, #tpu.memory_space<vmem>>, vector<16xf32>,
    %get3A_1936 = arith.constant 3 : i32
    %get3A_1937 = arith.index_cast %get3A_1936 : i32 to index
    %get3A_1938 = arith.constant 80 : index
    %get3A_1939 = tpu.vector_load %arg15[%get3A_1937, %get3A_1938] {strides = array<i32>} : memref<4x128xf32, #tpu.memory_space<vmem>>, vector<16xf32>,
    %add3A_1940 = arith.addf %get3A_1935, %get3A_1939 : vector<16xf32>
    %swap3A_1941 = arith.constant 3 : i32
    %swap3A_1942 = arith.index_cast %swap3A_1941 : i32 to index
    %swap3A_1943 = arith.constant 80 : index
    %swap3A_1944 = tpu.vector_load %arg14[%swap3A_1942, %swap3A_1943] {strides = array<i32>} : memref<4x128xf32, #tpu.memory_space<vmem>>, vector<16xf32>,
    tpu.vector_store %arg14[%swap3A_1942, %swap3A_1943], %add3A_1940 {strides = array<i32>} : memref<4x128xf32, #tpu.memory_space<vmem>>, vector<16xf32>,
    %get3A_1945 = arith.constant 3 : i32
    %get3A_1946 = arith.index_cast %get3A_1945 : i32 to index
    %get3A_1947 = arith.constant 96 : index
    %get3A_1948 = tpu.vector_load %arg14[%get3A_1946, %get3A_1947] {strides = array<i32>} : memref<4x128xf32, #tpu.memory_space<vmem>>, vector<16xf32>,
    %get3A_1949 = arith.constant 3 : i32
    %get3A_1950 = arith.index_cast %get3A_1949 : i32 to index
    %get3A_1951 = arith.constant 96 : index
    %get3A_1952 = tpu.vector_load %arg15[%get3A_1950, %get3A_1951] {strides = array<i32>} : memref<4x128xf32, #tpu.memory_space<vmem>>, vector<16xf32>,
    %add3A_1953 = arith.addf %get3A_1948, %get3A_1952 : vector<16xf32>
    %swap3A_1954 = arith.constant 3 : i32
    %swap3A_1955 = arith.index_cast %swap3A_1954 : i32 to index
    %swap3A_1956 = arith.constant 96 : index
    %swap3A_1957 = tpu.vector_load %arg14[%swap3A_1955, %swap3A_1956] {strides = array<i32>} : memref<4x128xf32, #tpu.memory_space<vmem>>, vector<16xf32>,
    tpu.vector_store %arg14[%swap3A_1955, %swap3A_1956], %add3A_1953 {strides = array<i32>} : memref<4x128xf32, #tpu.memory_space<vmem>>, vector<16xf32>,
    %get3A_1958 = arith.constant 3 : i32
    %get3A_1959 = arith.index_cast %get3A_1958 : i32 to index
    %get3A_1960 = arith.constant 112 : index
    %get3A_1961 = tpu.vector_load %arg14[%get3A_1959, %get3A_1960] {strides = array<i32>} : memref<4x128xf32, #tpu.memory_space<vmem>>, vector<16xf32>,
    %get3A_1962 = arith.constant 3 : i32
    %get3A_1963 = arith.index_cast %get3A_1962 : i32 to index
    %get3A_1964 = arith.constant 112 : index
    %get3A_1965 = tpu.vector_load %arg15[%get3A_1963, %get3A_1964] {strides = array<i32>} : memref<4x128xf32, #tpu.memory_space<vmem>>, vector<16xf32>,
    %add3A_1966 = arith.addf %get3A_1961, %get3A_1965 : vector<16xf32>
    %swap3A_1967 = arith.constant 3 : i32
    %swap3A_1968 = arith.index_cast %swap3A_1967 : i32 to index
    %swap3A_1969 = arith.constant 112 : index
    %swap3A_1970 = tpu.vector_load %arg14[%swap3A_1968, %swap3A_1969] {strides = array<i32>} : memref<4x128xf32, #tpu.memory_space<vmem>>, vector<16xf32>,
    tpu.vector_store %arg14[%swap3A_1968, %swap3A_1969], %add3A_1966 {strides = array<i32>} : memref<4x128xf32, #tpu.memory_space<vmem>>, vector<16xf32>,
    %add3A_1971 = arith.constant 0 : i32
    %add3A_1972 = arith.addi %mul3A_2, %add3A_1971 : i32
    %run_scoped3A_1973 = arith.constant 0 : i32
    "tpu.region"() ({
      %run_scoped3A_1983 = tpu.sem_alloc : memref<!tpu.dma_semaphore, #tpu.memory_space<semaphore_mem>>
      %dma_start3A_1984 = arith.constant 0 : i32
      %dma_start3A_1985 = tpu.memref_slice %arg14[%run_scoped3A_1973, %dma_start3A_1984] : memref<4x128xf32, #tpu.memory_space<vmem>> -> memref<1x128xf32, #tpu.memory_space<vmem>>
      %dma_start3A_1986 = tpu.memref_squeeze %dma_start3A_1985 : memref<1x128xf32, #tpu.memory_space<vmem>> -> memref<128xf32, #tpu.memory_space<vmem>>
      %dma_start3A_1987 = tpu.memref_slice %arg10[%add3A_1972] : memref<16384xf32, #tpu.memory_space<hbm>> -> memref<128xf32, #tpu.memory_space<hbm>>
      %dma_start3A_1988 = tpu.memref_slice %arg10[%add3A_1972] : memref<16384xf32, #tpu.memory_space<hbm>> -> memref<128xf32, #tpu.memory_space<hbm>>
      %dma_start3A_1989 = arith.constant 0 : i32
      %dma_start3A_1990 = tpu.memref_slice %arg14[%run_scoped3A_1973, %dma_start3A_1989] : memref<4x128xf32, #tpu.memory_space<vmem>> -> memref<1x128xf32, #tpu.memory_space<vmem>>
      %dma_start3A_1991 = tpu.memref_squeeze %dma_start3A_1990 : memref<1x128xf32, #tpu.memory_space<vmem>> -> memref<128xf32, #tpu.memory_space<vmem>>
      tpu.enqueue_dma source(%dma_start3A_1991 : memref<128xf32, #tpu.memory_space<vmem>>) target(%dma_start3A_1988 : memref<128xf32, #tpu.memory_space<hbm>>) target_semaphore(%run_scoped3A_1983 : memref<!tpu.dma_semaphore, #tpu.memory_space<semaphore_mem>>)
      %dma_wait3A_1992 = arith.constant 0 : i32
      %dma_wait3A_1993 = tpu.memref_slice %arg14[%run_scoped3A_1973, %dma_wait3A_1992] : memref<4x128xf32, #tpu.memory_space<vmem>> -> memref<1x128xf32, #tpu.memory_space<vmem>>
      %dma_wait3A_1994 = tpu.memref_squeeze %dma_wait3A_1993 : memref<1x128xf32, #tpu.memory_space<vmem>> -> memref<128xf32, #tpu.memory_space<vmem>>
      %dma_wait3A_1995 = tpu.memref_slice %arg10[%add3A_1972] : memref<16384xf32, #tpu.memory_space<hbm>> -> memref<128xf32, #tpu.memory_space<hbm>>
      %dma_wait3A_1996 = tpu.memref_slice %arg10[%add3A_1972] : memref<16384xf32, #tpu.memory_space<hbm>> -> memref<128xf32, #tpu.memory_space<hbm>>
      %dma_wait3A_1997 = arith.constant 0 : i32
      %dma_wait3A_1998 = tpu.memref_slice %arg14[%run_scoped3A_1973, %dma_wait3A_1997] : memref<4x128xf32, #tpu.memory_space<vmem>> -> memref<1x128xf32, #tpu.memory_space<vmem>>
      %dma_wait3A_1999 = tpu.memref_squeeze %dma_wait3A_1998 : memref<1x128xf32, #tpu.memory_space<vmem>> -> memref<128xf32, #tpu.memory_space<vmem>>
      tpu.wait_dma2 semaphore(%run_scoped3A_1983 : memref<!tpu.dma_semaphore, #tpu.memory_space<semaphore_mem>>) src(%dma_wait3A_1999 : memref<128xf32, #tpu.memory_space<vmem>>) dst(%dma_wait3A_1996 : memref<128xf32, #tpu.memory_space<hbm>>)
      tpu.yield
    }) : () -> ()
    %add3A_1974 = arith.constant 128 : i32
    %add3A_1975 = arith.addi %mul3A_2, %add3A_1974 : i32
    %run_scoped3A_1976 = arith.constant 1 : i32
    "tpu.region"() ({
      %run_scoped3A_1983 = tpu.sem_alloc : memref<!tpu.dma_semaphore, #tpu.memory_space<semaphore_mem>>
      %dma_start3A_1984 = arith.constant 0 : i32
      %dma_start3A_1985 = tpu.memref_slice %arg14[%run_scoped3A_1976, %dma_start3A_1984] : memref<4x128xf32, #tpu.memory_space<vmem>> -> memref<1x128xf32, #tpu.memory_space<vmem>>
      %dma_start3A_1986 = tpu.memref_squeeze %dma_start3A_1985 : memref<1x128xf32, #tpu.memory_space<vmem>> -> memref<128xf32, #tpu.memory_space<vmem>>
      %dma_start3A_1987 = tpu.memref_slice %arg10[%add3A_1975] : memref<16384xf32, #tpu.memory_space<hbm>> -> memref<128xf32, #tpu.memory_space<hbm>>
      %dma_start3A_1988 = tpu.memref_slice %arg10[%add3A_1975] : memref<16384xf32, #tpu.memory_space<hbm>> -> memref<128xf32, #tpu.memory_space<hbm>>
      %dma_start3A_1989 = arith.constant 0 : i32
      %dma_start3A_1990 = tpu.memref_slice %arg14[%run_scoped3A_1976, %dma_start3A_1989] : memref<4x128xf32, #tpu.memory_space<vmem>> -> memref<1x128xf32, #tpu.memory_space<vmem>>
      %dma_start3A_1991 = tpu.memref_squeeze %dma_start3A_1990 : memref<1x128xf32, #tpu.memory_space<vmem>> -> memref<128xf32, #tpu.memory_space<vmem>>
      tpu.enqueue_dma source(%dma_start3A_1991 : memref<128xf32, #tpu.memory_space<vmem>>) target(%dma_start3A_1988 : memref<128xf32, #tpu.memory_space<hbm>>) target_semaphore(%run_scoped3A_1983 : memref<!tpu.dma_semaphore, #tpu.memory_space<semaphore_mem>>)
      %dma_wait3A_1992 = arith.constant 0 : i32
      %dma_wait3A_1993 = tpu.memref_slice %arg14[%run_scoped3A_1976, %dma_wait3A_1992] : memref<4x128xf32, #tpu.memory_space<vmem>> -> memref<1x128xf32, #tpu.memory_space<vmem>>
      %dma_wait3A_1994 = tpu.memref_squeeze %dma_wait3A_1993 : memref<1x128xf32, #tpu.memory_space<vmem>> -> memref<128xf32, #tpu.memory_space<vmem>>
      %dma_wait3A_1995 = tpu.memref_slice %arg10[%add3A_1975] : memref<16384xf32, #tpu.memory_space<hbm>> -> memref<128xf32, #tpu.memory_space<hbm>>
      %dma_wait3A_1996 = tpu.memref_slice %arg10[%add3A_1975] : memref<16384xf32, #tpu.memory_space<hbm>> -> memref<128xf32, #tpu.memory_space<hbm>>
      %dma_wait3A_1997 = arith.constant 0 : i32
      %dma_wait3A_1998 = tpu.memref_slice %arg14[%run_scoped3A_1976, %dma_wait3A_1997] : memref<4x128xf32, #tpu.memory_space<vmem>> -> memref<1x128xf32, #tpu.memory_space<vmem>>
      %dma_wait3A_1999 = tpu.memref_squeeze %dma_wait3A_1998 : memref<1x128xf32, #tpu.memory_space<vmem>> -> memref<128xf32, #tpu.memory_space<vmem>>
      tpu.wait_dma2 semaphore(%run_scoped3A_1983 : memref<!tpu.dma_semaphore, #tpu.memory_space<semaphore_mem>>) src(%dma_wait3A_1999 : memref<128xf32, #tpu.memory_space<vmem>>) dst(%dma_wait3A_1996 : memref<128xf32, #tpu.memory_space<hbm>>)
      tpu.yield
    }) : () -> ()
    %add3A_1977 = arith.constant 256 : i32
    %add3A_1978 = arith.addi %mul3A_2, %add3A_1977 : i32
    %run_scoped3A_1979 = arith.constant 2 : i32
    "tpu.region"() ({
      %run_scoped3A_1983 = tpu.sem_alloc : memref<!tpu.dma_semaphore, #tpu.memory_space<semaphore_mem>>
      %dma_start3A_1984 = arith.constant 0 : i32
      %dma_start3A_1985 = tpu.memref_slice %arg14[%run_scoped3A_1979, %dma_start3A_1984] : memref<4x128xf32, #tpu.memory_space<vmem>> -> memref<1x128xf32, #tpu.memory_space<vmem>>
      %dma_start3A_1986 = tpu.memref_squeeze %dma_start3A_1985 : memref<1x128xf32, #tpu.memory_space<vmem>> -> memref<128xf32, #tpu.memory_space<vmem>>
      %dma_start3A_1987 = tpu.memref_slice %arg10[%add3A_1978] : memref<16384xf32, #tpu.memory_space<hbm>> -> memref<128xf32, #tpu.memory_space<hbm>>
      %dma_start3A_1988 = tpu.memref_slice %arg10[%add3A_1978] : memref<16384xf32, #tpu.memory_space<hbm>> -> memref<128xf32, #tpu.memory_space<hbm>>
      %dma_start3A_1989 = arith.constant 0 : i32
      %dma_start3A_1990 = tpu.memref_slice %arg14[%run_scoped3A_1979, %dma_start3A_1989] : memref<4x128xf32, #tpu.memory_space<vmem>> -> memref<1x128xf32, #tpu.memory_space<vmem>>
      %dma_start3A_1991 = tpu.memref_squeeze %dma_start3A_1990 : memref<1x128xf32, #tpu.memory_space<vmem>> -> memref<128xf32, #tpu.memory_space<vmem>>
      tpu.enqueue_dma source(%dma_start3A_1991 : memref<128xf32, #tpu.memory_space<vmem>>) target(%dma_start3A_1988 : memref<128xf32, #tpu.memory_space<hbm>>) target_semaphore(%run_scoped3A_1983 : memref<!tpu.dma_semaphore, #tpu.memory_space<semaphore_mem>>)
      %dma_wait3A_1992 = arith.constant 0 : i32
      %dma_wait3A_1993 = tpu.memref_slice %arg14[%run_scoped3A_1979, %dma_wait3A_1992] : memref<4x128xf32, #tpu.memory_space<vmem>> -> memref<1x128xf32, #tpu.memory_space<vmem>>
      %dma_wait3A_1994 = tpu.memref_squeeze %dma_wait3A_1993 : memref<1x128xf32, #tpu.memory_space<vmem>> -> memref<128xf32, #tpu.memory_space<vmem>>
      %dma_wait3A_1995 = tpu.memref_slice %arg10[%add3A_1978] : memref<16384xf32, #tpu.memory_space<hbm>> -> memref<128xf32, #tpu.memory_space<hbm>>
      %dma_wait3A_1996 = tpu.memref_slice %arg10[%add3A_1978] : memref<16384xf32, #tpu.memory_space<hbm>> -> memref<128xf32, #tpu.memory_space<hbm>>
      %dma_wait3A_1997 = arith.constant 0 : i32
      %dma_wait3A_1998 = tpu.memref_slice %arg14[%run_scoped3A_1979, %dma_wait3A_1997] : memref<4x128xf32, #tpu.memory_space<vmem>> -> memref<1x128xf32, #tpu.memory_space<vmem>>
      %dma_wait3A_1999 = tpu.memref_squeeze %dma_wait3A_1998 : memref<1x128xf32, #tpu.memory_space<vmem>> -> memref<128xf32, #tpu.memory_space<vmem>>
      tpu.wait_dma2 semaphore(%run_scoped3A_1983 : memref<!tpu.dma_semaphore, #tpu.memory_space<semaphore_mem>>) src(%dma_wait3A_1999 : memref<128xf32, #tpu.memory_space<vmem>>) dst(%dma_wait3A_1996 : memref<128xf32, #tpu.memory_space<hbm>>)
      tpu.yield
    }) : () -> ()
    %add3A_1980 = arith.constant 384 : i32
    %add3A_1981 = arith.addi %mul3A_2, %add3A_1980 : i32
    %run_scoped3A_1982 = arith.constant 3 : i32
    "tpu.region"() ({
      %run_scoped3A_1983 = tpu.sem_alloc : memref<!tpu.dma_semaphore, #tpu.memory_space<semaphore_mem>>
      %dma_start3A_1984 = arith.constant 0 : i32
      %dma_start3A_1985 = tpu.memref_slice %arg14[%run_scoped3A_1982, %dma_start3A_1984] : memref<4x128xf32, #tpu.memory_space<vmem>> -> memref<1x128xf32, #tpu.memory_space<vmem>>
      %dma_start3A_1986 = tpu.memref_squeeze %dma_start3A_1985 : memref<1x128xf32, #tpu.memory_space<vmem>> -> memref<128xf32, #tpu.memory_space<vmem>>
      %dma_start3A_1987 = tpu.memref_slice %arg10[%add3A_1981] : memref<16384xf32, #tpu.memory_space<hbm>> -> memref<128xf32, #tpu.memory_space<hbm>>
      %dma_start3A_1988 = tpu.memref_slice %arg10[%add3A_1981] : memref<16384xf32, #tpu.memory_space<hbm>> -> memref<128xf32, #tpu.memory_space<hbm>>
      %dma_start3A_1989 = arith.constant 0 : i32
      %dma_start3A_1990 = tpu.memref_slice %arg14[%run_scoped3A_1982, %dma_start3A_1989] : memref<4x128xf32, #tpu.memory_space<vmem>> -> memref<1x128xf32, #tpu.memory_space<vmem>>
      %dma_start3A_1991 = tpu.memref_squeeze %dma_start3A_1990 : memref<1x128xf32, #tpu.memory_space<vmem>> -> memref<128xf32, #tpu.memory_space<vmem>>
      tpu.enqueue_dma source(%dma_start3A_1991 : memref<128xf32, #tpu.memory_space<vmem>>) target(%dma_start3A_1988 : memref<128xf32, #tpu.memory_space<hbm>>) target_semaphore(%run_scoped3A_1983 : memref<!tpu.dma_semaphore, #tpu.memory_space<semaphore_mem>>)
      %dma_wait3A_1992 = arith.constant 0 : i32
      %dma_wait3A_1993 = tpu.memref_slice %arg14[%run_scoped3A_1982, %dma_wait3A_1992] : memref<4x128xf32, #tpu.memory_space<vmem>> -> memref<1x128xf32, #tpu.memory_space<vmem>>
      %dma_wait3A_1994 = tpu.memref_squeeze %dma_wait3A_1993 : memref<1x128xf32, #tpu.memory_space<vmem>> -> memref<128xf32, #tpu.memory_space<vmem>>
      %dma_wait3A_1995 = tpu.memref_slice %arg10[%add3A_1981] : memref<16384xf32, #tpu.memory_space<hbm>> -> memref<128xf32, #tpu.memory_space<hbm>>
      %dma_wait3A_1996 = tpu.memref_slice %arg10[%add3A_1981] : memref<16384xf32, #tpu.memory_space<hbm>> -> memref<128xf32, #tpu.memory_space<hbm>>
      %dma_wait3A_1997 = arith.constant 0 : i32
      %dma_wait3A_1998 = tpu.memref_slice %arg14[%run_scoped3A_1982, %dma_wait3A_1997] : memref<4x128xf32, #tpu.memory_space<vmem>> -> memref<1x128xf32, #tpu.memory_space<vmem>>
      %dma_wait3A_1999 = tpu.memref_squeeze %dma_wait3A_1998 : memref<1x128xf32, #tpu.memory_space<vmem>> -> memref<128xf32, #tpu.memory_space<vmem>>
      tpu.wait_dma2 semaphore(%run_scoped3A_1983 : memref<!tpu.dma_semaphore, #tpu.memory_space<semaphore_mem>>) src(%dma_wait3A_1999 : memref<128xf32, #tpu.memory_space<vmem>>) dst(%dma_wait3A_1996 : memref<128xf32, #tpu.memory_space<hbm>>)
      tpu.yield
    }) : () -> ()
    return
  }
}

module attributes {stable_mosaic.version = 14 : i64} {
  func.func @_tc_body(%arg0: i32, %arg1: memref<4096x128xf32, #tpu.memory_space<vmem>>, %arg2: memref<4096x128xf32, #tpu.memory_space<vmem>>, %arg3: memref<4096x1xi32, #tpu.memory_space<vmem>>, %arg4: memref<4096x1xi32, #tpu.memory_space<vmem>>, %arg5: memref<4096x1xf32, #tpu.memory_space<vmem>>, %arg6: memref<32x64xf32, #tpu.memory_space<vmem>>, %arg7: memref<1x32xf32, #tpu.memory_space<vmem>>, %arg8: memref<32x32xf32, #tpu.memory_space<vmem>>, %arg9: memref<1x32xf32, #tpu.memory_space<vmem>>, %arg10: memref<1x64xf32, #tpu.memory_space<vmem>>, %arg11: memref<1x1xf32, #tpu.memory_space<vmem>>, %arg12: memref<1x1xf32, #tpu.memory_space<vmem>>, %arg13: memref<4096x1xf32, #tpu.memory_space<vmem>>) attributes {dimension_semantics = [#tpu.dimension_semantics<arbitrary>], iteration_bounds = array<i64: 4>, scalar_prefetch = 0 : i64, scratch_operands = 0 : i64, tpu.core_type = #tpu.core_type<tc>, window_params = [{transform_indices = @transform_0, window_bounds = array<i64: 4096, 128>}, {transform_indices = @transform_1, window_bounds = array<i64: 4096, 128>}, {transform_indices = @transform_2, window_bounds = array<i64: 4096, 1>}, {transform_indices = @transform_3, window_bounds = array<i64: 4096, 1>}, {transform_indices = @transform_4, window_bounds = array<i64: 4096, 1>}, {pipeline_mode = #tpu.pipeline_mode<synchronous>, transform_indices = @transform_5, window_bounds = array<i64: 32, 64>}, {pipeline_mode = #tpu.pipeline_mode<synchronous>, transform_indices = @transform_6, window_bounds = array<i64: 1, 32>}, {pipeline_mode = #tpu.pipeline_mode<synchronous>, transform_indices = @transform_7, window_bounds = array<i64: 32, 32>}, {pipeline_mode = #tpu.pipeline_mode<synchronous>, transform_indices = @transform_8, window_bounds = array<i64: 1, 32>}, {pipeline_mode = #tpu.pipeline_mode<synchronous>, transform_indices = @transform_9, window_bounds = array<i64: 1, 64>}, {pipeline_mode = #tpu.pipeline_mode<synchronous>, transform_indices = @transform_10, window_bounds = array<i64: 1, 1>}, {pipeline_mode = #tpu.pipeline_mode<synchronous>, transform_indices = @transform_11, window_bounds = array<i64: 1, 1>}, {transform_indices = @transform_12, window_bounds = array<i64: 4096, 1>}]} {
    %get3A = arith.constant 0 : index
    %get3A_0 = arith.constant 0 : index
    %get3A_1 = vector.load %arg1[%get3A, %get3A_0] : memref<4096x128xf32, #tpu.memory_space<vmem>>, vector<4096x128xf32>
    %get3A_2 = arith.constant 0 : index
    %get3A_3 = arith.constant 0 : index
    %get3A_4 = vector.load %arg2[%get3A_2, %get3A_3] : memref<4096x128xf32, #tpu.memory_space<vmem>>, vector<4096x128xf32>
    %get3A_5 = arith.constant 0 : index
    %get3A_6 = arith.constant 0 : index
    %get3A_7 = vector.load %arg3[%get3A_5, %get3A_6] : memref<4096x1xi32, #tpu.memory_space<vmem>>, vector<4096x1xi32>
    %lt3A = arith.constant 50176 : i32
    %lt3A_8 = vector.broadcast %lt3A : i32 to vector<4096x1xi32>
    %lt3A_9 = arith.cmpi slt, %get3A_7, %lt3A_8 : vector<4096x1xi32>
    %get3A_10 = arith.constant 0 : index
    %get3A_11 = arith.constant 0 : index
    %get3A_12 = vector.load %arg4[%get3A_10, %get3A_11] : memref<4096x1xi32, #tpu.memory_space<vmem>>, vector<4096x1xi32>
    %lt3A_13 = arith.constant 50176 : i32
    %lt3A_14 = vector.broadcast %lt3A_13 : i32 to vector<4096x1xi32>
    %lt3A_15 = arith.cmpi slt, %get3A_12, %lt3A_14 : vector<4096x1xi32>
    %slice3A = vector.extract_strided_slice %get3A_1 {offsets = [0, 0], sizes = [4096, 32], strides = [1, 1]} : vector<4096x128xf32> to vector<4096x32xf32>
    %slice3A_16 = vector.extract_strided_slice %get3A_1 {offsets = [0, 64], sizes = [4096, 32], strides = [1, 1]} : vector<4096x128xf32> to vector<4096x32xf32>
    %broadcast_in_dim3A = vector.shape_cast %lt3A_9 : vector<4096x1xi1> to vector<4096x1xi1>
    %broadcast_in_dim3A_17 = vector.broadcast %broadcast_in_dim3A : vector<4096x1xi1> to vector<4096x32xi1>
    %select_n3A = arith.select %broadcast_in_dim3A_17, %slice3A, %slice3A_16 : vector<4096x32xi1>, vector<4096x32xf32>
    %slice3A_18 = vector.extract_strided_slice %get3A_1 {offsets = [0, 32], sizes = [4096, 32], strides = [1, 1]} : vector<4096x128xf32> to vector<4096x32xf32>
    %slice3A_19 = vector.extract_strided_slice %get3A_1 {offsets = [0, 96], sizes = [4096, 32], strides = [1, 1]} : vector<4096x128xf32> to vector<4096x32xf32>
    %broadcast_in_dim3A_20 = vector.shape_cast %lt3A_9 : vector<4096x1xi1> to vector<4096x1xi1>
    %broadcast_in_dim3A_21 = vector.broadcast %broadcast_in_dim3A_20 : vector<4096x1xi1> to vector<4096x32xi1>
    %select_n3A_22 = arith.select %broadcast_in_dim3A_21, %slice3A_18, %slice3A_19 : vector<4096x32xi1>, vector<4096x32xf32>
    %slice3A_23 = vector.extract_strided_slice %get3A_4 {offsets = [0, 0], sizes = [4096, 32], strides = [1, 1]} : vector<4096x128xf32> to vector<4096x32xf32>
    %slice3A_24 = vector.extract_strided_slice %get3A_4 {offsets = [0, 64], sizes = [4096, 32], strides = [1, 1]} : vector<4096x128xf32> to vector<4096x32xf32>
    %broadcast_in_dim3A_25 = vector.shape_cast %lt3A_15 : vector<4096x1xi1> to vector<4096x1xi1>
    %broadcast_in_dim3A_26 = vector.broadcast %broadcast_in_dim3A_25 : vector<4096x1xi1> to vector<4096x32xi1>
    %select_n3A_27 = arith.select %broadcast_in_dim3A_26, %slice3A_23, %slice3A_24 : vector<4096x32xi1>, vector<4096x32xf32>
    %slice3A_28 = vector.extract_strided_slice %get3A_4 {offsets = [0, 32], sizes = [4096, 32], strides = [1, 1]} : vector<4096x128xf32> to vector<4096x32xf32>
    %slice3A_29 = vector.extract_strided_slice %get3A_4 {offsets = [0, 96], sizes = [4096, 32], strides = [1, 1]} : vector<4096x128xf32> to vector<4096x32xf32>
    %broadcast_in_dim3A_30 = vector.shape_cast %lt3A_15 : vector<4096x1xi1> to vector<4096x1xi1>
    %broadcast_in_dim3A_31 = vector.broadcast %broadcast_in_dim3A_30 : vector<4096x1xi1> to vector<4096x32xi1>
    %select_n3A_32 = arith.select %broadcast_in_dim3A_31, %slice3A_28, %slice3A_29 : vector<4096x32xi1>, vector<4096x32xf32>
    %get3A_33 = arith.constant 0 : index
    %get3A_34 = arith.constant 0 : index
    %get3A_35 = vector.load %arg6[%get3A_33, %get3A_34] : memref<32x64xf32, #tpu.memory_space<vmem>>, vector<32x64xf32>
    %get3A_36 = arith.constant 0 : index
    %get3A_37 = arith.constant 0 : index
    %get3A_38 = vector.load %arg10[%get3A_36, %get3A_37] : memref<1x64xf32, #tpu.memory_space<vmem>>, vector<1x64xf32>
    %slice3A_39 = vector.extract_strided_slice %get3A_35 {offsets = [0, 0], sizes = [32, 32], strides = [1, 1]} : vector<32x64xf32> to vector<32x32xf32>
    %dot_general3A = arith.constant dense<0.000000e+00> : vector<4096x32xf32>
    %dot_general3A_40 = tpu.matmul %select_n3A_22, %slice3A_39, %dot_general3A {dimension_numbers = #tpu.dot_dimension_numbers<[1], [1], [0], [0], [0, 0, 1, 0], [], []>, transpose_lhs_hint = false} : vector<4096x32xf32>, vector<32x32xf32>, vector<4096x32xf32> -> vector<4096x32xf32>
    %slice3A_41 = vector.extract_strided_slice %get3A_35 {offsets = [0, 32], sizes = [32, 32], strides = [1, 1]} : vector<32x64xf32> to vector<32x32xf32>
    %dot_general3A_42 = arith.constant dense<0.000000e+00> : vector<4096x32xf32>
    %dot_general3A_43 = tpu.matmul %select_n3A_32, %slice3A_41, %dot_general3A_42 {dimension_numbers = #tpu.dot_dimension_numbers<[1], [1], [0], [0], [0, 0, 1, 0], [], []>, transpose_lhs_hint = false} : vector<4096x32xf32>, vector<32x32xf32>, vector<4096x32xf32> -> vector<4096x32xf32>
    %add3A = arith.addf %dot_general3A_40, %dot_general3A_43 : vector<4096x32xf32>
    %get3A_44 = arith.constant 0 : index
    %get3A_45 = arith.constant 0 : index
    %get3A_46 = vector.load %arg7[%get3A_44, %get3A_45] : memref<1x32xf32, #tpu.memory_space<vmem>>, vector<1x32xf32>
    %add3A_47 = vector.broadcast %get3A_46 : vector<1x32xf32> to vector<4096x32xf32>
    %add3A_48 = arith.addf %add3A, %add3A_47 : vector<4096x32xf32>
    %max3A = arith.constant 0.000000e+00 : f32
    %max3A_49 = vector.broadcast %max3A : f32 to vector<4096x32xf32>
    %max3A_50 = arith.maximumf %add3A_48, %max3A_49 : vector<4096x32xf32>
    %get3A_51 = arith.constant 0 : index
    %get3A_52 = arith.constant 0 : index
    %get3A_53 = vector.load %arg8[%get3A_51, %get3A_52] : memref<32x32xf32, #tpu.memory_space<vmem>>, vector<32x32xf32>
    %dot_general3A_54 = arith.constant dense<0.000000e+00> : vector<4096x32xf32>
    %dot_general3A_55 = tpu.matmul %max3A_50, %get3A_53, %dot_general3A_54 {dimension_numbers = #tpu.dot_dimension_numbers<[1], [1], [0], [0], [0, 0, 1, 0], [], []>, transpose_lhs_hint = false} : vector<4096x32xf32>, vector<32x32xf32>, vector<4096x32xf32> -> vector<4096x32xf32>
    %get3A_56 = arith.constant 0 : index
    %get3A_57 = arith.constant 0 : index
    %get3A_58 = vector.load %arg9[%get3A_56, %get3A_57] : memref<1x32xf32, #tpu.memory_space<vmem>>, vector<1x32xf32>
    %add3A_59 = vector.broadcast %get3A_58 : vector<1x32xf32> to vector<4096x32xf32>
    %add3A_60 = arith.addf %dot_general3A_55, %add3A_59 : vector<4096x32xf32>
    %mul3A = arith.mulf %select_n3A, %select_n3A_27 : vector<4096x32xf32>
    %slice3A_61 = vector.extract_strided_slice %get3A_38 {offsets = [0, 0], sizes = [1, 32], strides = [1, 1]} : vector<1x64xf32> to vector<1x32xf32>
    %mul3A_62 = vector.broadcast %slice3A_61 : vector<1x32xf32> to vector<4096x32xf32>
    %mul3A_63 = arith.mulf %mul3A, %mul3A_62 : vector<4096x32xf32>
    %reduce_sum3A = arith.constant dense<0.000000e+00> : vector<4096xf32>
    %reduce_sum3A_64 = vector.multi_reduction <add>, %mul3A_63, %reduce_sum3A [1] : vector<4096x32xf32> to vector<4096xf32>
    %broadcast_in_dim3A_65 = vector.shape_cast %reduce_sum3A_64 : vector<4096xf32> to vector<4096x1xf32>
    %slice3A_66 = vector.extract_strided_slice %get3A_38 {offsets = [0, 32], sizes = [1, 32], strides = [1, 1]} : vector<1x64xf32> to vector<1x32xf32>
    %mul3A_67 = vector.broadcast %slice3A_66 : vector<1x32xf32> to vector<4096x32xf32>
    %mul3A_68 = arith.mulf %add3A_60, %mul3A_67 : vector<4096x32xf32>
    %reduce_sum3A_69 = arith.constant dense<0.000000e+00> : vector<4096xf32>
    %reduce_sum3A_70 = vector.multi_reduction <add>, %mul3A_68, %reduce_sum3A_69 [1] : vector<4096x32xf32> to vector<4096xf32>
    %broadcast_in_dim3A_71 = vector.shape_cast %reduce_sum3A_70 : vector<4096xf32> to vector<4096x1xf32>
    %add3A_72 = arith.addf %broadcast_in_dim3A_65, %broadcast_in_dim3A_71 : vector<4096x1xf32>
    %get3A_73 = arith.constant 0 : index
    %get3A_74 = arith.constant 0 : index
    %get3A_75 = vector.load %arg5[%get3A_73, %get3A_74] : memref<4096x1xf32, #tpu.memory_space<vmem>>, vector<4096x1xf32>
    %add3A_76 = arith.addf %get3A_75, %add3A_72 : vector<4096x1xf32>
    %get3A_77 = arith.constant 0 : index
    %get3A_78 = arith.constant 0 : index
    %get3A_79 = vector.load %arg11[%get3A_77, %get3A_78] : memref<1x1xf32, #tpu.memory_space<vmem>>, vector<1x1xf32>
    %get3A_80 = vector.extract %get3A_79[0, 0] : f32 from vector<1x1xf32>
    %get3A_81 = arith.constant 0 : index
    %get3A_82 = arith.constant 0 : index
    %get3A_83 = vector.load %arg12[%get3A_81, %get3A_82] : memref<1x1xf32, #tpu.memory_space<vmem>>, vector<1x1xf32>
    %get3A_84 = vector.extract %get3A_83[0, 0] : f32 from vector<1x1xf32>
    %add3A_85 = arith.addf %get3A_80, %get3A_84 : f32
    %add3A_86 = vector.broadcast %add3A_85 : f32 to vector<4096x1xf32>
    %add3A_87 = arith.addf %add3A_76, %add3A_86 : vector<4096x1xf32>
    %swap3A = arith.constant 0 : index
    %swap3A_88 = arith.constant 0 : index
    %swap3A_89 = vector.load %arg13[%swap3A, %swap3A_88] : memref<4096x1xf32, #tpu.memory_space<vmem>>, vector<4096x1xf32>
    tpu.vector_store %arg13[%swap3A, %swap3A_88], %add3A_87 {strides = array<i32>} : memref<4096x1xf32, #tpu.memory_space<vmem>>, vector<4096x1xf32>,
    return
  }
  func.func @transform_0(%arg0: i32) -> (i32, i32) {
    %c0_i32 = arith.constant 0 : i32
    %c0_i32_0 = arith.constant 0 : i32
    return %arg0, %c0_i32 : i32, i32
  }
  func.func @transform_1(%arg0: i32) -> (i32, i32) {
    %c0_i32 = arith.constant 0 : i32
    %c0_i32_0 = arith.constant 0 : i32
    return %arg0, %c0_i32 : i32, i32
  }
  func.func @transform_2(%arg0: i32) -> (i32, i32) {
    %c0_i32 = arith.constant 0 : i32
    %c0_i32_0 = arith.constant 0 : i32
    return %arg0, %c0_i32 : i32, i32
  }
  func.func @transform_3(%arg0: i32) -> (i32, i32) {
    %c0_i32 = arith.constant 0 : i32
    %c0_i32_0 = arith.constant 0 : i32
    return %arg0, %c0_i32 : i32, i32
  }
  func.func @transform_4(%arg0: i32) -> (i32, i32) {
    %c0_i32 = arith.constant 0 : i32
    %c0_i32_0 = arith.constant 0 : i32
    return %arg0, %c0_i32 : i32, i32
  }
  func.func @transform_5(%arg0: i32) -> (i32, i32) {
    %c0_i32 = arith.constant 0 : i32
    %c0_i32_0 = arith.constant 0 : i32
    %c0_i32_1 = arith.constant 0 : i32
    return %c0_i32, %c0_i32_0 : i32, i32
  }
  func.func @transform_6(%arg0: i32) -> (i32, i32) {
    %c0_i32 = arith.constant 0 : i32
    %c0_i32_0 = arith.constant 0 : i32
    %c0_i32_1 = arith.constant 0 : i32
    return %c0_i32, %c0_i32_0 : i32, i32
  }
  func.func @transform_7(%arg0: i32) -> (i32, i32) {
    %c0_i32 = arith.constant 0 : i32
    %c0_i32_0 = arith.constant 0 : i32
    %c0_i32_1 = arith.constant 0 : i32
    return %c0_i32, %c0_i32_0 : i32, i32
  }
  func.func @transform_8(%arg0: i32) -> (i32, i32) {
    %c0_i32 = arith.constant 0 : i32
    %c0_i32_0 = arith.constant 0 : i32
    %c0_i32_1 = arith.constant 0 : i32
    return %c0_i32, %c0_i32_0 : i32, i32
  }
  func.func @transform_9(%arg0: i32) -> (i32, i32) {
    %c0_i32 = arith.constant 0 : i32
    %c0_i32_0 = arith.constant 0 : i32
    %c0_i32_1 = arith.constant 0 : i32
    return %c0_i32, %c0_i32_0 : i32, i32
  }
  func.func @transform_10(%arg0: i32) -> (i32, i32) {
    %c0_i32 = arith.constant 0 : i32
    %c0_i32_0 = arith.constant 0 : i32
    %c0_i32_1 = arith.constant 0 : i32
    return %c0_i32, %c0_i32_0 : i32, i32
  }
  func.func @transform_11(%arg0: i32) -> (i32, i32) {
    %c0_i32 = arith.constant 0 : i32
    %c0_i32_0 = arith.constant 0 : i32
    %c0_i32_1 = arith.constant 0 : i32
    return %c0_i32, %c0_i32_0 : i32, i32
  }
  func.func @transform_12(%arg0: i32) -> (i32, i32) {
    %c0_i32 = arith.constant 0 : i32
    %c0_i32_0 = arith.constant 0 : i32
    return %arg0, %c0_i32 : i32, i32
  }
}

module attributes {stable_mosaic.version = 14 : i64} {
  func.func @_pack_body(%arg0: i32, %arg1: memref<32x1024xf32, #tpu.memory_space<vmem>>, %arg2: memref<32x1024xf32, #tpu.memory_space<vmem>>, %arg3: memref<32x1024xf32, #tpu.memory_space<vmem>>, %arg4: memref<32x1024xf32, #tpu.memory_space<vmem>>, %arg5: memref<1024x128xf32, #tpu.memory_space<vmem>>) attributes {dimension_semantics = [#tpu.dimension_semantics<arbitrary>], iteration_bounds = array<i64: 49>, scalar_prefetch = 0 : i64, scratch_operands = 0 : i64, tpu.core_type = #tpu.core_type<tc>, window_params = [{transform_indices = @transform_0, window_bounds = array<i64: 32, 1024>}, {transform_indices = @transform_1, window_bounds = array<i64: 32, 1024>}, {transform_indices = @transform_2, window_bounds = array<i64: 32, 1024>}, {transform_indices = @transform_3, window_bounds = array<i64: 32, 1024>}, {transform_indices = @transform_4, window_bounds = array<i64: 1024, 128>}]} {
    %iota3A = tpu.iota {dimensions = array<i32: 0>} : vector<32x32xi32>
    %iota3A_0 = tpu.iota {dimensions = array<i32: 1>} : vector<32x32xi32>
    %add3A = arith.constant 0 : i32
    %add3A_1 = vector.broadcast %add3A : i32 to vector<32x32xi32>
    %add3A_2 = arith.addi %iota3A, %add3A_1 : vector<32x32xi32>
    %eq3A = arith.cmpi eq, %add3A_2, %iota3A_0 : vector<32x32xi32>
    %convert_element_type3A = arith.extui %eq3A : vector<32x32xi1> to vector<32x32xi32>
    %convert_element_type3A_3 = arith.sitofp %convert_element_type3A : vector<32x32xi32> to vector<32x32xf32>
    %get3A = arith.constant 0 : index
    %get3A_4 = arith.constant 0 : index
    %get3A_5 = vector.load %arg1[%get3A, %get3A_4] : memref<32x1024xf32, #tpu.memory_space<vmem>>, vector<32x1024xf32>
    %dot_general3A = arith.constant dense<0.000000e+00> : vector<1024x32xf32>
    %dot_general3A_6 = tpu.matmul %get3A_5, %convert_element_type3A_3, %dot_general3A {dimension_numbers = #tpu.dot_dimension_numbers<[0], [0], [1], [1], [0, 1, 1, 1], [], []>, transpose_lhs_hint = false} : vector<32x1024xf32>, vector<32x32xf32>, vector<1024x32xf32> -> vector<1024x32xf32>
    %get3A_7 = arith.constant 0 : index
    %get3A_8 = arith.constant 0 : index
    %get3A_9 = vector.load %arg2[%get3A_7, %get3A_8] : memref<32x1024xf32, #tpu.memory_space<vmem>>, vector<32x1024xf32>
    %dot_general3A_10 = arith.constant dense<0.000000e+00> : vector<1024x32xf32>
    %dot_general3A_11 = tpu.matmul %get3A_9, %convert_element_type3A_3, %dot_general3A_10 {dimension_numbers = #tpu.dot_dimension_numbers<[0], [0], [1], [1], [0, 1, 1, 1], [], []>, transpose_lhs_hint = false} : vector<32x1024xf32>, vector<32x32xf32>, vector<1024x32xf32> -> vector<1024x32xf32>
    %get3A_12 = arith.constant 0 : index
    %get3A_13 = arith.constant 0 : index
    %get3A_14 = vector.load %arg3[%get3A_12, %get3A_13] : memref<32x1024xf32, #tpu.memory_space<vmem>>, vector<32x1024xf32>
    %dot_general3A_15 = arith.constant dense<0.000000e+00> : vector<1024x32xf32>
    %dot_general3A_16 = tpu.matmul %get3A_14, %convert_element_type3A_3, %dot_general3A_15 {dimension_numbers = #tpu.dot_dimension_numbers<[0], [0], [1], [1], [0, 1, 1, 1], [], []>, transpose_lhs_hint = false} : vector<32x1024xf32>, vector<32x32xf32>, vector<1024x32xf32> -> vector<1024x32xf32>
    %get3A_17 = arith.constant 0 : index
    %get3A_18 = arith.constant 0 : index
    %get3A_19 = vector.load %arg4[%get3A_17, %get3A_18] : memref<32x1024xf32, #tpu.memory_space<vmem>>, vector<32x1024xf32>
    %dot_general3A_20 = arith.constant dense<0.000000e+00> : vector<1024x32xf32>
    %dot_general3A_21 = tpu.matmul %get3A_19, %convert_element_type3A_3, %dot_general3A_20 {dimension_numbers = #tpu.dot_dimension_numbers<[0], [0], [1], [1], [0, 1, 1, 1], [], []>, transpose_lhs_hint = false} : vector<32x1024xf32>, vector<32x32xf32>, vector<1024x32xf32> -> vector<1024x32xf32>
    %concatenate3A = tpu.concatenate %dot_general3A_6, %dot_general3A_11, %dot_general3A_16, %dot_general3A_21 in 1 : vector<1024x32xf32>, vector<1024x32xf32>, vector<1024x32xf32>, vector<1024x32xf32> -> vector<1024x128xf32>
    %swap3A = arith.constant 0 : index
    %swap3A_22 = arith.constant 0 : index
    %swap3A_23 = vector.load %arg5[%swap3A, %swap3A_22] : memref<1024x128xf32, #tpu.memory_space<vmem>>, vector<1024x128xf32>
    tpu.vector_store %arg5[%swap3A, %swap3A_22], %concatenate3A {strides = array<i32>} : memref<1024x128xf32, #tpu.memory_space<vmem>>, vector<1024x128xf32>,
    return
  }
  func.func @transform_0(%arg0: i32) -> (i32, i32) {
    %c0_i32 = arith.constant 0 : i32
    %c0_i32_0 = arith.constant 0 : i32
    return %c0_i32, %arg0 : i32, i32
  }
  func.func @transform_1(%arg0: i32) -> (i32, i32) {
    %c0_i32 = arith.constant 0 : i32
    %c0_i32_0 = arith.constant 0 : i32
    return %c0_i32, %arg0 : i32, i32
  }
  func.func @transform_2(%arg0: i32) -> (i32, i32) {
    %add3A = arith.constant 49 : i32
    %add3A_0 = arith.addi %arg0, %add3A : i32
    %c0_i32 = arith.constant 0 : i32
    %c0_i32_1 = arith.constant 0 : i32
    return %c0_i32, %add3A_0 : i32, i32
  }
  func.func @transform_3(%arg0: i32) -> (i32, i32) {
    %add3A = arith.constant 49 : i32
    %add3A_0 = arith.addi %arg0, %add3A : i32
    %c0_i32 = arith.constant 0 : i32
    %c0_i32_1 = arith.constant 0 : i32
    return %c0_i32, %add3A_0 : i32, i32
  }
  func.func @transform_4(%arg0: i32) -> (i32, i32) {
    %c0_i32 = arith.constant 0 : i32
    %c0_i32_0 = arith.constant 0 : i32
    return %arg0, %c0_i32 : i32, i32
  }
}

</mosaic_0001>

<sc_bundles>
// kernel: kernel.6.cloned.1.call-start
scs
__scs_entry_jumppad:
0x0: {  	(pc) =	sbr.rel $0x88, $3  }
0x1: {  	(tag) =	ssettag $0x0;
	lr =	simm.s32 $0x1  }
0x2: {  	[smem:$0x3F92] =	sst lr;
	_ =	strace $0xD0000000  }
0x3: {  	_ = 	snop  }
0x4: {  	_ = 	snop  }
0x5: {  	_ = 	snop  }
0x6: {  	_ = 	snop  }
0x7: {  	_ = 	snop  }
__scs_overlays_trampoline_lowered:
0x8: {  	[smem:$0x3FA1] =	sst s0  }
0x9: {  	[smem:$0x3FA2] =	sst s1  }
0xa: {  	[smem:$0x3FA3] =	sst s2  }
0xb: {  	[smem:$0x3FA4] =	sst s3  }
0xc: {  	[smem:$0x3FA5] =	sst s4  }
0xd: {  	[smem:$0x3FA6] =	sst s5  }
0xe: {  	[smem:$0x3FA7] =	sst s6  }
0xf: {  	[smem:$0x3FA8] =	sst s7  }
0x10: {  	[smem:$0x3FA9] =	sst s8  }
0x11: {  	[smem:$0x3FAA] =	sst s9;
	s0 =	simm.s32 @!p0 $0x0  }
0x12: {  	s1 =	sld [smem:$0x3F90];
	s0 =	simm.s32 @p0 $0x1  }
0x13: {  	[smem:$0x3FAB] =	sst s0;
	s0 =	simm.s32 @!p1 $0x0  }
0x14: {  	s2 =	sld [smem:$0x3F8F];
	s0 =	simm.s32 @p1 $0x1  }
0x15: {  	[smem:$0x3FAC] =	sst s0;
	s0 =	simm.s32 @!p2 $0x0  }
0x16: {  	s3 =	sld [smem:$0x3FDB];
	s0 =	simm.s32 @p2 $0x1  }
0x17: {  	s4 =	simm.s32 $0x1BF5;
	[smem:$0x3FAE] =	sst s0  }
0x18: {  	s0 =	sld [smem:$0x3F91];
	_ =	swait.ge [sflag:s4], $0x0  }
0x19: {  	s7 =	sld [smem:$0x3F92]  }
0x1a: {  	s8 =	sadd.s32 $0xFFFFE003, lr  }
0x1b: {  	s9 =	sadd.s32 $0xFFFFFEF7, lr;
	s5 =	simm.s32 $0xFFFFFFFF;
	p2 =	slt.u32 s8, $0xFFFFF086  }
0x1c: {  	p1 =	slt.u32 s9, $0xF7A;
	s5 =	simm.s32 @!p2 $0x0  }
0x1d: {  	s5 =	simm.s32 @p1 $0x1;
	p0 =	seq.s32 s7, s2  }
0x1e: {  	s7 =	smul.u32 @!p0 $0xF7A, s2;
	p2 =	seq.s32 @!p0 s5, $0x0  }
0x1f: {  	s9 =	smul.u32 $0xF7A, s1;
	s8 =	simm.s32 @!p0 $0x1BF5;
	p2 =	por !p2, p0  }
0x20: {  	[sflag:s8] =	ssyncset.s32 @!p0 $0xFFFFF086;
	s6 =	sadd.s32 @!p0 s3, s7;
	s7 =	simm.s32 @!p0 $0x108  }
0x21: {  	s3 =	sadd.s32 s3, s9;
	s6 =	sadd.s32 @!p0 $0x88, s6;
	s7 =	simm.s32 @p2 $0x1082  }
0x22: {  	[simem:s7], [sflag:s8] =	dma.local @!p0 [hbm:s6], $0xF7A  }
0x23: {  	s9 =	sor.u32 $0xD0000000, s2;
	s6 =	simm.s32 $0x108;
	_ =	swait.ge @!p0 [sflag:s8], $0x0  }
0x24: {  	s3 =	sadd.s32 $0x88, s3;
	s6 =	simm.s32 @!p1 $0x1082;
	[sflag:s4] =	ssyncset.s32 $0xFFFFF086  }
0x25: {  	[simem:s6], [sflag:s4] =	dma.local [hbm:s3], $0xF7A  }
0x26: {  	[smem:$0x3F92] =	sst s1;
	(tag) =	ssettag s2;
	_ =	strace s9  }
0x27: {  	s1 =	sld [smem:$0x3FA2]  }
0x28: {  	s2 =	sld [smem:$0x3FA3]  }
0x29: {  	s4 =	sld [smem:$0x3FA5]  }
0x2a: {  	p0 =	seq.s32 s5, $0x0;
	s5 =	sld [smem:$0x3FA6]  }
0x2b: {  	s6 =	sld [smem:$0x3FA7]  }
0x2c: {  	s7 =	sld [smem:$0x3FA8]  }
0x2d: {  	s3 =	simm.s32 $0x108;
	s8 =	sld [smem:$0x3FA9]  }
0x2e: {  	s3 =	simm.s32 @!p0 $0x1082;
	s9 =	sld [smem:$0x3FAA]  }
0x2f: {  	lr =	sadd.s32 s0, s3;
	s0 =	sld [smem:$0x3FA1]  }
0x30: {  	s3 =	sld [smem:$0x3FA4]  }
0x31: {  	[smem:$0x3FAD] =	sst s10  }
0x32: {  	s10 =	sld [smem:$0x3FAB];
	_ =	sdelay $0x3  }
0x33: {  	p0 =	seq.s32 s10, $0x1;
	s10 =	sld [smem:$0x3FAD];
	_ =	sdelay $0x3  }
0x34: {  	[smem:$0x3FAD] =	sst s10  }
0x35: {  	s10 =	sld [smem:$0x3FAC];
	_ =	sdelay $0x3  }
0x36: {  	p1 =	seq.s32 s10, $0x1;
	s10 =	sld [smem:$0x3FAD];
	_ =	sdelay $0x3  }
0x37: {  	[smem:$0x3FAD] =	sst s10  }
0x38: {  	s10 =	sld [smem:$0x3FAE]  }
0x39: {  	_ = 	snop;
	(pc) =	sbr.ind lr, $3  }
0x3a: {  	_ = 	snop  }
0x3b: {  	_ = 	snop  }
0x3c: {  	p2 =	seq.s32 s10, $0x1;
	s10 =	sld [smem:$0x3FAD]  }
0x3d: {  	_ =	shalt  }
0x3e: {  	_ =	shalt  }
0x3f: {  	_ =	shalt  }
0x40: {  	_ =	shalt  }
0x41: {  	_ =	shalt  }
0x42: {  	_ =	shalt  }
0x43: {  	_ =	shalt  }
0x44: {  	_ =	shalt  }
0x45: {  	_ =	shalt  }
0x46: {  	_ =	shalt  }
0x47: {  	_ =	shalt  }
0x48: {  	_ =	shalt  }
0x49: {  	_ =	shalt  }
0x4a: {  	_ =	shalt  }
0x4b: {  	_ =	shalt  }
0x4c: {  	_ =	shalt  }
0x4d: {  	_ =	shalt  }
0x4e: {  	_ =	shalt  }
0x4f: {  	_ =	shalt  }
0x50: {  	_ =	shalt  }
0x51: {  	_ =	shalt  }
0x52: {  	_ =	shalt  }
0x53: {  	_ =	shalt  }
0x54: {  	_ =	shalt  }
0x55: {  	_ =	shalt  }
0x56: {  	_ =	shalt  }
0x57: {  	_ =	shalt  }
0x58: {  	_ =	shalt  }
0x59: {  	_ =	shalt  }
0x5a: {  	_ =	shalt  }
0x5b: {  	_ =	shalt  }
0x5c: {  	_ =	shalt  }
0x5d: {  	_ =	shalt  }
0x5e: {  	_ =	shalt  }
0x5f: {  	_ =	shalt  }
0x60: {  	_ =	shalt  }
0x61: {  	_ =	shalt  }
0x62: {  	_ =	shalt  }
0x63: {  	_ =	shalt  }
0x64: {  	_ =	shalt  }
0x65: {  	_ =	shalt  }
0x66: {  	_ =	shalt  }
0x67: {  	_ =	shalt  }
0x68: {  	_ =	shalt  }
0x69: {  	_ =	shalt  }
0x6a: {  	_ =	shalt  }
0x6b: {  	_ =	shalt  }
0x6c: {  	_ =	shalt  }
0x6d: {  	_ =	shalt  }
0x6e: {  	_ =	shalt  }
0x6f: {  	_ =	shalt  }
0x70: {  	_ =	shalt  }
0x71: {  	_ =	shalt  }
0x72: {  	_ =	shalt  }
0x73: {  	_ =	shalt  }
0x74: {  	_ =	shalt  }
0x75: {  	_ =	shalt  }
0x76: {  	_ =	shalt  }
0x77: {  	_ =	shalt  }
0x78: {  	_ =	shalt  }
0x79: {  	_ =	shalt  }
0x7a: {  	_ =	shalt  }
0x7b: {  	_ =	shalt  }
0x7c: {  	_ =	shalt  }
0x7d: {  	_ =	shalt  }
0x7e: {  	_ =	shalt  }
0x7f: {  	_ =	shalt  }
0x80: {  	_ =	shalt  }
0x81: {  	_ =	shalt  }
0x82: {  	_ =	shalt  }
0x83: {  	_ =	shalt  }
0x84: {  	_ =	shalt  }
0x85: {  	_ =	shalt  }
0x86: {  	_ =	shalt  }
0x87: {  	_ =	shalt  }
.Lfunc_end0:
.L_simem_size_0:
called_computation_lowered:
.L_overlay_start_0:
0x88: {  	s2 =	sld [smem:$0x3FD9]  }
0x89: {  	s3 =	sld [smem:$0x3FFE];
	_ =	sdelay $0x1  }
0x8a: {  	s1 =	srdreg.scid  }
0x8b: {  	s0 =	sand.u32 $0x1, s1  }
0x8c: {  	s17 =	sshll.u32 s0, $0xA;
	s2 =	sadd.s32 s3, s2  }
0x8d: {  	s2 =	sadd.s32 s2, s17  }
0x8e: {  	[smem:$0x3FB9] =	sst s2  }
0x8f: {  	_ = 	snop  }
0x90: {  	s2 =	sld [smem:$0x3FC9]  }
0x91: {  	s18 =	sld [smem:$0x3FC8]  }
0x92: {  	s4 =	sld [smem:$0x3FC7]  }
0x93: {  	s5 =	sld [smem:$0x3FC6]  }
0x94: {  	s6 =	sld [smem:$0x3FD0];
	(tm) =	ssettm $0x1  }
0x95: {  	s7 =	sld [smem:$0x3FFB];
	_ =	sdelay $0x3  }
0x96: {  	_ =	strace s7  }
0x97: {  	s7 =	sld [smem:$0x3FFC];
	_ =	sdelay $0x3  }
0x98: {  	_ =	strace s7  }
0x99: {  	s7 =	sld [smem:$0x3FFD];
	_ =	sdelay $0x3  }
0x9a: {  	_ =	strace s7  }
0x9b: {  	_ =	strace $0x8FFFFFFF  }
0x9c: {  	s19 =	sld [smem:$0x3FDB];
	_ =	sdelay $0x1  }
0x9d: {  	s8 =	simm.s32 $_scs_section_size  }
0x9e: {  	s9 =	simm.s32 $_size__tile_overlayer_lowered;
	s10 =	simm.s32 $_tile_overlayer_lowered  }
0x9f: {  	s22 =	simm.s32 $0x1BFF;
	s21 =	sshll.u32 s10, $0x1;
	s7 =	sadd.s32 s8, s19  }
0xa0: {  	s11 =	simm.s32 $0x0;
	s20 =	sshll.u32 s9, $0x1;
	s9 =	sadd.s32 s21, s7  }
0xa1: {  	[timem:s11], [sflag:s22] =	dma.local [hbm:s9], s20  }
0xa2: {  	_ =	swait.ge [sflag:s22], s20  }
0xa3: {  	s8 =	ssub.s32 $0x0, s20;
	[sflag:s22] =	ssyncset.done $0x0  }
0xa4: {  	[sflag:s22] =	ssyncadd.s32 s8;
	_ =	sdelay $0x1  }
0xa5: {  	s23 =	simm.s32 $0x1B8B  }
0xa6: {  	_ =	swait.ge [sflag:s23], $0x1  }
0xa7: {  	[sflag:s23] =	ssyncset.done $0x0  }
0xa8: {  	s25 =	simm.s32 $0x1B8E;
	s24 =	sld [smem:$0x3FFE];
	[sflag:s23] =	ssyncadd.s32 $0xFFFFFFFF  }
0xa9: {  	s26 =	simm.s32 $execute0_lowered;
	[smem:$0x3FD2] =	sst s25  }
0xaa: {  	s9 =	sshll.u32 s26, $0x1;
	_ =	strace $0x80000046;
	[dreg:$0x1] =	wrdreg $0xFFFFFFFF  }
0xab: {  	s28 =	simm.s32 $_size_execute0_lowered;
	s7 =	sadd.s32 s7, s9;
	[dreg:$0x0] =	wrdreg $0x0  }
0xac: {  	s9 =	sshll.u32 s28, $0x1;
	[dreg:$0x2] =	wrdreg s7  }
0xad: {  	[dreg:$0x3] =	wrdreg s9  }
0xae: {  	[dreg:$0x4] =	wrdreg $0xC0  }
0xaf: {  	_ =	task [dreg:s11], $0x5FFFF  }
0xb0: {  	[dreg:$0x1] =	wrdreg $0xFFFFFFFF  }
0xb1: {  	[dreg:$0x0] =	wrdreg $0x60  }
0xb2: {  	[dreg:$0x2] =	wrdreg s2  }
0xb3: {  	[dreg:$0x3] =	wrdreg s18  }
0xb4: {  	[dreg:$0x4] =	wrdreg s24  }
0xb5: {  	[dreg:$0x5] =	wrdreg s4  }
0xb6: {  	[dreg:$0x6] =	wrdreg s5  }
0xb7: {  	[dreg:$0x7] =	wrdreg s6  }
0xb8: {  	[dreg:$0x8] =	wrdreg $0x9  }
0xb9: {  	_ =	task.clear_ibuf [dreg:s11], $0x9FFFF;
	_ =	strace $0x90000046  }
0xba: {  	s29 =	simm.s32 $0x9;
	_ =	strace $0x80000048  }
0xbb: {  	_ =	swait.ge [sflag:s29], $0x1  }
0xbc: {  	[sflag:s29] =	ssyncadd.s32 $0xFFFFFFFF  }
0xbd: {  	_ =	strace $0x90000048  }
0xbe: {  	_ =	sfence  }
0xbf: {  	s30 =	sld [smem:$0x0];
	_ =	sdelay $0x2  }
0xc0: {  	s31 =	sshll.u32 s1, $0xD;
	s1 =	sshrl.u32 s1, $0x2  }
0xc1: {  	s3 =	sand.u32 $0x4000, s31;
	s1 =	sadd.s32 s1, s30  }
0xc2: {  	s0 =	sor.u32 s3, s0;
	s1 =	sshll.u32 s1, $0x11  }
0xc3: {  	s0 =	sor.u32 s1, s0  }
0xc4: {  	s0 =	sadd.s32 $0x8F2B, s0  }
0xc5: {  	[sflag:s0] =	ssyncadd.remote.s32 $0x1  }
0xc6: {  	_ =	sfence.sel $0xFFFF  }
0xc7: {  	[dreg:$0x0] =	wrdreg $0xFFFFFFFF;
	(pc) =	sbr.abs _section_cstart, $3  }
0xc8: {  	[dreg:$0x1] =	wrdreg $0xFFFFFFFF  }
0xc9: {  	_ =	task.clear_ibuf [dreg:s11], $0x2FFFF;
	_ =	strace $0x9FFFFFFF  }
0xca: {  	(tm) =	ssettm $0x7FFFFFFF  }
0xcb: {  	_ =	shalt  }
tec
execute0_lowered:
.L_overlay_start_1:
0x0: {  	(tag) =	ssettag $0x1  }
0x1: {  	s5 =	rddreg [dreg:$0x0]  }
0x2: {  	s6 =	rddreg [dreg:$0x1]  }
0x3: {  	s7 =	rddreg [dreg:$0x2]  }
0x4: {  	s1 =	rddreg [dreg:$0x3]  }
0x5: {  	s3 =	rddreg [dreg:$0x4]  }
0x6: {  	s0 =	rddreg [dreg:$0x5];
	s4 =	srdreg.scid  }
0x7: {  	s2 =	stileid.u32;
	s28 =	simm.s32 $0x2;
	s29 =	simm.s32 $0x10400  }
0x8: {  	s30 =	simm.s32 $0x10480;
	s31 =	simm.s32 $0x10500;
	s8 =	sand.u32 $0x1, s4  }
0x9: {  	s4 =	simm.s32 $0x0;
	s10 =	sshll.u32 s2, $0x9;
	s9 =	sshll.u32 s8, $0xD  }
0xa: {  	s11 =	sadd.s32 $0x189800, s7;
	[smem:$0x7FF] =	sst s4;
	s9 =	sor.u32 s10, s9  }
0xb: {  	s10 =	sshrl.u32 s9, $0x3;
	s13 =	sor.u32 $0x80, s9;
	s14 =	sor.u32 $0x100, s9  }
0xc: {  	s17 =	sor.u32 $0x180, s9;
	s9 =	sshll.u32 s9, $0x4;
	s12 =	sadd.s32 s5, s10  }
0xd: {  	_ =	strace $0x80000047;
	s21 =	sadd.s32 s11, s9;
	[dreg:$0x7] =	wrdreg s12  }
0xe: {  	s16 =	sshrl.u32 s14, $0x3;
	s26 =	sadd.s32 s6, s10;
	[dreg:$0xb] =	wrdreg s21  }
0xf: {  	s14 =	sshll.u32 s14, $0x4;
	s20 =	sadd.s32 s5, s16;
	[dreg:$0xf] =	wrdreg s26  }
0x10: {  	s24 =	sshll.u32 s17, $0x4;
	s23 =	sadd.s32 s11, s14;
	[dreg:$0x9] =	wrdreg s20  }
0x11: {  	s18 =	sshrl.u32 s17, $0x3;
	s25 =	sadd.s32 s11, s24;
	[dreg:$0xd] =	wrdreg s23  }
0x12: {  	s12 =	sshrl.u32 s13, $0x3;
	s19 =	sadd.s32 s6, s18;
	[dreg:$0xe] =	wrdreg s25  }
0x13: {  	s8 =	ssub.s32 $0x2, s8;
	s15 =	sadd.s32 s5, s12;
	[dreg:$0x12] =	wrdreg s19  }
0x14: {  	s13 =	sshll.u32 s13, $0x4;
	s5 =	sadd.s32 s5, s18;
	[dreg:$0x8] =	wrdreg s15  }
0x15: {  	s17 =	sadd.s32 $0x1C9800, s7;
	s22 =	sadd.s32 s11, s13;
	[dreg:$0xa] =	wrdreg s5  }
0x16: {  	s2 =	sadd.s32 s6, s12;
	s11 =	sadd.s32 s6, s16;
	[dreg:$0xc] =	wrdreg s22  }
0x17: {  	s20 =	sadd.s32 s17, s9;
	s21 =	sadd.s32 s17, s13;
	[dreg:$0x10] =	wrdreg s2  }
0x18: {  	s6 =	sadd.s32 $0xC5800, s7;
	s23 =	sadd.s32 s17, s24;
	[dreg:$0x11] =	wrdreg s11  }
0x19: {  	s24 =	sadd.s32 s0, s10;
	s25 =	sshrl.u32 s8, $0x1;
	[dreg:$0x13] =	wrdreg s20  }
0x1a: {  	s26 =	sadd.s32 s0, s12;
	s10 =	simm.s32 $0x3;
	[dreg:$0x14] =	wrdreg s21  }
0x1b: {  	s12 =	simm.s32 $0x100;
	s13 =	simm.s32 $0x180;
	[dreg:$0x16] =	wrdreg s23  }
0x1c: {  	s19 =	simm.s32 $0x8400;
	s5 =	sadd.s32 $0x1800, s7;
	[dreg:$0x17] =	wrdreg s24  }
0x1d: {  	s22 =	sadd.s32 s17, s14;
	s9 =	ssub.s32 s8, s25;
	[dreg:$0x18] =	wrdreg s26  }
0x1e: {  	s7 =	sadd.s32 s0, s16;
	s8 =	sadd.s32 s0, s18;
	s11 =	simm.s32 $0x80  }
0x1f: {  	s14 =	simm.s32 $0x200;
	s15 =	simm.s32 $0x400;
	s16 =	simm.s32 $0x280  }
0x20: {  	s17 =	simm.s32 $0x4400;
	s18 =	simm.s32 $0x300;
	s20 =	simm.s32 $0x380  }
0x21: {  	s21 =	simm.s32 $0xC400;
	s23 =	simm.s32 $0x10680;
	s24 =	simm.s32 $0x10700  }
0x22: {  	s25 =	simm.s32 $0x10780;
	s26 =	simm.s32 $0x1;
	s0 =	simm.s32 $0x10580  }
0x23: {  	[dreg:$0x15] =	wrdreg s22;
	s9 =	smax.u32 s9, $0x1;
	s22 =	simm.s32 $0x10600  }
.LBB2_1:
0x24: {  	s2 =	rddreg [dreg:$0x7]  }
0x25: {  	[tilespmem:s4], [sflag:$0x3] =	stream.linear.gather [hbm4b:s2+s4], $0x80, $0x38;
	[tilespmem:$0x10800] =	vst v63  }
0x26: {  	_ =	swait.ge [sflag:s10], $0x80  }
0x27: {  	[sflag:s10] =	ssyncset.done $0x0  }
0x28: {  	s2 =	rddreg [dreg:$0x8];
	[sflag:s10] =	ssyncadd.s32 $0xFFFFFF80  }
0x29: {  	[tilespmem:s11], [sflag:$0x3] =	stream.linear.gather [hbm4b:s2+s4], $0x80, $0x38;
	[tilespmem:$0x10800] =	vst v63  }
0x2a: {  	_ =	swait.ge [sflag:s10], $0x80  }
0x2b: {  	[sflag:s10] =	ssyncset.done $0x0  }
0x2c: {  	s2 =	rddreg [dreg:$0x9];
	[sflag:s10] =	ssyncadd.s32 $0xFFFFFF80  }
0x2d: {  	[tilespmem:s12], [sflag:$0x3] =	stream.linear.gather [hbm4b:s2+s4], $0x80, $0x38;
	[tilespmem:$0x10800] =	vst v63  }
0x2e: {  	_ =	swait.ge [sflag:s10], $0x80  }
0x2f: {  	[sflag:s10] =	ssyncset.done $0x0  }
0x30: {  	s2 =	rddreg [dreg:$0xa];
	[sflag:s10] =	ssyncadd.s32 $0xFFFFFF80  }
0x31: {  	[tilespmem:s13], [sflag:$0x3] =	stream.linear.gather [hbm4b:s2+s4], $0x80, $0x38;
	[tilespmem:$0x10800] =	vst v63  }
0x32: {  	_ =	swait.ge [sflag:s10], $0x80  }
0x33: {  	[sflag:s10] =	ssyncset.done $0x0  }
0x34: {  	[sflag:s10] =	ssyncadd.s32 $0xFFFFFF80  }
0x35: {  	v0 =	vld [tilespmem:$0x0]  }
0x36: {  	v1 =	vld [tilespmem:$0x10]  }
0x37: {  	v2 =	vld [tilespmem:$0x20]  }
0x38: {  	v3 =	vld [tilespmem:$0x30]  }
0x39: {  	v4 =	vld [tilespmem:$0x40]  }
0x3a: {  	v6 =	vld [tilespmem:$0x50];
	vm0 =	vlt.s32 v0, $0xC400;
	v5 =	vadd.s32 $0xFFFF3C00, v0  }
0x3b: {  	v7 =	vld [tilespmem:$0x60];
	vm13 =	vlt.s32 v1, $0xC400;
	v46 =	vadd.s32 $0xFFFF3C00, v1;
	v0 =	vsel vm0, v0, v5  }
0x3c: {  	v49 =	vld [tilespmem:$0x70];
	vm14 =	vlt.s32 v2, $0xC400;
	v48 =	vadd.s32 $0xFFFF3C00, v2;
	v47 =	vsel vm13, v1, v46;
	[tilespmem:$0x200] =	vst v0  }
0x3d: {  	v52 =	vld [tilespmem:$0x80];
	vm15 =	vlt.s32 v3, $0xC400;
	v51 =	vadd.s32 $0xFFFF3C00, v3;
	v50 =	vsel vm14, v2, v48;
	[tilespmem:$0x210] =	vst v47  }
0x3e: {  	v55 =	vld [tilespmem:$0x90];
	vm4 =	vlt.s32 v4, $0xC400;
	v54 =	vadd.s32 $0xFFFF3C00, v4;
	v53 =	vsel vm15, v3, v51;
	[tilespmem:$0x220] =	vst v50  }
0x3f: {  	v58 =	vld [tilespmem:$0xA0];
	vm5 =	vlt.s32 v6, $0xC400;
	v57 =	vadd.s32 $0xFFFF3C00, v6;
	v56 =	vsel vm4, v4, v54;
	[tilespmem:$0x230] =	vst v53  }
0x40: {  	v61 =	vld [tilespmem:$0xB0];
	vm6 =	vlt.s32 v7, $0xC400;
	v60 =	vadd.s32 $0xFFFF3C00, v7;
	v59 =	vsel vm5, v6, v57;
	[tilespmem:$0x240] =	vst v56  }
0x41: {  	v9 =	vld [tilespmem:$0xC0];
	vm7 =	vlt.s32 v49, $0xC400;
	v63 =	vadd.s32 $0xFFFF3C00, v49;
	v62 =	vsel vm6, v7, v60;
	[tilespmem:$0x250] =	vst v59  }
0x42: {  	v12 =	vld [tilespmem:$0xD0];
	vm8 =	vlt.s32 v52, $0xC400;
	v11 =	vadd.s32 $0xFFFF3C00, v52;
	v10 =	vsel vm7, v49, v63;
	[tilespmem:$0x260] =	vst v62  }
0x43: {  	v15 =	vld [tilespmem:$0xE0];
	vm9 =	vlt.s32 v55, $0xC400;
	v14 =	vadd.s32 $0xFFFF3C00, v55;
	v13 =	vsel vm8, v52, v11;
	[tilespmem:$0x270] =	vst v10  }
0x44: {  	v18 =	vld [tilespmem:$0xF0];
	vm10 =	vlt.s32 v58, $0xC400;
	v17 =	vadd.s32 $0xFFFF3C00, v58;
	v16 =	vsel vm9, v55, v14;
	[tilespmem:$0x280] =	vst v13  }
0x45: {  	v21 =	vld [tilespmem:$0x100];
	vm11 =	vlt.s32 v61, $0xC400;
	v20 =	vadd.s32 $0xFFFF3C00, v61;
	v19 =	vsel vm10, v58, v17;
	[tilespmem:$0x290] =	vst v16  }
0x46: {  	v24 =	vld [tilespmem:$0x110];
	vm12 =	vlt.s32 v9, $0xC400;
	v23 =	vadd.s32 $0xFFFF3C00, v9;
	v22 =	vsel vm11, v61, v20;
	[tilespmem:$0x2A0] =	vst v19  }
0x47: {  	v27 =	vld [tilespmem:$0x120];
	v26 =	vadd.s32 $0xFFFF3C00, v12;
	v25 =	vsel vm12, v9, v23;
	vm13 =	vlt.s32 v12, $0xC400;
	[tilespmem:$0x2B0] =	vst v22  }
0x48: {  	v30 =	vld [tilespmem:$0x130];
	v29 =	vadd.s32 $0xFFFF3C00, v15;
	vm14 =	vlt.s32 v15, $0xC400;
	[tilespmem:$0x2C0] =	vst v25;
	v28 =	vsel vm13, v12, v26  }
0x49: {  	v33 =	vld [tilespmem:$0x140];
	v32 =	vadd.s32 $0xFFFF3C00, v18;
	vm15 =	vlt.s32 v18, $0xC400;
	v31 =	vsel vm14, v15, v29;
	[tilespmem:$0x2D0] =	vst v28  }
0x4a: {  	v36 =	vld [tilespmem:$0x150];
	v35 =	vadd.s32 $0xFFFF3C00, v21;
	vm4 =	vlt.s32 v21, $0xC400;
	v34 =	vsel vm15, v18, v32;
	[tilespmem:$0x2E0] =	vst v31  }
0x4b: {  	v39 =	vld [tilespmem:$0x160];
	v38 =	vadd.s32 $0xFFFF3C00, v24;
	vm5 =	vlt.s32 v24, $0xC400;
	v37 =	vsel vm4, v21, v35;
	[tilespmem:$0x2F0] =	vst v34  }
0x4c: {  	v42 =	vld [tilespmem:$0x170];
	v41 =	vadd.s32 $0xFFFF3C00, v27;
	vm6 =	vlt.s32 v27, $0xC400;
	v40 =	vsel vm5, v24, v38;
	[tilespmem:$0x300] =	vst v37  }
0x4d: {  	v45 =	vld [tilespmem:$0x180];
	v44 =	vadd.s32 $0xFFFF3C00, v30;
	vm7 =	vlt.s32 v30, $0xC400;
	v43 =	vsel vm6, v27, v41;
	[tilespmem:$0x310] =	vst v40  }
0x4e: {  	vm8 =	vlt.s32 v33, $0xC400;
	v48 =	vld [tilespmem:$0x190];
	v46 =	vsel vm7, v30, v44;
	v47 =	vadd.s32 $0xFFFF3C00, v33;
	[tilespmem:$0x320] =	vst v43  }
0x4f: {  	vm9 =	vlt.s32 v36, $0xC400;
	v51 =	vld [tilespmem:$0x1A0];
	v50 =	vadd.s32 $0xFFFF3C00, v36;
	[tilespmem:$0x330] =	vst v46;
	v49 =	vsel vm8, v33, v47  }
0x50: {  	vm10 =	vlt.s32 v39, $0xC400;
	v54 =	vld [tilespmem:$0x1B0];
	v53 =	vadd.s32 $0xFFFF3C00, v39;
	v52 =	vsel vm9, v36, v50;
	[tilespmem:$0x340] =	vst v49  }
0x51: {  	vm11 =	vlt.s32 v42, $0xC400;
	v57 =	vld [tilespmem:$0x1C0];
	v56 =	vadd.s32 $0xFFFF3C00, v42;
	v55 =	vsel vm10, v39, v53;
	[tilespmem:$0x350] =	vst v52  }
0x52: {  	vm12 =	vlt.s32 v45, $0xC400;
	v60 =	vld [tilespmem:$0x1D0];
	v59 =	vadd.s32 $0xFFFF3C00, v45;
	v58 =	vsel vm11, v42, v56;
	[tilespmem:$0x360] =	vst v55  }
0x53: {  	v63 =	vld [tilespmem:$0x1E0];
	v61 =	vsel vm12, v45, v59;
	[tilespmem:$0x370] =	vst v58;
	vm13 =	vlt.s32 v48, $0xC400;
	v62 =	vadd.s32 $0xFFFF3C00, v48  }
0x54: {  	v10 =	vld [tilespmem:$0x1F0];
	[tilespmem:$0x380] =	vst v61;
	vm14 =	vlt.s32 v51, $0xC400;
	v9 =	vadd.s32 $0xFFFF3C00, v51;
	v8 =	vsel vm13, v48, v62  }
0x55: {  	vm15 =	vlt.s32 v54, $0xC400;
	v12 =	vadd.s32 $0xFFFF3C00, v54;
	v11 =	vsel vm14, v51, v9;
	[tilespmem:$0x390] =	vst v8  }
0x56: {  	vm4 =	vlt.s32 v57, $0xC400;
	v14 =	vadd.s32 $0xFFFF3C00, v57;
	v13 =	vsel vm15, v54, v12;
	[tilespmem:$0x3A0] =	vst v11  }
0x57: {  	vm5 =	vlt.s32 v60, $0xC400;
	v16 =	vadd.s32 $0xFFFF3C00, v60;
	v15 =	vsel vm4, v57, v14;
	[tilespmem:$0x3B0] =	vst v13  }
0x58: {  	vm6 =	vlt.s32 v63, $0xC400;
	v18 =	vadd.s32 $0xFFFF3C00, v63;
	v17 =	vsel vm5, v60, v16;
	[tilespmem:$0x3C0] =	vst v15  }
0x59: {  	v19 =	vsel vm6, v63, v18;
	vm7 =	vlt.s32 v10, $0xC400;
	v20 =	vadd.s32 $0xFFFF3C00, v10;
	[tilespmem:$0x3D0] =	vst v17  }
0x5a: {  	[tilespmem:$0x3E0] =	vst v19;
	v21 =	vsel vm7, v10, v20  }
0x5b: {  	[tilespmem:$0x3F0] =	vst v21  }
0x5c: {  	[tilespmem:s15], [sflag:$0x1] =	stream.indirect.gather [hbm4b:s5+s11], $0x80, s14, s11, $0xb8;
	[tilespmem:$0x10800] =	vst v63  }
0x5d: {  	_ = 	snop  }
0x5e: {  	[tilespmem:s17], [sflag:$0x1] =	stream.indirect.gather [hbm4b:s5+s11], $0x80, s16, s11, $0xb8;
	[tilespmem:$0x10800] =	vst v63  }
0x5f: {  	_ = 	snop  }
0x60: {  	[tilespmem:s19], [sflag:$0x1] =	stream.indirect.gather [hbm4b:s5+s11], $0x80, s18, s11, $0xb8;
	[tilespmem:$0x10800] =	vst v63  }
0x61: {  	_ = 	snop  }
0x62: {  	[tilespmem:s21], [sflag:$0x1] =	stream.indirect.gather [hbm4b:s5+s11], $0x80, s20, s11, $0xb8;
	[tilespmem:$0x10800] =	vst v63  }
0x63: {  	_ = 	snop  }
0x64: {  	[tilespmem:s22], [sflag:$0x1] =	stream.indirect.gather [hbm4b:s1+s11], $0x1, s4, s11, $0xb8;
	[tilespmem:$0x10800] =	vst v63  }
0x65: {  	_ = 	snop  }
0x66: {  	[tilespmem:s23], [sflag:$0x1] =	stream.indirect.gather [hbm4b:s1+s11], $0x1, s11, s11, $0xb8;
	[tilespmem:$0x10800] =	vst v63  }
0x67: {  	_ = 	snop  }
0x68: {  	[tilespmem:s24], [sflag:$0x1] =	stream.indirect.gather [hbm4b:s1+s11], $0x1, s12, s11, $0xb8;
	[tilespmem:$0x10800] =	vst v63  }
0x69: {  	_ = 	snop  }
0x6a: {  	[tilespmem:s25], [sflag:$0x1] =	stream.indirect.gather [hbm4b:s1+s11], $0x1, s13, s11, $0xb8;
	[tilespmem:$0x10800] =	vst v63  }
0x6b: {  	_ =	swait.ge [sflag:s26], $0x4000  }
0x6c: {  	[sflag:s26] =	ssyncset.done $0x0  }
0x6d: {  	s2 =	rddreg [dreg:$0xb];
	[sflag:s26] =	ssyncadd.s32 $0xFFFFC000  }
0x6e: {  	[hbm4b:s2+s4] =	stream.linear.scatter [tilespmem:s15], [sflag:$0x2], $0x4000, $0x38;
	[tilespmem:$0x10800] =	vst v63  }
0x6f: {  	_ =	swait.ge [sflag:s26], $0x4000  }
0x70: {  	[sflag:s26] =	ssyncset.done $0x0  }
0x71: {  	s2 =	rddreg [dreg:$0xc];
	[sflag:s26] =	ssyncadd.s32 $0xFFFFC000  }
0x72: {  	[hbm4b:s2+s4] =	stream.linear.scatter [tilespmem:s17], [sflag:$0x2], $0x4000, $0x38;
	[tilespmem:$0x10800] =	vst v63  }
0x73: {  	_ =	swait.ge [sflag:s26], $0x4000  }
0x74: {  	[sflag:s26] =	ssyncset.done $0x0  }
0x75: {  	s2 =	rddreg [dreg:$0xd];
	[sflag:s26] =	ssyncadd.s32 $0xFFFFC000  }
0x76: {  	[hbm4b:s2+s4] =	stream.linear.scatter [tilespmem:s19], [sflag:$0x2], $0x4000, $0x38;
	[tilespmem:$0x10800] =	vst v63  }
0x77: {  	_ =	swait.ge [sflag:s26], $0x4000  }
0x78: {  	[sflag:s26] =	ssyncset.done $0x0  }
0x79: {  	s2 =	rddreg [dreg:$0xe];
	[sflag:s26] =	ssyncadd.s32 $0xFFFFC000  }
0x7a: {  	[hbm4b:s2+s4] =	stream.linear.scatter [tilespmem:s21], [sflag:$0x2], $0x4000, $0x38;
	[tilespmem:$0x10800] =	vst v63  }
0x7b: {  	_ =	swait.ge [sflag:s26], $0x80  }
0x7c: {  	[sflag:s26] =	ssyncset.done $0x0  }
0x7d: {  	[sflag:s26] =	ssyncadd.s32 $0xFFFFFF80  }
0x7e: {  	_ =	swait.ge [sflag:s26], $0x80  }
0x7f: {  	[sflag:s26] =	ssyncset.done $0x0  }
0x80: {  	[sflag:s26] =	ssyncadd.s32 $0xFFFFFF80  }
0x81: {  	_ =	swait.ge [sflag:s26], $0x80  }
0x82: {  	[sflag:s26] =	ssyncset.done $0x0  }
0x83: {  	[sflag:s26] =	ssyncadd.s32 $0xFFFFFF80  }
0x84: {  	_ =	swait.ge [sflag:s26], $0x80  }
0x85: {  	[sflag:s26] =	ssyncset.done $0x0  }
0x86: {  	[sflag:s26] =	ssyncadd.s32 $0xFFFFFF80  }
0x87: {  	_ =	swait.ge [sflag:s28], $0x4000  }
0x88: {  	[sflag:s28] =	ssyncset.done $0x0  }
0x89: {  	[sflag:s28] =	ssyncadd.s32 $0xFFFFC000  }
0x8a: {  	_ =	swait.ge [sflag:s28], $0x4000  }
0x8b: {  	[sflag:s28] =	ssyncset.done $0x0  }
0x8c: {  	[sflag:s28] =	ssyncadd.s32 $0xFFFFC000  }
0x8d: {  	_ =	swait.ge [sflag:s28], $0x4000  }
0x8e: {  	[sflag:s28] =	ssyncset.done $0x0  }
0x8f: {  	[sflag:s28] =	ssyncadd.s32 $0xFFFFC000  }
0x90: {  	_ =	swait.ge [sflag:s28], $0x4000  }
0x91: {  	[sflag:s28] =	ssyncset.done $0x0  }
0x92: {  	s2 =	rddreg [dreg:$0xf];
	[sflag:s28] =	ssyncadd.s32 $0xFFFFC000  }
0x93: {  	[tilespmem:s4], [sflag:$0x3] =	stream.linear.gather [hbm4b:s2+s4], $0x80, $0x38;
	[tilespmem:$0x10800] =	vst v63  }
0x94: {  	_ =	swait.ge [sflag:s10], $0x80  }
0x95: {  	[sflag:s10] =	ssyncset.done $0x0  }
0x96: {  	s2 =	rddreg [dreg:$0x10];
	[sflag:s10] =	ssyncadd.s32 $0xFFFFFF80  }
0x97: {  	[tilespmem:s11], [sflag:$0x3] =	stream.linear.gather [hbm4b:s2+s4], $0x80, $0x38;
	[tilespmem:$0x10800] =	vst v63  }
0x98: {  	_ =	swait.ge [sflag:s10], $0x80  }
0x99: {  	[sflag:s10] =	ssyncset.done $0x0  }
0x9a: {  	s2 =	rddreg [dreg:$0x11];
	[sflag:s10] =	ssyncadd.s32 $0xFFFFFF80  }
0x9b: {  	[tilespmem:s12], [sflag:$0x3] =	stream.linear.gather [hbm4b:s2+s4], $0x80, $0x38;
	[tilespmem:$0x10800] =	vst v63  }
0x9c: {  	_ =	swait.ge [sflag:s10], $0x80  }
0x9d: {  	[sflag:s10] =	ssyncset.done $0x0  }
0x9e: {  	s2 =	rddreg [dreg:$0x12];
	[sflag:s10] =	ssyncadd.s32 $0xFFFFFF80  }
0x9f: {  	[tilespmem:s13], [sflag:$0x3] =	stream.linear.gather [hbm4b:s2+s4], $0x80, $0x38;
	[tilespmem:$0x10800] =	vst v63  }
0xa0: {  	_ =	swait.ge [sflag:s10], $0x80  }
0xa1: {  	[sflag:s10] =	ssyncset.done $0x0  }
0xa2: {  	[sflag:s10] =	ssyncadd.s32 $0xFFFFFF80  }
0xa3: {  	v22 =	vld [tilespmem:$0x0]  }
0xa4: {  	v23 =	vld [tilespmem:$0x10]  }
0xa5: {  	v24 =	vld [tilespmem:$0x20]  }
0xa6: {  	v25 =	vld [tilespmem:$0x30]  }
0xa7: {  	v26 =	vld [tilespmem:$0x40]  }
0xa8: {  	v28 =	vld [tilespmem:$0x50];
	vm8 =	vlt.s32 v22, $0xC400;
	v27 =	vadd.s32 $0xFFFF3C00, v22  }
0xa9: {  	v30 =	vld [tilespmem:$0x60];
	vm9 =	vlt.s32 v23, $0xC400;
	v29 =	vadd.s32 $0xFFFF3C00, v23;
	v0 =	vsel vm8, v22, v27  }
0xaa: {  	v33 =	vld [tilespmem:$0x70];
	vm10 =	vlt.s32 v24, $0xC400;
	v32 =	vadd.s32 $0xFFFF3C00, v24;
	v31 =	vsel vm9, v23, v29;
	[tilespmem:$0x200] =	vst v0  }
0xab: {  	v36 =	vld [tilespmem:$0x80];
	vm11 =	vlt.s32 v25, $0xC400;
	v35 =	vadd.s32 $0xFFFF3C00, v25;
	v34 =	vsel vm10, v24, v32;
	[tilespmem:$0x210] =	vst v31  }
0xac: {  	v39 =	vld [tilespmem:$0x90];
	vm12 =	vlt.s32 v26, $0xC400;
	v38 =	vadd.s32 $0xFFFF3C00, v26;
	v37 =	vsel vm11, v25, v35;
	[tilespmem:$0x220] =	vst v34  }
0xad: {  	v42 =	vld [tilespmem:$0xA0];
	vm13 =	vlt.s32 v28, $0xC400;
	v41 =	vadd.s32 $0xFFFF3C00, v28;
	v40 =	vsel vm12, v26, v38;
	[tilespmem:$0x230] =	vst v37  }
0xae: {  	v45 =	vld [tilespmem:$0xB0];
	vm14 =	vlt.s32 v30, $0xC400;
	v44 =	vadd.s32 $0xFFFF3C00, v30;
	v43 =	vsel vm13, v28, v41;
	[tilespmem:$0x240] =	vst v40  }
0xaf: {  	v48 =	vld [tilespmem:$0xC0];
	vm15 =	vlt.s32 v33, $0xC400;
	v47 =	vadd.s32 $0xFFFF3C00, v33;
	v46 =	vsel vm14, v30, v44;
	[tilespmem:$0x250] =	vst v43  }
0xb0: {  	v51 =	vld [tilespmem:$0xD0];
	vm4 =	vlt.s32 v36, $0xC400;
	v50 =	vadd.s32 $0xFFFF3C00, v36;
	v49 =	vsel vm15, v33, v47;
	[tilespmem:$0x260] =	vst v46  }
0xb1: {  	v54 =	vld [tilespmem:$0xE0];
	vm5 =	vlt.s32 v39, $0xC400;
	v53 =	vadd.s32 $0xFFFF3C00, v39;
	v52 =	vsel vm4, v36, v50;
	[tilespmem:$0x270] =	vst v49  }
0xb2: {  	v57 =	vld [tilespmem:$0xF0];
	vm6 =	vlt.s32 v42, $0xC400;
	v56 =	vadd.s32 $0xFFFF3C00, v42;
	v55 =	vsel vm5, v39, v53;
	[tilespmem:$0x280] =	vst v52  }
0xb3: {  	v60 =	vld [tilespmem:$0x100];
	vm7 =	vlt.s32 v45, $0xC400;
	v59 =	vadd.s32 $0xFFFF3C00, v45;
	v58 =	vsel vm6, v42, v56;
	[tilespmem:$0x290] =	vst v55  }
0xb4: {  	v63 =	vld [tilespmem:$0x110];
	v62 =	vadd.s32 $0xFFFF3C00, v48;
	v61 =	vsel vm7, v45, v59;
	vm8 =	vlt.s32 v48, $0xC400;
	[tilespmem:$0x2A0] =	vst v58  }
0xb5: {  	v11 =	vld [tilespmem:$0x120];
	v10 =	vadd.s32 $0xFFFF3C00, v51;
	vm9 =	vlt.s32 v51, $0xC400;
	[tilespmem:$0x2B0] =	vst v61;
	v9 =	vsel vm8, v48, v62  }
0xb6: {  	v14 =	vld [tilespmem:$0x130];
	v13 =	vadd.s32 $0xFFFF3C00, v54;
	vm10 =	vlt.s32 v54, $0xC400;
	v12 =	vsel vm9, v51, v10;
	[tilespmem:$0x2C0] =	vst v9  }
0xb7: {  	v17 =	vld [tilespmem:$0x140];
	v16 =	vadd.s32 $0xFFFF3C00, v57;
	vm11 =	vlt.s32 v57, $0xC400;
	v15 =	vsel vm10, v54, v13;
	[tilespmem:$0x2D0] =	vst v12  }
0xb8: {  	v20 =	vld [tilespmem:$0x150];
	v19 =	vadd.s32 $0xFFFF3C00, v60;
	vm12 =	vlt.s32 v60, $0xC400;
	v18 =	vsel vm11, v57, v16;
	[tilespmem:$0x2E0] =	vst v15  }
0xb9: {  	vm13 =	vlt.s32 v63, $0xC400;
	v22 =	vadd.s32 $0xFFFF3C00, v63;
	v23 =	vld [tilespmem:$0x160];
	v21 =	vsel vm12, v60, v19;
	[tilespmem:$0x2F0] =	vst v18  }
0xba: {  	vm14 =	vlt.s32 v11, $0xC400;
	v25 =	vadd.s32 $0xFFFF3C00, v11;
	v26 =	vld [tilespmem:$0x170];
	v24 =	vsel vm13, v63, v22;
	[tilespmem:$0x300] =	vst v21  }
0xbb: {  	vm15 =	vlt.s32 v14, $0xC400;
	v28 =	vadd.s32 $0xFFFF3C00, v14;
	v29 =	vld [tilespmem:$0x180];
	v27 =	vsel vm14, v11, v25;
	[tilespmem:$0x310] =	vst v24  }
0xbc: {  	vm4 =	vlt.s32 v17, $0xC400;
	v32 =	vld [tilespmem:$0x190];
	v30 =	vsel vm15, v14, v28;
	v31 =	vadd.s32 $0xFFFF3C00, v17;
	[tilespmem:$0x320] =	vst v27  }
0xbd: {  	vm5 =	vlt.s32 v20, $0xC400;
	v35 =	vld [tilespmem:$0x1A0];
	v34 =	vadd.s32 $0xFFFF3C00, v20;
	[tilespmem:$0x330] =	vst v30;
	v33 =	vsel vm4, v17, v31  }
0xbe: {  	v38 =	vld [tilespmem:$0x1B0];
	v36 =	vsel vm5, v20, v34;
	[tilespmem:$0x340] =	vst v33;
	vm6 =	vlt.s32 v23, $0xC400;
	v37 =	vadd.s32 $0xFFFF3C00, v23  }
0xbf: {  	v41 =	vld [tilespmem:$0x1C0];
	[tilespmem:$0x350] =	vst v36;
	vm7 =	vlt.s32 v26, $0xC400;
	v40 =	vadd.s32 $0xFFFF3C00, v26;
	v39 =	vsel vm6, v23, v37  }
0xc0: {  	v44 =	vld [tilespmem:$0x1D0];
	vm8 =	vlt.s32 v29, $0xC400;
	v43 =	vadd.s32 $0xFFFF3C00, v29;
	v42 =	vsel vm7, v26, v40;
	[tilespmem:$0x360] =	vst v39  }
0xc1: {  	v47 =	vld [tilespmem:$0x1E0];
	vm9 =	vlt.s32 v32, $0xC400;
	v46 =	vadd.s32 $0xFFFF3C00, v32;
	v45 =	vsel vm8, v29, v43;
	[tilespmem:$0x370] =	vst v42  }
0xc2: {  	v50 =	vld [tilespmem:$0x1F0];
	vm10 =	vlt.s32 v35, $0xC400;
	v49 =	vadd.s32 $0xFFFF3C00, v35;
	v48 =	vsel vm9, v32, v46;
	[tilespmem:$0x380] =	vst v45  }
0xc3: {  	vm11 =	vlt.s32 v38, $0xC400;
	v52 =	vadd.s32 $0xFFFF3C00, v38;
	v51 =	vsel vm10, v35, v49;
	[tilespmem:$0x390] =	vst v48  }
0xc4: {  	vm12 =	vlt.s32 v41, $0xC400;
	v54 =	vadd.s32 $0xFFFF3C00, v41;
	v53 =	vsel vm11, v38, v52;
	[tilespmem:$0x3A0] =	vst v51  }
0xc5: {  	vm13 =	vlt.s32 v44, $0xC400;
	v56 =	vadd.s32 $0xFFFF3C00, v44;
	v55 =	vsel vm12, v41, v54;
	[tilespmem:$0x3B0] =	vst v53  }
0xc6: {  	vm14 =	vlt.s32 v47, $0xC400;
	v58 =	vadd.s32 $0xFFFF3C00, v47;
	v57 =	vsel vm13, v44, v56;
	[tilespmem:$0x3C0] =	vst v55  }
0xc7: {  	vm15 =	vlt.s32 v50, $0xC400;
	v60 =	vadd.s32 $0xFFFF3C00, v50;
	v59 =	vsel vm14, v47, v58;
	[tilespmem:$0x3D0] =	vst v57  }
0xc8: {  	v61 =	vsel vm15, v50, v60;
	[tilespmem:$0x3E0] =	vst v59  }
0xc9: {  	[tilespmem:$0x3F0] =	vst v61  }
0xca: {  	[tilespmem:s15], [sflag:$0x1] =	stream.indirect.gather [hbm4b:s6+s11], $0x80, s14, s11, $0xb8;
	[tilespmem:$0x10800] =	vst v63  }
0xcb: {  	_ = 	snop  }
0xcc: {  	[tilespmem:s17], [sflag:$0x1] =	stream.indirect.gather [hbm4b:s6+s11], $0x80, s16, s11, $0xb8;
	[tilespmem:$0x10800] =	vst v63  }
0xcd: {  	_ = 	snop  }
0xce: {  	[tilespmem:s19], [sflag:$0x1] =	stream.indirect.gather [hbm4b:s6+s11], $0x80, s18, s11, $0xb8;
	[tilespmem:$0x10800] =	vst v63  }
0xcf: {  	_ = 	snop  }
0xd0: {  	[tilespmem:s21], [sflag:$0x1] =	stream.indirect.gather [hbm4b:s6+s11], $0x80, s20, s11, $0xb8;
	[tilespmem:$0x10800] =	vst v63  }
0xd1: {  	_ = 	snop  }
0xd2: {  	[tilespmem:s29], [sflag:$0x1] =	stream.indirect.gather [hbm4b:s3+s11], $0x1, s4, s11, $0xb8;
	[tilespmem:$0x10800] =	vst v63  }
0xd3: {  	_ = 	snop  }
0xd4: {  	[tilespmem:s30], [sflag:$0x1] =	stream.indirect.gather [hbm4b:s3+s11], $0x1, s11, s11, $0xb8;
	[tilespmem:$0x10800] =	vst v63  }
0xd5: {  	_ = 	snop  }
0xd6: {  	[tilespmem:s31], [sflag:$0x1] =	stream.indirect.gather [hbm4b:s3+s11], $0x1, s12, s11, $0xb8;
	[tilespmem:$0x10800] =	vst v63  }
0xd7: {  	_ = 	snop  }
0xd8: {  	[tilespmem:s0], [sflag:$0x1] =	stream.indirect.gather [hbm4b:s3+s11], $0x1, s13, s11, $0xb8;
	[tilespmem:$0x10800] =	vst v63  }
0xd9: {  	_ =	swait.ge [sflag:s26], $0x4000  }
0xda: {  	[sflag:s26] =	ssyncset.done $0x0  }
0xdb: {  	s2 =	rddreg [dreg:$0x13];
	[sflag:s26] =	ssyncadd.s32 $0xFFFFC000  }
0xdc: {  	[hbm4b:s2+s4] =	stream.linear.scatter [tilespmem:s15], [sflag:$0x2], $0x4000, $0x38;
	[tilespmem:$0x10800] =	vst v63  }
0xdd: {  	_ =	swait.ge [sflag:s26], $0x4000  }
0xde: {  	[sflag:s26] =	ssyncset.done $0x0  }
0xdf: {  	s2 =	rddreg [dreg:$0x14];
	[sflag:s26] =	ssyncadd.s32 $0xFFFFC000  }
0xe0: {  	[hbm4b:s2+s4] =	stream.linear.scatter [tilespmem:s17], [sflag:$0x2], $0x4000, $0x38;
	[tilespmem:$0x10800] =	vst v63  }
0xe1: {  	_ =	swait.ge [sflag:s26], $0x4000  }
0xe2: {  	[sflag:s26] =	ssyncset.done $0x0  }
0xe3: {  	s2 =	rddreg [dreg:$0x15];
	[sflag:s26] =	ssyncadd.s32 $0xFFFFC000  }
0xe4: {  	[hbm4b:s2+s4] =	stream.linear.scatter [tilespmem:s19], [sflag:$0x2], $0x4000, $0x38;
	[tilespmem:$0x10800] =	vst v63  }
0xe5: {  	_ =	swait.ge [sflag:s26], $0x4000  }
0xe6: {  	[sflag:s26] =	ssyncset.done $0x0  }
0xe7: {  	s2 =	rddreg [dreg:$0x16];
	[sflag:s26] =	ssyncadd.s32 $0xFFFFC000  }
0xe8: {  	[hbm4b:s2+s4] =	stream.linear.scatter [tilespmem:s21], [sflag:$0x2], $0x4000, $0x38;
	[tilespmem:$0x10800] =	vst v63  }
0xe9: {  	_ =	swait.ge [sflag:s26], $0x80  }
0xea: {  	[sflag:s26] =	ssyncset.done $0x0  }
0xeb: {  	[sflag:s26] =	ssyncadd.s32 $0xFFFFFF80  }
0xec: {  	_ =	swait.ge [sflag:s26], $0x80  }
0xed: {  	[sflag:s26] =	ssyncset.done $0x0  }
0xee: {  	[sflag:s26] =	ssyncadd.s32 $0xFFFFFF80  }
0xef: {  	_ =	swait.ge [sflag:s26], $0x80  }
0xf0: {  	[sflag:s26] =	ssyncset.done $0x0  }
0xf1: {  	[sflag:s26] =	ssyncadd.s32 $0xFFFFFF80  }
0xf2: {  	_ =	swait.ge [sflag:s26], $0x80  }
0xf3: {  	[sflag:s26] =	ssyncset.done $0x0  }
0xf4: {  	[sflag:s26] =	ssyncadd.s32 $0xFFFFFF80  }
0xf5: {  	_ =	swait.ge [sflag:s28], $0x4000  }
0xf6: {  	[sflag:s28] =	ssyncset.done $0x0  }
0xf7: {  	[sflag:s28] =	ssyncadd.s32 $0xFFFFC000  }
0xf8: {  	_ =	swait.ge [sflag:s28], $0x4000  }
0xf9: {  	[sflag:s28] =	ssyncset.done $0x0  }
0xfa: {  	[sflag:s28] =	ssyncadd.s32 $0xFFFFC000  }
0xfb: {  	_ =	swait.ge [sflag:s28], $0x4000  }
0xfc: {  	[sflag:s28] =	ssyncset.done $0x0  }
0xfd: {  	[sflag:s28] =	ssyncadd.s32 $0xFFFFC000  }
0xfe: {  	_ =	swait.ge [sflag:s28], $0x4000  }
0xff: {  	[sflag:s28] =	ssyncset.done $0x0  }
0x100: {  	[sflag:s28] =	ssyncadd.s32 $0xFFFFC000  }
0x101: {  	v62 =	vld [tilespmem:$0x10400]  }
0x102: {  	v63 =	vld [tilespmem:$0x10600]  }
0x103: {  	v40 =	vld [tilespmem:$0x10410]  }
0x104: {  	v41 =	vld [tilespmem:$0x10610]  }
0x105: {  	v42 =	vld [tilespmem:$0x10420]  }
0x106: {  	v43 =	vld [tilespmem:$0x10620]  }
0x107: {  	v44 =	vld [tilespmem:$0x10430]  }
0x108: {  	v45 =	vld [tilespmem:$0x10630]  }
0x109: {  	v8 =	vld [tilespmem:$0x10440]  }
0x10a: {  	v9 =	vld [tilespmem:$0x10640]  }
0x10b: {  	v10 =	vld [tilespmem:$0x10450]  }
0x10c: {  	v11 =	vld [tilespmem:$0x10650]  }
0x10d: {  	v12 =	vld [tilespmem:$0x10460]  }
0x10e: {  	v13 =	vld [tilespmem:$0x10660]  }
0x10f: {  	v14 =	vld [tilespmem:$0x10470]  }
0x110: {  	v15 =	vld [tilespmem:$0x10670]  }
0x111: {  	v16 =	vld [tilespmem:$0x10480]  }
0x112: {  	v17 =	vld [tilespmem:$0x10680]  }
0x113: {  	v18 =	vld [tilespmem:$0x10490]  }
0x114: {  	v19 =	vld [tilespmem:$0x10690]  }
0x115: {  	v20 =	vld [tilespmem:$0x104A0]  }
0x116: {  	v21 =	vld [tilespmem:$0x106A0]  }
0x117: {  	v22 =	vld [tilespmem:$0x104B0]  }
0x118: {  	v23 =	vld [tilespmem:$0x106B0]  }
0x119: {  	v24 =	vld [tilespmem:$0x104C0]  }
0x11a: {  	v25 =	vld [tilespmem:$0x106C0]  }
0x11b: {  	v26 =	vld [tilespmem:$0x104D0]  }
0x11c: {  	v27 =	vld [tilespmem:$0x106D0]  }
0x11d: {  	v28 =	vld [tilespmem:$0x104E0]  }
0x11e: {  	v29 =	vld [tilespmem:$0x106E0]  }
0x11f: {  	v30 =	vld [tilespmem:$0x104F0]  }
0x120: {  	v31 =	vld [tilespmem:$0x106F0]  }
0x121: {  	v32 =	vld [tilespmem:$0x10500]  }
0x122: {  	v33 =	vld [tilespmem:$0x10700]  }
0x123: {  	v34 =	vld [tilespmem:$0x10510]  }
0x124: {  	v35 =	vld [tilespmem:$0x10710]  }
0x125: {  	v36 =	vld [tilespmem:$0x10520]  }
0x126: {  	v46 =	vld [tilespmem:$0x10720];
	v0 =	vadd.f32 v63, v62  }
0x127: {  	v47 =	vld [tilespmem:$0x10530];
	v2 =	vadd.f32 v41, v40  }
0x128: {  	v49 =	vld [tilespmem:$0x10730];
	v48 =	vadd.f32 v43, v42;
	[tilespmem:$0x10400] =	vst v0  }
0x129: {  	v51 =	vld [tilespmem:$0x10540];
	v50 =	vadd.f32 v45, v44;
	[tilespmem:$0x10410] =	vst v2  }
0x12a: {  	v53 =	vld [tilespmem:$0x10740];
	v52 =	vadd.f32 v9, v8;
	[tilespmem:$0x10420] =	vst v48  }
0x12b: {  	v55 =	vld [tilespmem:$0x10550];
	v54 =	vadd.f32 v11, v10;
	[tilespmem:$0x10430] =	vst v50  }
0x12c: {  	v57 =	vld [tilespmem:$0x10750];
	v56 =	vadd.f32 v13, v12;
	[tilespmem:$0x10440] =	vst v52  }
0x12d: {  	v59 =	vld [tilespmem:$0x10560];
	v58 =	vadd.f32 v15, v14;
	[tilespmem:$0x10450] =	vst v54  }
0x12e: {  	v61 =	vld [tilespmem:$0x10760];
	v60 =	vadd.f32 v17, v16;
	[tilespmem:$0x10460] =	vst v56  }
0x12f: {  	v37 =	vld [tilespmem:$0x105A0];
	v62 =	vadd.f32 v19, v18;
	[tilespmem:$0x10470] =	vst v58  }
0x130: {  	v39 =	vld [tilespmem:$0x107A0];
	v20 =	vadd.f32 v21, v20;
	[tilespmem:$0x10480] =	vst v60  }
0x131: {  	v63 =	vld [tilespmem:$0x10570];
	v22 =	vadd.f32 v23, v22;
	[tilespmem:$0x10490] =	vst v62  }
0x132: {  	v21 =	vld [tilespmem:$0x10770];
	v24 =	vadd.f32 v25, v24;
	[tilespmem:$0x104A0] =	vst v20  }
0x133: {  	v23 =	vld [tilespmem:$0x10580];
	v26 =	vadd.f32 v27, v26;
	[tilespmem:$0x104B0] =	vst v22  }
0x134: {  	v25 =	vld [tilespmem:$0x10780];
	v28 =	vadd.f32 v29, v28;
	[tilespmem:$0x104C0] =	vst v24  }
0x135: {  	v27 =	vld [tilespmem:$0x10590];
	v31 =	vadd.f32 v31, v30;
	[tilespmem:$0x104D0] =	vst v26  }
0x136: {  	v29 =	vld [tilespmem:$0x10790];
	v38 =	vadd.f32 v33, v32;
	[tilespmem:$0x104E0] =	vst v28  }
0x137: {  	v40 =	vadd.f32 v35, v34;
	v41 =	vld [tilespmem:$0x105B0];
	[tilespmem:$0x104F0] =	vst v31  }
0x138: {  	v42 =	vadd.f32 v46, v36;
	v43 =	vld [tilespmem:$0x107B0];
	[tilespmem:$0x10500] =	vst v38  }
0x139: {  	v44 =	vadd.f32 v49, v47;
	v45 =	vld [tilespmem:$0x105C0];
	[tilespmem:$0x10510] =	vst v40  }
0x13a: {  	v46 =	vadd.f32 v53, v51;
	v47 =	vld [tilespmem:$0x107C0];
	[tilespmem:$0x10520] =	vst v42  }
0x13b: {  	v49 =	vld [tilespmem:$0x105D0];
	[tilespmem:$0x10530] =	vst v44;
	v48 =	vadd.f32 v57, v55  }
0x13c: {  	v51 =	vld [tilespmem:$0x107D0];
	[tilespmem:$0x10540] =	vst v46;
	v50 =	vadd.f32 v61, v59  }
0x13d: {  	v53 =	vld [tilespmem:$0x105E0];
	v58 =	vadd.f32 v39, v37;
	[tilespmem:$0x10550] =	vst v48  }
0x13e: {  	v55 =	vld [tilespmem:$0x107E0];
	[tilespmem:$0x10560] =	vst v50;
	v52 =	vadd.f32 v21, v63  }
0x13f: {  	v57 =	vld [tilespmem:$0x105F0];
	[tilespmem:$0x105A0] =	vst v58;
	v54 =	vadd.f32 v25, v23  }
0x140: {  	v59 =	vld [tilespmem:$0x107F0];
	v56 =	vadd.f32 v29, v27;
	[tilespmem:$0x10570] =	vst v52  }
0x141: {  	v1 =	vadd.f32 v43, v41;
	[tilespmem:$0x10580] =	vst v54  }
0x142: {  	v60 =	vadd.f32 v47, v45;
	[tilespmem:$0x10590] =	vst v56  }
0x143: {  	v61 =	vadd.f32 v51, v49;
	[tilespmem:$0x105B0] =	vst v1  }
0x144: {  	[tilespmem:$0x105C0] =	vst v60;
	v62 =	vadd.f32 v55, v53  }
0x145: {  	[tilespmem:$0x105D0] =	vst v61;
	v63 =	vadd.f32 v59, v57  }
0x146: {  	[tilespmem:$0x105E0] =	vst v62  }
0x147: {  	s2 =	rddreg [dreg:$0x17];
	[tilespmem:$0x105F0] =	vst v63  }
0x148: {  	[hbm4b:s2+s4] =	stream.linear.scatter [tilespmem:s29], [sflag:$0x3], $0x80, $0x38;
	[tilespmem:$0x10800] =	vst v63  }
0x149: {  	_ =	swait.ge [sflag:s10], $0x80  }
0x14a: {  	[sflag:s10] =	ssyncset.done $0x0  }
0x14b: {  	s2 =	rddreg [dreg:$0x18];
	[sflag:s10] =	ssyncadd.s32 $0xFFFFFF80  }
0x14c: {  	[hbm4b:s2+s4] =	stream.linear.scatter [tilespmem:s30], [sflag:$0x3], $0x80, $0x38;
	[tilespmem:$0x10800] =	vst v63  }
0x14d: {  	_ =	swait.ge [sflag:s10], $0x80  }
0x14e: {  	[sflag:s10] =	ssyncset.done $0x0  }
0x14f: {  	[sflag:s10] =	ssyncadd.s32 $0xFFFFFF80  }
0x150: {  	[hbm4b:s7+s4] =	stream.linear.scatter [tilespmem:s31], [sflag:$0x3], $0x80, $0x38;
	[tilespmem:$0x10800] =	vst v63  }
0x151: {  	_ =	swait.ge [sflag:s10], $0x80  }
0x152: {  	p0 =	sne.s32 s9, $0x1;
	[sflag:s10] =	ssyncset.done $0x0  }
.Ltmp0:
0x153: {  	[sflag:s10] =	ssyncadd.s32 $0xFFFFFF80;
	(pc) =	sbr.rel @p0 .LBB2_1-.Ltmp0, $4  }
0x154: {  	[hbm4b:s8+s4] =	stream.linear.scatter [tilespmem:s0], [sflag:$0x3], $0x80, $0x38;
	[tilespmem:$0x10800] =	vst v63  }
0x155: {  	_ =	swait.ge [sflag:s10], $0x80  }
0x156: {  	[sflag:s10] =	ssyncset.done $0x0  }
0x157: {  	s9 =	sadd.s32 $0xFFFFFFFF, s9;
	[sflag:s10] =	ssyncadd.s32 $0xFFFFFF80  }
0x158: {  	_ =	sfence.sel $0x180000  }
0x159: {  	[bflag:$0x0] =	sbarrier.arrive $0xFFFF  }
0x15a: {  	_ =	strace $0x90000047  }
0x15b: {  	s0 =	stileid.u32;
	[bflag:$0x2] =	sbarrier.arrive $0xFFFF  }
0x15c: {  	p0 =	sne.s32 s0, $0x0;
	s0 =	rddreg [dreg:$0x6]  }
0x15d: {  	s0 =	sadd.s32 @!p0 $0x100000, s0  }
0x15e: {  	[sflag:s0] =	ssyncadd.tile.s32 @!p0 $0x1;
	_ =	shalt  }
.Lfunc_end2:
_tile_overlayer_lowered:
.L_overlay_start_2:
0x15f: {  	(tag) =	ssettag $0x2  }
0x160: {  	s0 =	rddreg [dreg:$0x0];
	s2 =	stileid.u32  }
0x161: {  	s1 =	rddreg [dreg:$0x1];
	p0 =	sne.s32 s2, $0x0  }
0x162: {  	s3 =	rddreg [dreg:$0x2];
	[bflag:$0x3] =	sbarrier.arrive $0xFFFF;
	s2 =	simm.s32 @!p0 $0x1C03  }
0x163: {  	[timem:s3], [sflag:s2] =	dma.local @!p0 [hbm:s0], s1  }
0x164: {  	s0 =	simm.s32 @!p0 $0x3  }
0x165: {  	_ =	swait.ge @!p0 [sflag:s0], s1  }
0x166: {  	s1 =	ssub.s32 @!p0 $0x0, s1;
	[sflag:s0] =	ssyncset.done @!p0 $0x0  }
0x167: {  	[sflag:s0] =	ssyncadd.s32 @!p0 s1  }
0x168: {  	[bflag:$0x3] =	sbarrier.arrive $0xFFFF  }
0x169: {  	_ =	shalt  }

</sc_bundles>
